<compile_context>
chip_gen: v7x
topology: tpu7x:2x2x1
jax: 0.10.2.dev20260603
libtpu: 0.0.44.dev20260713+nightly
codegen_flags: <defaults>
</compile_context>

<pallas_src>
import functools
import jax
import jax.numpy as jnp
from jax import lax
from jax.experimental import pallas as pl
from jax.experimental.pallas import tpu as pltpu
from jax.experimental.pallas import tpu_sc as plsc

HID = 128
LAT = 16
NRBF = 16
CUT = 10.0
NL = 3
NN = 10000
ME = 1 << 20
NP = 10240
NBK = 256
EBK = 1024
NWRK = 32
EPW = ME // NWRK
CH = 128
TPR = NP // 16


def _sc_mesh():
    return plsc.VectorSubcoreMesh(core_axis_name="c", subcore_axis_name="s")


def _gather2(A, B, e_src, e_dst):

    @functools.partial(
        pl.kernel, mesh=_sc_mesh(),
        out_type=[
            jax.ShapeDtypeStruct((ME, HID), jnp.float32),
            jax.ShapeDtypeStruct((ME, HID), jnp.float32),
        ],
        scratch_types=[
            pltpu.VMEM((CH,), jnp.int32),
            pltpu.VMEM((CH,), jnp.int32),
            pltpu.VMEM((CH, HID), jnp.float32),
            pltpu.VMEM((CH, HID), jnp.float32),
            pltpu.SemaphoreType.DMA,
            pltpu.SemaphoreType.DMA,
        ],
    )
    def k(A_hbm, B_hbm, es_hbm, ed_hbm, oa_hbm, ob_hbm, si, di, av, bv, s1, s2):
        wid = lax.axis_index("s") * 2 + lax.axis_index("c")
        base = wid * EPW

        def body(j, carry):
            off = base + j * CH
            pltpu.sync_copy(es_hbm.at[pl.ds(off, CH)], si)
            pltpu.sync_copy(ed_hbm.at[pl.ds(off, CH)], di)
            ca = pltpu.async_copy(A_hbm.at[si], av, s1)
            cb = pltpu.async_copy(B_hbm.at[di], bv, s2)
            ca.wait()
            cb.wait()
            pltpu.sync_copy(av, oa_hbm.at[pl.ds(off, CH)])
            pltpu.sync_copy(bv, ob_hbm.at[pl.ds(off, CH)])
            return carry

        lax.fori_loop(0, EPW // CH, body, 0)

    return k(A, B, e_src, e_dst)


def _scatter_add(m, e_dst, zeros_np):

    @functools.partial(
        pl.kernel, mesh=_sc_mesh(),
        out_type=jax.ShapeDtypeStruct((2, NP, HID), jnp.float32),
        scratch_types=[
            pltpu.VMEM((CH,), jnp.int32),
            pltpu.VMEM((CH, HID), jnp.float32),
            pltpu.VMEM_SHARED((NP, HID), jnp.float32),
        ],
    )
    def k(m_hbm, ed_hbm, z_hbm, out_hbm, idxv, rows, agg_sh):
        cid = lax.axis_index("c")
        sid = lax.axis_index("s")
        wid = sid * 2 + cid

        pltpu.sync_copy(z_hbm.at[pl.ds(sid * TPR, TPR)],
                        agg_sh.at[pl.ds(sid * TPR, TPR)])
        plsc.subcore_barrier()

        def body(j, carry):
            off = wid * EPW + j * CH
            pltpu.sync_copy(ed_hbm.at[pl.ds(off, CH)], idxv)
            pltpu.sync_copy(m_hbm.at[pl.ds(off, CH)], rows)
            pltpu.sync_copy(rows, agg_sh.at[idxv], add=True)
            return carry

        lax.fori_loop(0, EPW // CH, body, 0)
        plsc.subcore_barrier()

        pltpu.sync_copy(agg_sh.at[pl.ds(sid * TPR, TPR)],
                        out_hbm.at[cid, pl.ds(sid * TPR, TPR)])

    return k(m, e_dst, zeros_np)


def _embed_body(t_ref, ff_ref, Wi_ref, bi_ref, Wf_ref, bf_ref, o_ref):
    t = t_ref[...]
    oh = (t == jax.lax.broadcasted_iota(jnp.int32, (t.shape[0], 4), 1)
          ).astype(jnp.float32)
    h = jnp.dot(oh, Wi_ref[...], preferred_element_type=jnp.float32) + bi_ref[...]
    f = ff_ref[...]
    diag = jnp.concatenate([f[:, 0:1], f[:, 4:5], f[:, 8:9]], axis=-1)
    frob = jnp.sqrt(jnp.sum(f * f, axis=-1, keepdims=True))
    trace = jnp.sum(diag, axis=-1, keepdims=True)
    det = (f[:, 0] * (f[:, 4] * f[:, 8] - f[:, 5] * f[:, 7])
           - f[:, 1] * (f[:, 3] * f[:, 8] - f[:, 5] * f[:, 6])
           + f[:, 2] * (f[:, 3] * f[:, 7] - f[:, 4] * f[:, 6]))[:, None]
    feats = jnp.concatenate([diag, frob, trace, det], axis=-1)
    o_ref[...] = h + jnp.dot(feats, Wf_ref[...],
                             preferred_element_type=jnp.float32) + bf_ref[...]


def _embed(types_pad, frames_pad, W_in, b_in, W_fr, b_fr):
    grid = (NP // NBK,)
    return pl.pallas_call(
        _embed_body,
        grid=grid,
        in_specs=[
            pl.BlockSpec((NBK, 1), lambda i: (i, 0)),
            pl.BlockSpec((NBK, 9), lambda i: (i, 0)),
            pl.BlockSpec((4, HID), lambda i: (0, 0)),
            pl.BlockSpec((1, HID), lambda i: (0, 0)),
            pl.BlockSpec((6, HID), lambda i: (0, 0)),
            pl.BlockSpec((1, HID), lambda i: (0, 0)),
        ],
        out_specs=pl.BlockSpec((NBK, HID), lambda i: (i, 0)),
        out_shape=jax.ShapeDtypeStruct((NP, HID), jnp.float32),
    )(types_pad, frames_pad, W_in, b_in[None, :], W_fr, b_fr[None, :])


def _ab_body(h_ref, Ws_ref, Wd_ref, b1_ref, a_ref, b_ref):
    h = h_ref[...]
    a_ref[...] = jnp.dot(h, Ws_ref[...], preferred_element_type=jnp.float32)
    b_ref[...] = jnp.dot(h, Wd_ref[...],
                         preferred_element_type=jnp.float32) + b1_ref[...]


def _ab(h, We1, be1):
    grid = (NP // NBK,)
    return pl.pallas_call(
        _ab_body,
        grid=grid,
        in_specs=[
            pl.BlockSpec((NBK, HID), lambda i: (i, 0)),
            pl.BlockSpec((HID, HID), lambda i: (0, 0)),
            pl.BlockSpec((HID, HID), lambda i: (0, 0)),
            pl.BlockSpec((1, HID), lambda i: (0, 0)),
        ],
        out_specs=[
            pl.BlockSpec((NBK, HID), lambda i: (i, 0)),
            pl.BlockSpec((NBK, HID), lambda i: (i, 0)),
        ],
        out_shape=[
            jax.ShapeDtypeStruct((NP, HID), jnp.float32),
            jax.ShapeDtypeStruct((NP, HID), jnp.float32),
        ],
    )(h, We1[:HID], We1[HID:2 * HID], be1[None, :])


def _edge_mlp_body(ag_ref, bg_ref, ef_ref, W1e_ref, W2_ref, b2_ref, o_ref):
    t = ag_ref[...] + bg_ref[...] + jnp.dot(
        ef_ref[...], W1e_ref[...], preferred_element_type=jnp.float32)
    t = jax.nn.silu(t)
    m = jnp.dot(t, W2_ref[...], preferred_element_type=jnp.float32) + b2_ref[...]
    o_ref[...] = jax.nn.silu(m)


def _edge_mlp(Ag, Bg, efeat, W1e, We2, be2):
    grid = (ME // EBK,)
    return pl.pallas_call(
        _edge_mlp_body,
        grid=grid,
        in_specs=[
            pl.BlockSpec((EBK, HID), lambda i: (i, 0)),
            pl.BlockSpec((EBK, HID), lambda i: (i, 0)),
            pl.BlockSpec((EBK, 1 + NRBF), lambda i: (i, 0)),
            pl.BlockSpec((1 + NRBF, HID), lambda i: (0, 0)),
            pl.BlockSpec((HID, HID), lambda i: (0, 0)),
            pl.BlockSpec((1, HID), lambda i: (0, 0)),
        ],
        out_specs=pl.BlockSpec((EBK, HID), lambda i: (i, 0)),
        out_shape=jax.ShapeDtypeStruct((ME, HID), jnp.float32),
    )(Ag, Bg, efeat, W1e, We2, be2[None, :])


def _node_upd_body(h_ref, g0_ref, g1_ref, W1h_ref, W1a_ref, b1_ref, W2_ref,
                   b2_ref, o_ref):
    h = h_ref[...]
    g = g0_ref[0] + g1_ref[0]
    u = jnp.dot(h, W1h_ref[...], preferred_element_type=jnp.float32)
    u = u + jnp.dot(g, W1a_ref[...],
                    preferred_element_type=jnp.float32) + b1_ref[...]
    u = jax.nn.silu(u)
    u = jnp.dot(u, W2_ref[...], preferred_element_type=jnp.float32) + b2_ref[...]
    o_ref[...] = h + u


def _node_upd(h, agg2, Wn1, bn1, Wn2, bn2):
    grid = (NP // NBK,)
    return pl.pallas_call(
        _node_upd_body,
        grid=grid,
        in_specs=[
            pl.BlockSpec((NBK, HID), lambda i: (i, 0)),
            pl.BlockSpec((1, NBK, HID), lambda i: (0, i, 0)),
            pl.BlockSpec((1, NBK, HID), lambda i: (1, i, 0)),
            pl.BlockSpec((HID, HID), lambda i: (0, 0)),
            pl.BlockSpec((HID, HID), lambda i: (0, 0)),
            pl.BlockSpec((1, HID), lambda i: (0, 0)),
            pl.BlockSpec((HID, HID), lambda i: (0, 0)),
            pl.BlockSpec((1, HID), lambda i: (0, 0)),
        ],
        out_specs=pl.BlockSpec((NBK, HID), lambda i: (i, 0)),
        out_shape=jax.ShapeDtypeStruct((NP, HID), jnp.float32),
    )(h, agg2, agg2, Wn1[:HID], Wn1[HID:], bn1[None, :], Wn2, bn2[None, :])


def _heads_body(h_ref, Wm_ref, bm_ref, Wl_ref, bl_ref, mu_ref, lv_ref):
    h = h_ref[...]
    mu_ref[...] = jnp.dot(h, Wm_ref[...],
                          preferred_element_type=jnp.float32) + bm_ref[...]
    lv = jnp.dot(h, Wl_ref[...], preferred_element_type=jnp.float32) + bl_ref[...]
    lv_ref[...] = jnp.clip(lv, -10.0, 2.0)


def _heads(h, W_mu, b_mu, W_lv, b_lv):
    grid = (NP // NBK,)
    return pl.pallas_call(
        _heads_body,
        grid=grid,
        in_specs=[
            pl.BlockSpec((NBK, HID), lambda i: (i, 0)),
            pl.BlockSpec((HID, LAT), lambda i: (0, 0)),
            pl.BlockSpec((1, LAT), lambda i: (0, 0)),
            pl.BlockSpec((HID, LAT), lambda i: (0, 0)),
            pl.BlockSpec((1, LAT), lambda i: (0, 0)),
        ],
        out_specs=[
            pl.BlockSpec((NBK, LAT), lambda i: (i, 0)),
            pl.BlockSpec((NBK, LAT), lambda i: (i, 0)),
        ],
        out_shape=[
            jax.ShapeDtypeStruct((NP, LAT), jnp.float32),
            jax.ShapeDtypeStruct((NP, LAT), jnp.float32),
        ],
    )(h, W_mu, b_mu[None, :], W_lv, b_lv[None, :])


def _edge_feats_body(d2_ref, o_ref):
    d2 = d2_ref[...]
    d = jnp.sqrt(d2)
    centers = jax.lax.broadcasted_iota(jnp.int32, (1, NRBF), 1).astype(
        jnp.float32) * (CUT / (NRBF - 1))
    width = CUT / NRBF
    rbf = jnp.exp(-((d - centers) ** 2) / (2.0 * width * width))
    o_ref[...] = jnp.concatenate([d2, rbf], axis=-1)


def _edge_feats(d2e):
    grid = (ME // EBK,)
    return pl.pallas_call(
        _edge_feats_body,
        grid=grid,
        in_specs=[pl.BlockSpec((EBK, 1), lambda i: (i, 0))],
        out_specs=pl.BlockSpec((EBK, 1 + NRBF), lambda i: (i, 0)),
        out_shape=jax.ShapeDtypeStruct((ME, 1 + NRBF), jnp.float32),
    )(d2e)


def kernel(x, node_types, frames, W_in, b_in, W_fr, b_fr, We1, be1, We2, be2,
           Wn1, bn1, Wn2, bn2, W_mu, b_mu, W_lv, b_lv):
    xc = x - jnp.mean(x, axis=0, keepdims=True)

    sq = jnp.sum(xc * xc, axis=1)
    d2m = sq[:, None] + sq[None, :] - 2.0 * (xc @ xc.T)
    mask = (d2m <= CUT * CUT) & (d2m > 1e-6)
    r0, r1 = jnp.nonzero(mask, size=ME, fill_value=NN)
    e_dst = r0
    e_src = r1

    xs = xc[jnp.minimum(e_src, NN - 1)]
    xd = xc[jnp.minimum(e_dst, NN - 1)]
    rel = xs - xd
    d2e = jnp.sum(rel * rel, axis=-1, keepdims=True)
    efeat = _edge_feats(d2e)

    types_pad = jnp.zeros((NP, 1), jnp.int32).at[:NN, 0].set(
        node_types.astype(jnp.int32))
    frames_pad = jnp.zeros((NP, 9), jnp.float32).at[:NN].set(
        frames.reshape(NN, 9))
    h = _embed(types_pad, frames_pad, W_in, b_in, W_fr, b_fr)

    zeros_np = jnp.zeros((NP, HID), jnp.float32)
    for l in range(NL):
        A, B = _ab(h, We1[l], be1[l])
        Ag, Bg = _gather2(A, B, e_src, e_dst)
        m = _edge_mlp(Ag, Bg, efeat, We1[l][2 * HID:], We2[l], be2[l])
        agg2 = _scatter_add(m, e_dst, zeros_np)
        h = _node_upd(h, agg2, Wn1[l], bn1[l], Wn2[l], bn2[l])

    mu, lv = _heads(h, W_mu, b_mu, W_lv, b_lv)
    return (mu[:NN], lv[:NN])

# --- scband reference (transcript-rebuilt; emitter-appended) ---
"""Pipeline reference for scband-e3-encoder-21792664060158 (READ-ONLY COPY).

The authoritative reference and input builder live on the scoring server;
editing this copy changes nothing except your own understanding.
"""

import jax, jax.numpy as jnp
import numpy as np

HIDDEN = 128
LATENT = 16
NUM_RBF = 16
CUTOFF = 10.0
NUM_LAYERS = 3
N = 10000
BOX = 109.4
MAX_EDGES = 1 << 20


def build_radius_graph(x, cutoff):
    sq = jnp.sum(x * x, axis=1)
    d2 = sq[:, None] + sq[None, :] - 2.0 * (x @ x.T)
    mask = (d2 <= cutoff * cutoff) & (d2 > 1e-6)
    src, dst = jnp.nonzero(mask, size=MAX_EDGES, fill_value=x.shape[0])
    return jnp.stack([src, dst])


def rbf_expand(d, num_rbf, cutoff):
    centers = jnp.linspace(0.0, cutoff, num_rbf)
    width = cutoff / num_rbf
    return jnp.exp(-((d[:, None] - centers[None, :]) ** 2) / (2.0 * width * width))


def extract_frame_features(frames):
    diag = jnp.diagonal(frames, axis1=-2, axis2=-1)
    frob = jnp.sqrt(jnp.sum(frames ** 2, axis=(-2, -1)))[:, None]
    trace = jnp.einsum('nii->n', frames)[:, None]
    det = jnp.linalg.det(frames)[:, None]
    return jnp.concatenate([diag, frob, trace, det], axis=-1)


def egnn_conv(h, x, edge_index, edge_attr, We1, be1, We2, be2, Wn1, bn1, Wn2, bn2):
    src = edge_index[0]
    dst = edge_index[1]
    rel = x[src] - x[dst]
    d2 = jnp.sum(rel * rel, axis=-1, keepdims=True)
    m = jnp.concatenate([h[src], h[dst], d2, edge_attr], axis=-1)
    m = jax.nn.silu(m @ We1 + be1)
    m = jax.nn.silu(m @ We2 + be2)
    agg = jnp.zeros_like(h).at[dst].add(m, mode='drop')
    u = jnp.concatenate([h, agg], axis=-1)
    u = jax.nn.silu(u @ Wn1 + bn1)
    u = u @ Wn2 + bn2
    return h + u


def setup_inputs(seed: int = 0):
    key = jax.random.key(seed)
    ks = jax.random.split(key, 12)
    x = jax.random.uniform(ks[0], (N, 3), dtype=jnp.float32) * BOX
    node_types = jax.random.randint(ks[1], (N,), 0, 4)
    frames = jax.random.normal(ks[2], (N, 3, 3), dtype=jnp.float32)

    def lin(k, fan_in, fan_out):
        s = 1.0 / np.sqrt(fan_in)
        return jax.random.uniform(k, (fan_in, fan_out), dtype=jnp.float32, minval=-s, maxval=s)

    W_in = lin(ks[3], 4, HIDDEN)
    b_in = jnp.zeros((HIDDEN,), jnp.float32)
    W_fr = lin(ks[4], 6, HIDDEN)
    b_fr = jnp.zeros((HIDDEN,), jnp.float32)
    e_in = 2 * HIDDEN + 1 + NUM_RBF
    We1 = jnp.stack([lin(jax.random.fold_in(ks[5], i), e_in, HIDDEN) for i in range(NUM_LAYERS)])
    be1 = jnp.zeros((NUM_LAYERS, HIDDEN), jnp.float32)
    We2 = jnp.stack([lin(jax.random.fold_in(ks[6], i), HIDDEN, HIDDEN) for i in range(NUM_LAYERS)])
    be2 = jnp.zeros((NUM_LAYERS, HIDDEN), jnp.float32)
    Wn1 = jnp.stack([lin(jax.random.fold_in(ks[7], i), 2 * HIDDEN, HIDDEN) for i in range(NUM_LAYERS)])
    bn1 = jnp.zeros((NUM_LAYERS, HIDDEN), jnp.float32)
    Wn2 = jnp.stack([lin(jax.random.fold_in(ks[8], i), HIDDEN, HIDDEN) for i in range(NUM_LAYERS)])
    bn2 = jnp.zeros((NUM_LAYERS, HIDDEN), jnp.float32)
    W_mu = lin(ks[9], HIDDEN, LATENT)
    b_mu = jnp.zeros((LATENT,), jnp.float32)
    W_lv = lin(ks[10], HIDDEN, LATENT) * 0.01
    b_lv = jnp.full((LATENT,), -2.0, jnp.float32)
    return {'x': x, 'node_types': node_types, 'frames': frames, 'W_in': W_in, 'b_in': b_in, 'W_fr': W_fr, 'b_fr': b_fr, 'We1': We1, 'be1': be1, 'We2': We2, 'be2': be2, 'Wn1': Wn1, 'bn1': bn1, 'Wn2': Wn2, 'bn2': bn2, 'W_mu': W_mu, 'b_mu': b_mu, 'W_lv': W_lv, 'b_lv': b_lv}


def reference(x, node_types, frames, W_in, b_in, W_fr, b_fr, We1, be1, We2, be2, Wn1, bn1, Wn2, bn2, W_mu, b_mu, W_lv, b_lv):
    xc = x - jnp.mean(x, axis=0, keepdims=True)
    edge_index = build_radius_graph(xc, CUTOFF)
    src = edge_index[0]
    dst = edge_index[1]
    edge_dists = jnp.sqrt(jnp.sum((xc[src] - xc[dst]) ** 2, axis=-1))
    edge_attr = rbf_expand(edge_dists, NUM_RBF, CUTOFF)
    onehot = jax.nn.one_hot(node_types, 4, dtype=jnp.float32)
    h = onehot @ W_in + b_in
    h = h + (extract_frame_features(frames) @ W_fr + b_fr)
    for i in range(NUM_LAYERS):
        h = egnn_conv(h, xc, edge_index, edge_attr, We1[i], be1[i], We2[i], be2[i], Wn1[i], bn1[i], Wn2[i], bn2[i])
    mu = h @ W_mu + b_mu
    logvar = jnp.clip(h @ W_lv + b_lv, -10.0, 2.0)
    return (mu, logvar)

if __name__ == "__main__":
    import jax
    _d = setup_inputs()
    print(jax.jit(kernel)(*tuple(_d.values())))

</pallas_src>

<mosaic_0001>
#map = affine_map<(d0, d1) -> (0, 0)>
#map1 = affine_map<(d0, d1) -> (0)>
module attributes {stable_mosaic.version = 14 : i64} {
  func.func @k(%arg0: i32, %arg1: i32, %arg2: memref<10240x128xf32, #tpu.memory_space<hbm>>, %arg3: memref<10240x128xf32, #tpu.memory_space<hbm>>, %arg4: memref<1048576xi32, #tpu.memory_space<hbm>>, %arg5: memref<1048576xi32, #tpu.memory_space<hbm>>, %arg6: memref<1048576x128xf32, #tpu.memory_space<hbm>>, %arg7: memref<1048576x128xf32, #tpu.memory_space<hbm>>, %arg8: memref<128xi32, #tpu.memory_space<vmem>>, %arg9: memref<128xi32, #tpu.memory_space<vmem>>, %arg10: memref<128x128xf32, #tpu.memory_space<vmem>>, %arg11: memref<128x128xf32, #tpu.memory_space<vmem>>, %arg12: memref<!tpu.dma_semaphore, #tpu.memory_space<semaphore_mem>>, %arg13: memref<!tpu.dma_semaphore, #tpu.memory_space<semaphore_mem>>) attributes {dimension_semantics = [#tpu.dimension_semantics<core_parallel>, #tpu.dimension_semantics<subcore_parallel>], iteration_bounds = array<i64: 2, 16>, scalar_prefetch = 0 : i64, scratch_operands = 6 : i64, tpu.core_type = #tpu.core_type<sc_vector_subcore>, window_params = [{transform_indices = #map}, {transform_indices = #map}, {transform_indices = #map1}, {transform_indices = #map1}, {transform_indices = #map}, {transform_indices = #map}]} {
    %mul3A = arith.constant 2 : i32
    %mul3A_0 = arith.muli %arg1, %mul3A : i32
    %add3A = arith.addi %mul3A_0, %arg0 : i32
    %mul3A_1 = arith.constant 32768 : i32
    %mul3A_2 = arith.muli %add3A, %mul3A_1 : i32
    %scan3A = arith.constant 0 : i32
    %scan3A_3 = arith.constant 0 : i32
    %scan3A_4 = arith.constant 256 : i32
    %scan3A_5 = arith.addi %scan3A_3, %scan3A_4 : i32
    %scan3A_6 = arith.constant 1 : i32
    scf.for %scan3A_8 = %scan3A_3 to %scan3A_5 step %scan3A_6  : i32 {
      %mul3A_9 = arith.constant 128 : i32
      %mul3A_10 = arith.muli %scan3A_8, %mul3A_9 : i32
      %add3A_11 = arith.addi %mul3A_2, %mul3A_10 : i32
      "tpu.region"() ({
        %run_scoped3A = tpu.sem_alloc : memref<!tpu.dma_semaphore, #tpu.memory_space<semaphore_mem>>
        %dma_start3A_22 = tpu.memref_slice %arg4[%add3A_11] : memref<1048576xi32, #tpu.memory_space<hbm>> -> memref<128xi32, #tpu.memory_space<hbm>>
        %dma_start3A_23 = tpu.memref_slice %arg4[%add3A_11] : memref<1048576xi32, #tpu.memory_space<hbm>> -> memref<128xi32, #tpu.memory_space<hbm>>
        tpu.enqueue_dma source(%dma_start3A_23 : memref<128xi32, #tpu.memory_space<hbm>>) target(%arg8 : memref<128xi32, #tpu.memory_space<vmem>>) target_semaphore(%run_scoped3A : memref<!tpu.dma_semaphore, #tpu.memory_space<semaphore_mem>>)
        %dma_wait3A_24 = tpu.memref_slice %arg4[%add3A_11] : memref<1048576xi32, #tpu.memory_space<hbm>> -> memref<128xi32, #tpu.memory_space<hbm>>
        %dma_wait3A_25 = tpu.memref_slice %arg4[%add3A_11] : memref<1048576xi32, #tpu.memory_space<hbm>> -> memref<128xi32, #tpu.memory_space<hbm>>
        tpu.wait_dma2 semaphore(%run_scoped3A : memref<!tpu.dma_semaphore, #tpu.memory_space<semaphore_mem>>) src(%dma_wait3A_25 : memref<128xi32, #tpu.memory_space<hbm>>) dst(%arg8 : memref<128xi32, #tpu.memory_space<vmem>>)
        tpu.yield
      }) : () -> ()
      "tpu.region"() ({
        %run_scoped3A = tpu.sem_alloc : memref<!tpu.dma_semaphore, #tpu.memory_space<semaphore_mem>>
        %dma_start3A_22 = tpu.memref_slice %arg5[%add3A_11] : memref<1048576xi32, #tpu.memory_space<hbm>> -> memref<128xi32, #tpu.memory_space<hbm>>
        %dma_start3A_23 = tpu.memref_slice %arg5[%add3A_11] : memref<1048576xi32, #tpu.memory_space<hbm>> -> memref<128xi32, #tpu.memory_space<hbm>>
        tpu.enqueue_dma source(%dma_start3A_23 : memref<128xi32, #tpu.memory_space<hbm>>) target(%arg9 : memref<128xi32, #tpu.memory_space<vmem>>) target_semaphore(%run_scoped3A : memref<!tpu.dma_semaphore, #tpu.memory_space<semaphore_mem>>)
        %dma_wait3A_24 = tpu.memref_slice %arg5[%add3A_11] : memref<1048576xi32, #tpu.memory_space<hbm>> -> memref<128xi32, #tpu.memory_space<hbm>>
        %dma_wait3A_25 = tpu.memref_slice %arg5[%add3A_11] : memref<1048576xi32, #tpu.memory_space<hbm>> -> memref<128xi32, #tpu.memory_space<hbm>>
        tpu.wait_dma2 semaphore(%run_scoped3A : memref<!tpu.dma_semaphore, #tpu.memory_space<semaphore_mem>>) src(%dma_wait3A_25 : memref<128xi32, #tpu.memory_space<hbm>>) dst(%arg9 : memref<128xi32, #tpu.memory_space<vmem>>)
        tpu.yield
      }) : () -> ()
      %dma_start3A = arith.constant 0 : i32
      %dma_start3A_12 = arith.constant 0 : i32
      %dma_start3A_13 = tpu.memref_slice %arg2[%dma_start3A, %dma_start3A_12] : memref<10240x128xf32, #tpu.memory_space<hbm>> -> memref<10240x128xf32, #tpu.memory_space<hbm>>
      tpu.enqueue_indirect_dma source(%dma_start3A_13 : memref<10240x128xf32, #tpu.memory_space<hbm>>) target(%arg10 : memref<128x128xf32, #tpu.memory_space<vmem>>) offsets(%arg8 : memref<128xi32, #tpu.memory_space<vmem>>) semaphore(%arg12 : memref<!tpu.dma_semaphore, #tpu.memory_space<semaphore_mem>>)
      %dma_start3A_14 = arith.constant 0 : i32
      %dma_start3A_15 = arith.constant 0 : i32
      %dma_start3A_16 = tpu.memref_slice %arg3[%dma_start3A_14, %dma_start3A_15] : memref<10240x128xf32, #tpu.memory_space<hbm>> -> memref<10240x128xf32, #tpu.memory_space<hbm>>
      tpu.enqueue_indirect_dma source(%dma_start3A_16 : memref<10240x128xf32, #tpu.memory_space<hbm>>) target(%arg11 : memref<128x128xf32, #tpu.memory_space<vmem>>) offsets(%arg9 : memref<128xi32, #tpu.memory_space<vmem>>) semaphore(%arg13 : memref<!tpu.dma_semaphore, #tpu.memory_space<semaphore_mem>>)
      %dma_wait3A = arith.constant 0 : i32
      %dma_wait3A_17 = arith.constant 0 : i32
      %dma_wait3A_18 = tpu.memref_slice %arg2[%dma_wait3A, %dma_wait3A_17] : memref<10240x128xf32, #tpu.memory_space<hbm>> -> memref<10240x128xf32, #tpu.memory_space<hbm>>
      tpu.wait_indirect_dma semaphore(%arg12 : memref<!tpu.dma_semaphore, #tpu.memory_space<semaphore_mem>>) src(%dma_wait3A_18 : memref<10240x128xf32, #tpu.memory_space<hbm>>) dst(%arg10 : memref<128x128xf32, #tpu.memory_space<vmem>>)
      %dma_wait3A_19 = arith.constant 0 : i32
      %dma_wait3A_20 = arith.constant 0 : i32
      %dma_wait3A_21 = tpu.memref_slice %arg3[%dma_wait3A_19, %dma_wait3A_20] : memref<10240x128xf32, #tpu.memory_space<hbm>> -> memref<10240x128xf32, #tpu.memory_space<hbm>>
      tpu.wait_indirect_dma semaphore(%arg13 : memref<!tpu.dma_semaphore, #tpu.memory_space<semaphore_mem>>) src(%dma_wait3A_21 : memref<10240x128xf32, #tpu.memory_space<hbm>>) dst(%arg11 : memref<128x128xf32, #tpu.memory_space<vmem>>)
      "tpu.region"() ({
        %run_scoped3A = tpu.sem_alloc : memref<!tpu.dma_semaphore, #tpu.memory_space<semaphore_mem>>
        %dma_start3A_22 = arith.constant 0 : i32
        %dma_start3A_23 = tpu.memref_slice %arg6[%add3A_11, %dma_start3A_22] : memref<1048576x128xf32, #tpu.memory_space<hbm>> -> memref<128x128xf32, #tpu.memory_space<hbm>>
        %dma_start3A_24 = arith.constant 0 : i32
        %dma_start3A_25 = tpu.memref_slice %arg6[%add3A_11, %dma_start3A_24] : memref<1048576x128xf32, #tpu.memory_space<hbm>> -> memref<128x128xf32, #tpu.memory_space<hbm>>
        tpu.enqueue_dma source(%arg10 : memref<128x128xf32, #tpu.memory_space<vmem>>) target(%dma_start3A_25 : memref<128x128xf32, #tpu.memory_space<hbm>>) target_semaphore(%run_scoped3A : memref<!tpu.dma_semaphore, #tpu.memory_space<semaphore_mem>>)
        %dma_wait3A_26 = arith.constant 0 : i32
        %dma_wait3A_27 = tpu.memref_slice %arg6[%add3A_11, %dma_wait3A_26] : memref<1048576x128xf32, #tpu.memory_space<hbm>> -> memref<128x128xf32, #tpu.memory_space<hbm>>
        %dma_wait3A_28 = arith.constant 0 : i32
        %dma_wait3A_29 = tpu.memref_slice %arg6[%add3A_11, %dma_wait3A_28] : memref<1048576x128xf32, #tpu.memory_space<hbm>> -> memref<128x128xf32, #tpu.memory_space<hbm>>
        tpu.wait_dma2 semaphore(%run_scoped3A : memref<!tpu.dma_semaphore, #tpu.memory_space<semaphore_mem>>) src(%arg10 : memref<128x128xf32, #tpu.memory_space<vmem>>) dst(%dma_wait3A_29 : memref<128x128xf32, #tpu.memory_space<hbm>>)
        tpu.yield
      }) : () -> ()
      "tpu.region"() ({
        %run_scoped3A = tpu.sem_alloc : memref<!tpu.dma_semaphore, #tpu.memory_space<semaphore_mem>>
        %dma_start3A_22 = arith.constant 0 : i32
        %dma_start3A_23 = tpu.memref_slice %arg7[%add3A_11, %dma_start3A_22] : memref<1048576x128xf32, #tpu.memory_space<hbm>> -> memref<128x128xf32, #tpu.memory_space<hbm>>
        %dma_start3A_24 = arith.constant 0 : i32
        %dma_start3A_25 = tpu.memref_slice %arg7[%add3A_11, %dma_start3A_24] : memref<1048576x128xf32, #tpu.memory_space<hbm>> -> memref<128x128xf32, #tpu.memory_space<hbm>>
        tpu.enqueue_dma source(%arg11 : memref<128x128xf32, #tpu.memory_space<vmem>>) target(%dma_start3A_25 : memref<128x128xf32, #tpu.memory_space<hbm>>) target_semaphore(%run_scoped3A : memref<!tpu.dma_semaphore, #tpu.memory_space<semaphore_mem>>)
        %dma_wait3A_26 = arith.constant 0 : i32
        %dma_wait3A_27 = tpu.memref_slice %arg7[%add3A_11, %dma_wait3A_26] : memref<1048576x128xf32, #tpu.memory_space<hbm>> -> memref<128x128xf32, #tpu.memory_space<hbm>>
        %dma_wait3A_28 = arith.constant 0 : i32
        %dma_wait3A_29 = tpu.memref_slice %arg7[%add3A_11, %dma_wait3A_28] : memref<1048576x128xf32, #tpu.memory_space<hbm>> -> memref<128x128xf32, #tpu.memory_space<hbm>>
        tpu.wait_dma2 semaphore(%run_scoped3A : memref<!tpu.dma_semaphore, #tpu.memory_space<semaphore_mem>>) src(%arg11 : memref<128x128xf32, #tpu.memory_space<vmem>>) dst(%dma_wait3A_29 : memref<128x128xf32, #tpu.memory_space<hbm>>)
        tpu.yield
      }) : () -> ()
    }
    %scan3A_7 = arith.constant 256 : i32
    return
  }
}

#map = affine_map<(d0, d1) -> (0, 0)>
#map1 = affine_map<(d0, d1) -> (0)>
#map2 = affine_map<(d0, d1) -> (0, 0, 0)>
module attributes {stable_mosaic.version = 14 : i64} {
  func.func @k(%arg0: i32, %arg1: i32, %arg2: memref<1048576x128xf32, #tpu.memory_space<hbm>>, %arg3: memref<1048576xi32, #tpu.memory_space<hbm>>, %arg4: memref<10240x128xf32, #tpu.memory_space<hbm>>, %arg5: memref<2x10240x128xf32, #tpu.memory_space<hbm>>, %arg6: memref<128xi32, #tpu.memory_space<vmem>>, %arg7: memref<128x128xf32, #tpu.memory_space<vmem>>, %arg8: memref<10240x128xf32, #tpu.memory_space<vmem_shared>>) attributes {dimension_semantics = [#tpu.dimension_semantics<core_parallel>, #tpu.dimension_semantics<subcore_parallel>], iteration_bounds = array<i64: 2, 16>, scalar_prefetch = 0 : i64, scratch_operands = 3 : i64, tpu.core_type = #tpu.core_type<sc_vector_subcore>, window_params = [{transform_indices = #map}, {transform_indices = #map1}, {transform_indices = #map}, {transform_indices = #map2}]} {
    %mul3A = arith.constant 2 : i32
    %mul3A_0 = arith.muli %arg1, %mul3A : i32
    %add3A = arith.addi %mul3A_0, %arg0 : i32
    %mul3A_1 = arith.constant 640 : i32
    %mul3A_2 = arith.muli %arg1, %mul3A_1 : i32
    %mul3A_3 = arith.constant 640 : i32
    %mul3A_4 = arith.muli %arg1, %mul3A_3 : i32
    "tpu.region"() ({
      %run_scoped3A = tpu.sem_alloc : memref<!tpu.dma_semaphore, #tpu.memory_space<semaphore_mem>>
      %dma_start3A = arith.constant 0 : i32
      %dma_start3A_15 = tpu.memref_slice %arg8[%mul3A_4, %dma_start3A] : memref<10240x128xf32, #tpu.memory_space<vmem_shared>> -> memref<640x128xf32, #tpu.memory_space<vmem_shared>>
      %dma_start3A_16 = arith.constant 0 : i32
      %dma_start3A_17 = tpu.memref_slice %arg4[%mul3A_2, %dma_start3A_16] : memref<10240x128xf32, #tpu.memory_space<hbm>> -> memref<640x128xf32, #tpu.memory_space<hbm>>
      tpu.enqueue_dma source(%dma_start3A_17 : memref<640x128xf32, #tpu.memory_space<hbm>>) target(%dma_start3A_15 : memref<640x128xf32, #tpu.memory_space<vmem_shared>>) target_semaphore(%run_scoped3A : memref<!tpu.dma_semaphore, #tpu.memory_space<semaphore_mem>>)
      %dma_wait3A = arith.constant 0 : i32
      %dma_wait3A_18 = tpu.memref_slice %arg8[%mul3A_4, %dma_wait3A] : memref<10240x128xf32, #tpu.memory_space<vmem_shared>> -> memref<640x128xf32, #tpu.memory_space<vmem_shared>>
      %dma_wait3A_19 = arith.constant 0 : i32
      %dma_wait3A_20 = tpu.memref_slice %arg4[%mul3A_2, %dma_wait3A_19] : memref<10240x128xf32, #tpu.memory_space<hbm>> -> memref<640x128xf32, #tpu.memory_space<hbm>>
      tpu.wait_dma2 semaphore(%run_scoped3A : memref<!tpu.dma_semaphore, #tpu.memory_space<semaphore_mem>>) src(%dma_wait3A_20 : memref<640x128xf32, #tpu.memory_space<hbm>>) dst(%dma_wait3A_18 : memref<640x128xf32, #tpu.memory_space<vmem_shared>>)
      tpu.yield
    }) : () -> ()
    %barrier3A = arith.constant 0 : index
    tpu.barrier barrier_id(%barrier3A)
    %scan3A = arith.constant 0 : i32
    %scan3A_5 = arith.constant 0 : i32
    %scan3A_6 = arith.constant 256 : i32
    %scan3A_7 = arith.addi %scan3A_5, %scan3A_6 : i32
    %scan3A_8 = arith.constant 1 : i32
    scf.for %scan3A_15 = %scan3A_5 to %scan3A_7 step %scan3A_8  : i32 {
      %mul3A_16 = arith.constant 32768 : i32
      %mul3A_17 = arith.muli %add3A, %mul3A_16 : i32
      %mul3A_18 = arith.constant 128 : i32
      %mul3A_19 = arith.muli %scan3A_15, %mul3A_18 : i32
      %add3A_20 = arith.addi %mul3A_17, %mul3A_19 : i32
      "tpu.region"() ({
        %run_scoped3A = tpu.sem_alloc : memref<!tpu.dma_semaphore, #tpu.memory_space<semaphore_mem>>
        %dma_start3A = tpu.memref_slice %arg3[%add3A_20] : memref<1048576xi32, #tpu.memory_space<hbm>> -> memref<128xi32, #tpu.memory_space<hbm>>
        %dma_start3A_21 = tpu.memref_slice %arg3[%add3A_20] : memref<1048576xi32, #tpu.memory_space<hbm>> -> memref<128xi32, #tpu.memory_space<hbm>>
        tpu.enqueue_dma source(%dma_start3A_21 : memref<128xi32, #tpu.memory_space<hbm>>) target(%arg6 : memref<128xi32, #tpu.memory_space<vmem>>) target_semaphore(%run_scoped3A : memref<!tpu.dma_semaphore, #tpu.memory_space<semaphore_mem>>)
        %dma_wait3A = tpu.memref_slice %arg3[%add3A_20] : memref<1048576xi32, #tpu.memory_space<hbm>> -> memref<128xi32, #tpu.memory_space<hbm>>
        %dma_wait3A_22 = tpu.memref_slice %arg3[%add3A_20] : memref<1048576xi32, #tpu.memory_space<hbm>> -> memref<128xi32, #tpu.memory_space<hbm>>
        tpu.wait_dma2 semaphore(%run_scoped3A : memref<!tpu.dma_semaphore, #tpu.memory_space<semaphore_mem>>) src(%dma_wait3A_22 : memref<128xi32, #tpu.memory_space<hbm>>) dst(%arg6 : memref<128xi32, #tpu.memory_space<vmem>>)
        tpu.yield
      }) : () -> ()
      "tpu.region"() ({
        %run_scoped3A = tpu.sem_alloc : memref<!tpu.dma_semaphore, #tpu.memory_space<semaphore_mem>>
        %dma_start3A = arith.constant 0 : i32
        %dma_start3A_21 = tpu.memref_slice %arg2[%add3A_20, %dma_start3A] : memref<1048576x128xf32, #tpu.memory_space<hbm>> -> memref<128x128xf32, #tpu.memory_space<hbm>>
        %dma_start3A_22 = arith.constant 0 : i32
        %dma_start3A_23 = tpu.memref_slice %arg2[%add3A_20, %dma_start3A_22] : memref<1048576x128xf32, #tpu.memory_space<hbm>> -> memref<128x128xf32, #tpu.memory_space<hbm>>
        tpu.enqueue_dma source(%dma_start3A_23 : memref<128x128xf32, #tpu.memory_space<hbm>>) target(%arg7 : memref<128x128xf32, #tpu.memory_space<vmem>>) target_semaphore(%run_scoped3A : memref<!tpu.dma_semaphore, #tpu.memory_space<semaphore_mem>>)
        %dma_wait3A = arith.constant 0 : i32
        %dma_wait3A_24 = tpu.memref_slice %arg2[%add3A_20, %dma_wait3A] : memref<1048576x128xf32, #tpu.memory_space<hbm>> -> memref<128x128xf32, #tpu.memory_space<hbm>>
        %dma_wait3A_25 = arith.constant 0 : i32
        %dma_wait3A_26 = tpu.memref_slice %arg2[%add3A_20, %dma_wait3A_25] : memref<1048576x128xf32, #tpu.memory_space<hbm>> -> memref<128x128xf32, #tpu.memory_space<hbm>>
        tpu.wait_dma2 semaphore(%run_scoped3A : memref<!tpu.dma_semaphore, #tpu.memory_space<semaphore_mem>>) src(%dma_wait3A_26 : memref<128x128xf32, #tpu.memory_space<hbm>>) dst(%arg7 : memref<128x128xf32, #tpu.memory_space<vmem>>)
        tpu.yield
      }) : () -> ()
      "tpu.region"() ({
        %run_scoped3A = tpu.sem_alloc : memref<!tpu.dma_semaphore, #tpu.memory_space<semaphore_mem>>
        %dma_start3A = arith.constant 0 : i32
        %dma_start3A_21 = arith.constant 0 : i32
        %dma_start3A_22 = tpu.memref_slice %arg8[%dma_start3A, %dma_start3A_21] : memref<10240x128xf32, #tpu.memory_space<vmem_shared>> -> memref<10240x128xf32, #tpu.memory_space<vmem_shared>>
        tpu.enqueue_indirect_dma source(%arg7 : memref<128x128xf32, #tpu.memory_space<vmem>>) target(%dma_start3A_22 : memref<10240x128xf32, #tpu.memory_space<vmem_shared>>) offsets(%arg6 : memref<128xi32, #tpu.memory_space<vmem>>) semaphore(%run_scoped3A : memref<!tpu.dma_semaphore, #tpu.memory_space<semaphore_mem>>) {add = true}
        %dma_wait3A = arith.constant 0 : i32
        %dma_wait3A_23 = arith.constant 0 : i32
        %dma_wait3A_24 = tpu.memref_slice %arg8[%dma_wait3A, %dma_wait3A_23] : memref<10240x128xf32, #tpu.memory_space<vmem_shared>> -> memref<10240x128xf32, #tpu.memory_space<vmem_shared>>
        tpu.wait_indirect_dma semaphore(%run_scoped3A : memref<!tpu.dma_semaphore, #tpu.memory_space<semaphore_mem>>) src(%arg7 : memref<128x128xf32, #tpu.memory_space<vmem>>) dst(%dma_wait3A_24 : memref<10240x128xf32, #tpu.memory_space<vmem_shared>>)
        tpu.yield
      }) : () -> ()
    }
    %scan3A_9 = arith.constant 256 : i32
    %barrier3A_10 = arith.constant 0 : index
    tpu.barrier barrier_id(%barrier3A_10)
    %mul3A_11 = arith.constant 640 : i32
    %mul3A_12 = arith.muli %arg1, %mul3A_11 : i32
    %mul3A_13 = arith.constant 640 : i32
    %mul3A_14 = arith.muli %arg1, %mul3A_13 : i32
    "tpu.region"() ({
      %run_scoped3A = tpu.sem_alloc : memref<!tpu.dma_semaphore, #tpu.memory_space<semaphore_mem>>
      %dma_start3A = arith.constant 0 : i32
      %dma_start3A_15 = tpu.memref_slice %arg5[%arg0, %mul3A_14, %dma_start3A] : memref<2x10240x128xf32, #tpu.memory_space<hbm>> -> memref<1x640x128xf32, #tpu.memory_space<hbm>>
      %dma_start3A_16 = tpu.memref_squeeze %dma_start3A_15 : memref<1x640x128xf32, #tpu.memory_space<hbm>> -> memref<640x128xf32, #tpu.memory_space<hbm>>
      %dma_start3A_17 = arith.constant 0 : i32
      %dma_start3A_18 = tpu.memref_slice %arg8[%mul3A_12, %dma_start3A_17] : memref<10240x128xf32, #tpu.memory_space<vmem_shared>> -> memref<640x128xf32, #tpu.memory_space<vmem_shared>>
      tpu.enqueue_dma source(%dma_start3A_18 : memref<640x128xf32, #tpu.memory_space<vmem_shared>>) target(%dma_start3A_16 : memref<640x128xf32, #tpu.memory_space<hbm>>) target_semaphore(%run_scoped3A : memref<!tpu.dma_semaphore, #tpu.memory_space<semaphore_mem>>)
      %dma_wait3A = arith.constant 0 : i32
      %dma_wait3A_19 = tpu.memref_slice %arg5[%arg0, %mul3A_14, %dma_wait3A] : memref<2x10240x128xf32, #tpu.memory_space<hbm>> -> memref<1x640x128xf32, #tpu.memory_space<hbm>>
      %dma_wait3A_20 = tpu.memref_squeeze %dma_wait3A_19 : memref<1x640x128xf32, #tpu.memory_space<hbm>> -> memref<640x128xf32, #tpu.memory_space<hbm>>
      %dma_wait3A_21 = arith.constant 0 : i32
      %dma_wait3A_22 = tpu.memref_slice %arg8[%mul3A_12, %dma_wait3A_21] : memref<10240x128xf32, #tpu.memory_space<vmem_shared>> -> memref<640x128xf32, #tpu.memory_space<vmem_shared>>
      tpu.wait_dma2 semaphore(%run_scoped3A : memref<!tpu.dma_semaphore, #tpu.memory_space<semaphore_mem>>) src(%dma_wait3A_22 : memref<640x128xf32, #tpu.memory_space<vmem_shared>>) dst(%dma_wait3A_20 : memref<640x128xf32, #tpu.memory_space<hbm>>)
      tpu.yield
    }) : () -> ()
    return
  }
}

#map = affine_map<(d0, d1) -> (0, 0)>
#map1 = affine_map<(d0, d1) -> (0)>
#map2 = affine_map<(d0, d1) -> (0, 0, 0)>
module attributes {stable_mosaic.version = 14 : i64} {
  func.func @k(%arg0: i32, %arg1: i32, %arg2: memref<1048576x128xf32, #tpu.memory_space<hbm>>, %arg3: memref<1048576xi32, #tpu.memory_space<hbm>>, %arg4: memref<10240x128xf32, #tpu.memory_space<hbm>>, %arg5: memref<2x10240x128xf32, #tpu.memory_space<hbm>>, %arg6: memref<128xi32, #tpu.memory_space<vmem>>, %arg7: memref<128x128xf32, #tpu.memory_space<vmem>>, %arg8: memref<10240x128xf32, #tpu.memory_space<vmem_shared>>) attributes {dimension_semantics = [#tpu.dimension_semantics<core_parallel>, #tpu.dimension_semantics<subcore_parallel>], iteration_bounds = array<i64: 2, 16>, scalar_prefetch = 0 : i64, scratch_operands = 3 : i64, tpu.core_type = #tpu.core_type<sc_vector_subcore>, window_params = [{transform_indices = #map}, {transform_indices = #map1}, {transform_indices = #map}, {transform_indices = #map2}]} {
    %mul3A = arith.constant 2 : i32
    %mul3A_0 = arith.muli %arg1, %mul3A : i32
    %add3A = arith.addi %mul3A_0, %arg0 : i32
    %mul3A_1 = arith.constant 640 : i32
    %mul3A_2 = arith.muli %arg1, %mul3A_1 : i32
    %mul3A_3 = arith.constant 640 : i32
    %mul3A_4 = arith.muli %arg1, %mul3A_3 : i32
    "tpu.region"() ({
      %run_scoped3A = tpu.sem_alloc : memref<!tpu.dma_semaphore, #tpu.memory_space<semaphore_mem>>
      %dma_start3A = arith.constant 0 : i32
      %dma_start3A_15 = tpu.memref_slice %arg8[%mul3A_4, %dma_start3A] : memref<10240x128xf32, #tpu.memory_space<vmem_shared>> -> memref<640x128xf32, #tpu.memory_space<vmem_shared>>
      %dma_start3A_16 = arith.constant 0 : i32
      %dma_start3A_17 = tpu.memref_slice %arg4[%mul3A_2, %dma_start3A_16] : memref<10240x128xf32, #tpu.memory_space<hbm>> -> memref<640x128xf32, #tpu.memory_space<hbm>>
      tpu.enqueue_dma source(%dma_start3A_17 : memref<640x128xf32, #tpu.memory_space<hbm>>) target(%dma_start3A_15 : memref<640x128xf32, #tpu.memory_space<vmem_shared>>) target_semaphore(%run_scoped3A : memref<!tpu.dma_semaphore, #tpu.memory_space<semaphore_mem>>)
      %dma_wait3A = arith.constant 0 : i32
      %dma_wait3A_18 = tpu.memref_slice %arg8[%mul3A_4, %dma_wait3A] : memref<10240x128xf32, #tpu.memory_space<vmem_shared>> -> memref<640x128xf32, #tpu.memory_space<vmem_shared>>
      %dma_wait3A_19 = arith.constant 0 : i32
      %dma_wait3A_20 = tpu.memref_slice %arg4[%mul3A_2, %dma_wait3A_19] : memref<10240x128xf32, #tpu.memory_space<hbm>> -> memref<640x128xf32, #tpu.memory_space<hbm>>
      tpu.wait_dma2 semaphore(%run_scoped3A : memref<!tpu.dma_semaphore, #tpu.memory_space<semaphore_mem>>) src(%dma_wait3A_20 : memref<640x128xf32, #tpu.memory_space<hbm>>) dst(%dma_wait3A_18 : memref<640x128xf32, #tpu.memory_space<vmem_shared>>)
      tpu.yield
    }) : () -> ()
    %barrier3A = arith.constant 0 : index
    tpu.barrier barrier_id(%barrier3A)
    %scan3A = arith.constant 0 : i32
    %scan3A_5 = arith.constant 0 : i32
    %scan3A_6 = arith.constant 256 : i32
    %scan3A_7 = arith.addi %scan3A_5, %scan3A_6 : i32
    %scan3A_8 = arith.constant 1 : i32
    scf.for %scan3A_15 = %scan3A_5 to %scan3A_7 step %scan3A_8  : i32 {
      %mul3A_16 = arith.constant 32768 : i32
      %mul3A_17 = arith.muli %add3A, %mul3A_16 : i32
      %mul3A_18 = arith.constant 128 : i32
      %mul3A_19 = arith.muli %scan3A_15, %mul3A_18 : i32
      %add3A_20 = arith.addi %mul3A_17, %mul3A_19 : i32
      "tpu.region"() ({
        %run_scoped3A = tpu.sem_alloc : memref<!tpu.dma_semaphore, #tpu.memory_space<semaphore_mem>>
        %dma_start3A = tpu.memref_slice %arg3[%add3A_20] : memref<1048576xi32, #tpu.memory_space<hbm>> -> memref<128xi32, #tpu.memory_space<hbm>>
        %dma_start3A_21 = tpu.memref_slice %arg3[%add3A_20] : memref<1048576xi32, #tpu.memory_space<hbm>> -> memref<128xi32, #tpu.memory_space<hbm>>
        tpu.enqueue_dma source(%dma_start3A_21 : memref<128xi32, #tpu.memory_space<hbm>>) target(%arg6 : memref<128xi32, #tpu.memory_space<vmem>>) target_semaphore(%run_scoped3A : memref<!tpu.dma_semaphore, #tpu.memory_space<semaphore_mem>>)
        %dma_wait3A = tpu.memref_slice %arg3[%add3A_20] : memref<1048576xi32, #tpu.memory_space<hbm>> -> memref<128xi32, #tpu.memory_space<hbm>>
        %dma_wait3A_22 = tpu.memref_slice %arg3[%add3A_20] : memref<1048576xi32, #tpu.memory_space<hbm>> -> memref<128xi32, #tpu.memory_space<hbm>>
        tpu.wait_dma2 semaphore(%run_scoped3A : memref<!tpu.dma_semaphore, #tpu.memory_space<semaphore_mem>>) src(%dma_wait3A_22 : memref<128xi32, #tpu.memory_space<hbm>>) dst(%arg6 : memref<128xi32, #tpu.memory_space<vmem>>)
        tpu.yield
      }) : () -> ()
      "tpu.region"() ({
        %run_scoped3A = tpu.sem_alloc : memref<!tpu.dma_semaphore, #tpu.memory_space<semaphore_mem>>
        %dma_start3A = arith.constant 0 : i32
        %dma_start3A_21 = tpu.memref_slice %arg2[%add3A_20, %dma_start3A] : memref<1048576x128xf32, #tpu.memory_space<hbm>> -> memref<128x128xf32, #tpu.memory_space<hbm>>
        %dma_start3A_22 = arith.constant 0 : i32
        %dma_start3A_23 = tpu.memref_slice %arg2[%add3A_20, %dma_start3A_22] : memref<1048576x128xf32, #tpu.memory_space<hbm>> -> memref<128x128xf32, #tpu.memory_space<hbm>>
        tpu.enqueue_dma source(%dma_start3A_23 : memref<128x128xf32, #tpu.memory_space<hbm>>) target(%arg7 : memref<128x128xf32, #tpu.memory_space<vmem>>) target_semaphore(%run_scoped3A : memref<!tpu.dma_semaphore, #tpu.memory_space<semaphore_mem>>)
        %dma_wait3A = arith.constant 0 : i32
        %dma_wait3A_24 = tpu.memref_slice %arg2[%add3A_20, %dma_wait3A] : memref<1048576x128xf32, #tpu.memory_space<hbm>> -> memref<128x128xf32, #tpu.memory_space<hbm>>
        %dma_wait3A_25 = arith.constant 0 : i32
        %dma_wait3A_26 = tpu.memref_slice %arg2[%add3A_20, %dma_wait3A_25] : memref<1048576x128xf32, #tpu.memory_space<hbm>> -> memref<128x128xf32, #tpu.memory_space<hbm>>
        tpu.wait_dma2 semaphore(%run_scoped3A : memref<!tpu.dma_semaphore, #tpu.memory_space<semaphore_mem>>) src(%dma_wait3A_26 : memref<128x128xf32, #tpu.memory_space<hbm>>) dst(%arg7 : memref<128x128xf32, #tpu.memory_space<vmem>>)
        tpu.yield
      }) : () -> ()
      "tpu.region"() ({
        %run_scoped3A = tpu.sem_alloc : memref<!tpu.dma_semaphore, #tpu.memory_space<semaphore_mem>>
        %dma_start3A = arith.constant 0 : i32
        %dma_start3A_21 = arith.constant 0 : i32
        %dma_start3A_22 = tpu.memref_slice %arg8[%dma_start3A, %dma_start3A_21] : memref<10240x128xf32, #tpu.memory_space<vmem_shared>> -> memref<10240x128xf32, #tpu.memory_space<vmem_shared>>
        tpu.enqueue_indirect_dma source(%arg7 : memref<128x128xf32, #tpu.memory_space<vmem>>) target(%dma_start3A_22 : memref<10240x128xf32, #tpu.memory_space<vmem_shared>>) offsets(%arg6 : memref<128xi32, #tpu.memory_space<vmem>>) semaphore(%run_scoped3A : memref<!tpu.dma_semaphore, #tpu.memory_space<semaphore_mem>>) {add = true}
        %dma_wait3A = arith.constant 0 : i32
        %dma_wait3A_23 = arith.constant 0 : i32
        %dma_wait3A_24 = tpu.memref_slice %arg8[%dma_wait3A, %dma_wait3A_23] : memref<10240x128xf32, #tpu.memory_space<vmem_shared>> -> memref<10240x128xf32, #tpu.memory_space<vmem_shared>>
        tpu.wait_indirect_dma semaphore(%run_scoped3A : memref<!tpu.dma_semaphore, #tpu.memory_space<semaphore_mem>>) src(%arg7 : memref<128x128xf32, #tpu.memory_space<vmem>>) dst(%dma_wait3A_24 : memref<10240x128xf32, #tpu.memory_space<vmem_shared>>)
        tpu.yield
      }) : () -> ()
    }
    %scan3A_9 = arith.constant 256 : i32
    %barrier3A_10 = arith.constant 0 : index
    tpu.barrier barrier_id(%barrier3A_10)
    %mul3A_11 = arith.constant 640 : i32
    %mul3A_12 = arith.muli %arg1, %mul3A_11 : i32
    %mul3A_13 = arith.constant 640 : i32
    %mul3A_14 = arith.muli %arg1, %mul3A_13 : i32
    "tpu.region"() ({
      %run_scoped3A = tpu.sem_alloc : memref<!tpu.dma_semaphore, #tpu.memory_space<semaphore_mem>>
      %dma_start3A = arith.constant 0 : i32
      %dma_start3A_15 = tpu.memref_slice %arg5[%arg0, %mul3A_14, %dma_start3A] : memref<2x10240x128xf32, #tpu.memory_space<hbm>> -> memref<1x640x128xf32, #tpu.memory_space<hbm>>
      %dma_start3A_16 = tpu.memref_squeeze %dma_start3A_15 : memref<1x640x128xf32, #tpu.memory_space<hbm>> -> memref<640x128xf32, #tpu.memory_space<hbm>>
      %dma_start3A_17 = arith.constant 0 : i32
      %dma_start3A_18 = tpu.memref_slice %arg8[%mul3A_12, %dma_start3A_17] : memref<10240x128xf32, #tpu.memory_space<vmem_shared>> -> memref<640x128xf32, #tpu.memory_space<vmem_shared>>
      tpu.enqueue_dma source(%dma_start3A_18 : memref<640x128xf32, #tpu.memory_space<vmem_shared>>) target(%dma_start3A_16 : memref<640x128xf32, #tpu.memory_space<hbm>>) target_semaphore(%run_scoped3A : memref<!tpu.dma_semaphore, #tpu.memory_space<semaphore_mem>>)
      %dma_wait3A = arith.constant 0 : i32
      %dma_wait3A_19 = tpu.memref_slice %arg5[%arg0, %mul3A_14, %dma_wait3A] : memref<2x10240x128xf32, #tpu.memory_space<hbm>> -> memref<1x640x128xf32, #tpu.memory_space<hbm>>
      %dma_wait3A_20 = tpu.memref_squeeze %dma_wait3A_19 : memref<1x640x128xf32, #tpu.memory_space<hbm>> -> memref<640x128xf32, #tpu.memory_space<hbm>>
      %dma_wait3A_21 = arith.constant 0 : i32
      %dma_wait3A_22 = tpu.memref_slice %arg8[%mul3A_12, %dma_wait3A_21] : memref<10240x128xf32, #tpu.memory_space<vmem_shared>> -> memref<640x128xf32, #tpu.memory_space<vmem_shared>>
      tpu.wait_dma2 semaphore(%run_scoped3A : memref<!tpu.dma_semaphore, #tpu.memory_space<semaphore_mem>>) src(%dma_wait3A_22 : memref<640x128xf32, #tpu.memory_space<vmem_shared>>) dst(%dma_wait3A_20 : memref<640x128xf32, #tpu.memory_space<hbm>>)
      tpu.yield
    }) : () -> ()
    return
  }
}

#map = affine_map<(d0, d1) -> (0, 0)>
#map1 = affine_map<(d0, d1) -> (0)>
module attributes {stable_mosaic.version = 14 : i64} {
  func.func @k(%arg0: i32, %arg1: i32, %arg2: memref<10240x128xf32, #tpu.memory_space<hbm>>, %arg3: memref<10240x128xf32, #tpu.memory_space<hbm>>, %arg4: memref<1048576xi32, #tpu.memory_space<hbm>>, %arg5: memref<1048576xi32, #tpu.memory_space<hbm>>, %arg6: memref<1048576x128xf32, #tpu.memory_space<hbm>>, %arg7: memref<1048576x128xf32, #tpu.memory_space<hbm>>, %arg8: memref<128xi32, #tpu.memory_space<vmem>>, %arg9: memref<128xi32, #tpu.memory_space<vmem>>, %arg10: memref<128x128xf32, #tpu.memory_space<vmem>>, %arg11: memref<128x128xf32, #tpu.memory_space<vmem>>, %arg12: memref<!tpu.dma_semaphore, #tpu.memory_space<semaphore_mem>>, %arg13: memref<!tpu.dma_semaphore, #tpu.memory_space<semaphore_mem>>) attributes {dimension_semantics = [#tpu.dimension_semantics<core_parallel>, #tpu.dimension_semantics<subcore_parallel>], iteration_bounds = array<i64: 2, 16>, scalar_prefetch = 0 : i64, scratch_operands = 6 : i64, tpu.core_type = #tpu.core_type<sc_vector_subcore>, window_params = [{transform_indices = #map}, {transform_indices = #map}, {transform_indices = #map1}, {transform_indices = #map1}, {transform_indices = #map}, {transform_indices = #map}]} {
    %mul3A = arith.constant 2 : i32
    %mul3A_0 = arith.muli %arg1, %mul3A : i32
    %add3A = arith.addi %mul3A_0, %arg0 : i32
    %mul3A_1 = arith.constant 32768 : i32
    %mul3A_2 = arith.muli %add3A, %mul3A_1 : i32
    %scan3A = arith.constant 0 : i32
    %scan3A_3 = arith.constant 0 : i32
    %scan3A_4 = arith.constant 256 : i32
    %scan3A_5 = arith.addi %scan3A_3, %scan3A_4 : i32
    %scan3A_6 = arith.constant 1 : i32
    scf.for %scan3A_8 = %scan3A_3 to %scan3A_5 step %scan3A_6  : i32 {
      %mul3A_9 = arith.constant 128 : i32
      %mul3A_10 = arith.muli %scan3A_8, %mul3A_9 : i32
      %add3A_11 = arith.addi %mul3A_2, %mul3A_10 : i32
      "tpu.region"() ({
        %run_scoped3A = tpu.sem_alloc : memref<!tpu.dma_semaphore, #tpu.memory_space<semaphore_mem>>
        %dma_start3A_22 = tpu.memref_slice %arg4[%add3A_11] : memref<1048576xi32, #tpu.memory_space<hbm>> -> memref<128xi32, #tpu.memory_space<hbm>>
        %dma_start3A_23 = tpu.memref_slice %arg4[%add3A_11] : memref<1048576xi32, #tpu.memory_space<hbm>> -> memref<128xi32, #tpu.memory_space<hbm>>
        tpu.enqueue_dma source(%dma_start3A_23 : memref<128xi32, #tpu.memory_space<hbm>>) target(%arg8 : memref<128xi32, #tpu.memory_space<vmem>>) target_semaphore(%run_scoped3A : memref<!tpu.dma_semaphore, #tpu.memory_space<semaphore_mem>>)
        %dma_wait3A_24 = tpu.memref_slice %arg4[%add3A_11] : memref<1048576xi32, #tpu.memory_space<hbm>> -> memref<128xi32, #tpu.memory_space<hbm>>
        %dma_wait3A_25 = tpu.memref_slice %arg4[%add3A_11] : memref<1048576xi32, #tpu.memory_space<hbm>> -> memref<128xi32, #tpu.memory_space<hbm>>
        tpu.wait_dma2 semaphore(%run_scoped3A : memref<!tpu.dma_semaphore, #tpu.memory_space<semaphore_mem>>) src(%dma_wait3A_25 : memref<128xi32, #tpu.memory_space<hbm>>) dst(%arg8 : memref<128xi32, #tpu.memory_space<vmem>>)
        tpu.yield
      }) : () -> ()
      "tpu.region"() ({
        %run_scoped3A = tpu.sem_alloc : memref<!tpu.dma_semaphore, #tpu.memory_space<semaphore_mem>>
        %dma_start3A_22 = tpu.memref_slice %arg5[%add3A_11] : memref<1048576xi32, #tpu.memory_space<hbm>> -> memref<128xi32, #tpu.memory_space<hbm>>
        %dma_start3A_23 = tpu.memref_slice %arg5[%add3A_11] : memref<1048576xi32, #tpu.memory_space<hbm>> -> memref<128xi32, #tpu.memory_space<hbm>>
        tpu.enqueue_dma source(%dma_start3A_23 : memref<128xi32, #tpu.memory_space<hbm>>) target(%arg9 : memref<128xi32, #tpu.memory_space<vmem>>) target_semaphore(%run_scoped3A : memref<!tpu.dma_semaphore, #tpu.memory_space<semaphore_mem>>)
        %dma_wait3A_24 = tpu.memref_slice %arg5[%add3A_11] : memref<1048576xi32, #tpu.memory_space<hbm>> -> memref<128xi32, #tpu.memory_space<hbm>>
        %dma_wait3A_25 = tpu.memref_slice %arg5[%add3A_11] : memref<1048576xi32, #tpu.memory_space<hbm>> -> memref<128xi32, #tpu.memory_space<hbm>>
        tpu.wait_dma2 semaphore(%run_scoped3A : memref<!tpu.dma_semaphore, #tpu.memory_space<semaphore_mem>>) src(%dma_wait3A_25 : memref<128xi32, #tpu.memory_space<hbm>>) dst(%arg9 : memref<128xi32, #tpu.memory_space<vmem>>)
        tpu.yield
      }) : () -> ()
      %dma_start3A = arith.constant 0 : i32
      %dma_start3A_12 = arith.constant 0 : i32
      %dma_start3A_13 = tpu.memref_slice %arg2[%dma_start3A, %dma_start3A_12] : memref<10240x128xf32, #tpu.memory_space<hbm>> -> memref<10240x128xf32, #tpu.memory_space<hbm>>
      tpu.enqueue_indirect_dma source(%dma_start3A_13 : memref<10240x128xf32, #tpu.memory_space<hbm>>) target(%arg10 : memref<128x128xf32, #tpu.memory_space<vmem>>) offsets(%arg8 : memref<128xi32, #tpu.memory_space<vmem>>) semaphore(%arg12 : memref<!tpu.dma_semaphore, #tpu.memory_space<semaphore_mem>>)
      %dma_start3A_14 = arith.constant 0 : i32
      %dma_start3A_15 = arith.constant 0 : i32
      %dma_start3A_16 = tpu.memref_slice %arg3[%dma_start3A_14, %dma_start3A_15] : memref<10240x128xf32, #tpu.memory_space<hbm>> -> memref<10240x128xf32, #tpu.memory_space<hbm>>
      tpu.enqueue_indirect_dma source(%dma_start3A_16 : memref<10240x128xf32, #tpu.memory_space<hbm>>) target(%arg11 : memref<128x128xf32, #tpu.memory_space<vmem>>) offsets(%arg9 : memref<128xi32, #tpu.memory_space<vmem>>) semaphore(%arg13 : memref<!tpu.dma_semaphore, #tpu.memory_space<semaphore_mem>>)
      %dma_wait3A = arith.constant 0 : i32
      %dma_wait3A_17 = arith.constant 0 : i32
      %dma_wait3A_18 = tpu.memref_slice %arg2[%dma_wait3A, %dma_wait3A_17] : memref<10240x128xf32, #tpu.memory_space<hbm>> -> memref<10240x128xf32, #tpu.memory_space<hbm>>
      tpu.wait_indirect_dma semaphore(%arg12 : memref<!tpu.dma_semaphore, #tpu.memory_space<semaphore_mem>>) src(%dma_wait3A_18 : memref<10240x128xf32, #tpu.memory_space<hbm>>) dst(%arg10 : memref<128x128xf32, #tpu.memory_space<vmem>>)
      %dma_wait3A_19 = arith.constant 0 : i32
      %dma_wait3A_20 = arith.constant 0 : i32
      %dma_wait3A_21 = tpu.memref_slice %arg3[%dma_wait3A_19, %dma_wait3A_20] : memref<10240x128xf32, #tpu.memory_space<hbm>> -> memref<10240x128xf32, #tpu.memory_space<hbm>>
      tpu.wait_indirect_dma semaphore(%arg13 : memref<!tpu.dma_semaphore, #tpu.memory_space<semaphore_mem>>) src(%dma_wait3A_21 : memref<10240x128xf32, #tpu.memory_space<hbm>>) dst(%arg11 : memref<128x128xf32, #tpu.memory_space<vmem>>)
      "tpu.region"() ({
        %run_scoped3A = tpu.sem_alloc : memref<!tpu.dma_semaphore, #tpu.memory_space<semaphore_mem>>
        %dma_start3A_22 = arith.constant 0 : i32
        %dma_start3A_23 = tpu.memref_slice %arg6[%add3A_11, %dma_start3A_22] : memref<1048576x128xf32, #tpu.memory_space<hbm>> -> memref<128x128xf32, #tpu.memory_space<hbm>>
        %dma_start3A_24 = arith.constant 0 : i32
        %dma_start3A_25 = tpu.memref_slice %arg6[%add3A_11, %dma_start3A_24] : memref<1048576x128xf32, #tpu.memory_space<hbm>> -> memref<128x128xf32, #tpu.memory_space<hbm>>
        tpu.enqueue_dma source(%arg10 : memref<128x128xf32, #tpu.memory_space<vmem>>) target(%dma_start3A_25 : memref<128x128xf32, #tpu.memory_space<hbm>>) target_semaphore(%run_scoped3A : memref<!tpu.dma_semaphore, #tpu.memory_space<semaphore_mem>>)
        %dma_wait3A_26 = arith.constant 0 : i32
        %dma_wait3A_27 = tpu.memref_slice %arg6[%add3A_11, %dma_wait3A_26] : memref<1048576x128xf32, #tpu.memory_space<hbm>> -> memref<128x128xf32, #tpu.memory_space<hbm>>
        %dma_wait3A_28 = arith.constant 0 : i32
        %dma_wait3A_29 = tpu.memref_slice %arg6[%add3A_11, %dma_wait3A_28] : memref<1048576x128xf32, #tpu.memory_space<hbm>> -> memref<128x128xf32, #tpu.memory_space<hbm>>
        tpu.wait_dma2 semaphore(%run_scoped3A : memref<!tpu.dma_semaphore, #tpu.memory_space<semaphore_mem>>) src(%arg10 : memref<128x128xf32, #tpu.memory_space<vmem>>) dst(%dma_wait3A_29 : memref<128x128xf32, #tpu.memory_space<hbm>>)
        tpu.yield
      }) : () -> ()
      "tpu.region"() ({
        %run_scoped3A = tpu.sem_alloc : memref<!tpu.dma_semaphore, #tpu.memory_space<semaphore_mem>>
        %dma_start3A_22 = arith.constant 0 : i32
        %dma_start3A_23 = tpu.memref_slice %arg7[%add3A_11, %dma_start3A_22] : memref<1048576x128xf32, #tpu.memory_space<hbm>> -> memref<128x128xf32, #tpu.memory_space<hbm>>
        %dma_start3A_24 = arith.constant 0 : i32
        %dma_start3A_25 = tpu.memref_slice %arg7[%add3A_11, %dma_start3A_24] : memref<1048576x128xf32, #tpu.memory_space<hbm>> -> memref<128x128xf32, #tpu.memory_space<hbm>>
        tpu.enqueue_dma source(%arg11 : memref<128x128xf32, #tpu.memory_space<vmem>>) target(%dma_start3A_25 : memref<128x128xf32, #tpu.memory_space<hbm>>) target_semaphore(%run_scoped3A : memref<!tpu.dma_semaphore, #tpu.memory_space<semaphore_mem>>)
        %dma_wait3A_26 = arith.constant 0 : i32
        %dma_wait3A_27 = tpu.memref_slice %arg7[%add3A_11, %dma_wait3A_26] : memref<1048576x128xf32, #tpu.memory_space<hbm>> -> memref<128x128xf32, #tpu.memory_space<hbm>>
        %dma_wait3A_28 = arith.constant 0 : i32
        %dma_wait3A_29 = tpu.memref_slice %arg7[%add3A_11, %dma_wait3A_28] : memref<1048576x128xf32, #tpu.memory_space<hbm>> -> memref<128x128xf32, #tpu.memory_space<hbm>>
        tpu.wait_dma2 semaphore(%run_scoped3A : memref<!tpu.dma_semaphore, #tpu.memory_space<semaphore_mem>>) src(%arg11 : memref<128x128xf32, #tpu.memory_space<vmem>>) dst(%dma_wait3A_29 : memref<128x128xf32, #tpu.memory_space<hbm>>)
        tpu.yield
      }) : () -> ()
    }
    %scan3A_7 = arith.constant 256 : i32
    return
  }
}

#map = affine_map<(d0, d1) -> (0, 0)>
#map1 = affine_map<(d0, d1) -> (0)>
module attributes {stable_mosaic.version = 14 : i64} {
  func.func @k(%arg0: i32, %arg1: i32, %arg2: memref<10240x128xf32, #tpu.memory_space<hbm>>, %arg3: memref<10240x128xf32, #tpu.memory_space<hbm>>, %arg4: memref<1048576xi32, #tpu.memory_space<hbm>>, %arg5: memref<1048576xi32, #tpu.memory_space<hbm>>, %arg6: memref<1048576x128xf32, #tpu.memory_space<hbm>>, %arg7: memref<1048576x128xf32, #tpu.memory_space<hbm>>, %arg8: memref<128xi32, #tpu.memory_space<vmem>>, %arg9: memref<128xi32, #tpu.memory_space<vmem>>, %arg10: memref<128x128xf32, #tpu.memory_space<vmem>>, %arg11: memref<128x128xf32, #tpu.memory_space<vmem>>, %arg12: memref<!tpu.dma_semaphore, #tpu.memory_space<semaphore_mem>>, %arg13: memref<!tpu.dma_semaphore, #tpu.memory_space<semaphore_mem>>) attributes {dimension_semantics = [#tpu.dimension_semantics<core_parallel>, #tpu.dimension_semantics<subcore_parallel>], iteration_bounds = array<i64: 2, 16>, scalar_prefetch = 0 : i64, scratch_operands = 6 : i64, tpu.core_type = #tpu.core_type<sc_vector_subcore>, window_params = [{transform_indices = #map}, {transform_indices = #map}, {transform_indices = #map1}, {transform_indices = #map1}, {transform_indices = #map}, {transform_indices = #map}]} {
    %mul3A = arith.constant 2 : i32
    %mul3A_0 = arith.muli %arg1, %mul3A : i32
    %add3A = arith.addi %mul3A_0, %arg0 : i32
    %mul3A_1 = arith.constant 32768 : i32
    %mul3A_2 = arith.muli %add3A, %mul3A_1 : i32
    %scan3A = arith.constant 0 : i32
    %scan3A_3 = arith.constant 0 : i32
    %scan3A_4 = arith.constant 256 : i32
    %scan3A_5 = arith.addi %scan3A_3, %scan3A_4 : i32
    %scan3A_6 = arith.constant 1 : i32
    scf.for %scan3A_8 = %scan3A_3 to %scan3A_5 step %scan3A_6  : i32 {
      %mul3A_9 = arith.constant 128 : i32
      %mul3A_10 = arith.muli %scan3A_8, %mul3A_9 : i32
      %add3A_11 = arith.addi %mul3A_2, %mul3A_10 : i32
      "tpu.region"() ({
        %run_scoped3A = tpu.sem_alloc : memref<!tpu.dma_semaphore, #tpu.memory_space<semaphore_mem>>
        %dma_start3A_22 = tpu.memref_slice %arg4[%add3A_11] : memref<1048576xi32, #tpu.memory_space<hbm>> -> memref<128xi32, #tpu.memory_space<hbm>>
        %dma_start3A_23 = tpu.memref_slice %arg4[%add3A_11] : memref<1048576xi32, #tpu.memory_space<hbm>> -> memref<128xi32, #tpu.memory_space<hbm>>
        tpu.enqueue_dma source(%dma_start3A_23 : memref<128xi32, #tpu.memory_space<hbm>>) target(%arg8 : memref<128xi32, #tpu.memory_space<vmem>>) target_semaphore(%run_scoped3A : memref<!tpu.dma_semaphore, #tpu.memory_space<semaphore_mem>>)
        %dma_wait3A_24 = tpu.memref_slice %arg4[%add3A_11] : memref<1048576xi32, #tpu.memory_space<hbm>> -> memref<128xi32, #tpu.memory_space<hbm>>
        %dma_wait3A_25 = tpu.memref_slice %arg4[%add3A_11] : memref<1048576xi32, #tpu.memory_space<hbm>> -> memref<128xi32, #tpu.memory_space<hbm>>
        tpu.wait_dma2 semaphore(%run_scoped3A : memref<!tpu.dma_semaphore, #tpu.memory_space<semaphore_mem>>) src(%dma_wait3A_25 : memref<128xi32, #tpu.memory_space<hbm>>) dst(%arg8 : memref<128xi32, #tpu.memory_space<vmem>>)
        tpu.yield
      }) : () -> ()
      "tpu.region"() ({
        %run_scoped3A = tpu.sem_alloc : memref<!tpu.dma_semaphore, #tpu.memory_space<semaphore_mem>>
        %dma_start3A_22 = tpu.memref_slice %arg5[%add3A_11] : memref<1048576xi32, #tpu.memory_space<hbm>> -> memref<128xi32, #tpu.memory_space<hbm>>
        %dma_start3A_23 = tpu.memref_slice %arg5[%add3A_11] : memref<1048576xi32, #tpu.memory_space<hbm>> -> memref<128xi32, #tpu.memory_space<hbm>>
        tpu.enqueue_dma source(%dma_start3A_23 : memref<128xi32, #tpu.memory_space<hbm>>) target(%arg9 : memref<128xi32, #tpu.memory_space<vmem>>) target_semaphore(%run_scoped3A : memref<!tpu.dma_semaphore, #tpu.memory_space<semaphore_mem>>)
        %dma_wait3A_24 = tpu.memref_slice %arg5[%add3A_11] : memref<1048576xi32, #tpu.memory_space<hbm>> -> memref<128xi32, #tpu.memory_space<hbm>>
        %dma_wait3A_25 = tpu.memref_slice %arg5[%add3A_11] : memref<1048576xi32, #tpu.memory_space<hbm>> -> memref<128xi32, #tpu.memory_space<hbm>>
        tpu.wait_dma2 semaphore(%run_scoped3A : memref<!tpu.dma_semaphore, #tpu.memory_space<semaphore_mem>>) src(%dma_wait3A_25 : memref<128xi32, #tpu.memory_space<hbm>>) dst(%arg9 : memref<128xi32, #tpu.memory_space<vmem>>)
        tpu.yield
      }) : () -> ()
      %dma_start3A = arith.constant 0 : i32
      %dma_start3A_12 = arith.constant 0 : i32
      %dma_start3A_13 = tpu.memref_slice %arg2[%dma_start3A, %dma_start3A_12] : memref<10240x128xf32, #tpu.memory_space<hbm>> -> memref<10240x128xf32, #tpu.memory_space<hbm>>
      tpu.enqueue_indirect_dma source(%dma_start3A_13 : memref<10240x128xf32, #tpu.memory_space<hbm>>) target(%arg10 : memref<128x128xf32, #tpu.memory_space<vmem>>) offsets(%arg8 : memref<128xi32, #tpu.memory_space<vmem>>) semaphore(%arg12 : memref<!tpu.dma_semaphore, #tpu.memory_space<semaphore_mem>>)
      %dma_start3A_14 = arith.constant 0 : i32
      %dma_start3A_15 = arith.constant 0 : i32
      %dma_start3A_16 = tpu.memref_slice %arg3[%dma_start3A_14, %dma_start3A_15] : memref<10240x128xf32, #tpu.memory_space<hbm>> -> memref<10240x128xf32, #tpu.memory_space<hbm>>
      tpu.enqueue_indirect_dma source(%dma_start3A_16 : memref<10240x128xf32, #tpu.memory_space<hbm>>) target(%arg11 : memref<128x128xf32, #tpu.memory_space<vmem>>) offsets(%arg9 : memref<128xi32, #tpu.memory_space<vmem>>) semaphore(%arg13 : memref<!tpu.dma_semaphore, #tpu.memory_space<semaphore_mem>>)
      %dma_wait3A = arith.constant 0 : i32
      %dma_wait3A_17 = arith.constant 0 : i32
      %dma_wait3A_18 = tpu.memref_slice %arg2[%dma_wait3A, %dma_wait3A_17] : memref<10240x128xf32, #tpu.memory_space<hbm>> -> memref<10240x128xf32, #tpu.memory_space<hbm>>
      tpu.wait_indirect_dma semaphore(%arg12 : memref<!tpu.dma_semaphore, #tpu.memory_space<semaphore_mem>>) src(%dma_wait3A_18 : memref<10240x128xf32, #tpu.memory_space<hbm>>) dst(%arg10 : memref<128x128xf32, #tpu.memory_space<vmem>>)
      %dma_wait3A_19 = arith.constant 0 : i32
      %dma_wait3A_20 = arith.constant 0 : i32
      %dma_wait3A_21 = tpu.memref_slice %arg3[%dma_wait3A_19, %dma_wait3A_20] : memref<10240x128xf32, #tpu.memory_space<hbm>> -> memref<10240x128xf32, #tpu.memory_space<hbm>>
      tpu.wait_indirect_dma semaphore(%arg13 : memref<!tpu.dma_semaphore, #tpu.memory_space<semaphore_mem>>) src(%dma_wait3A_21 : memref<10240x128xf32, #tpu.memory_space<hbm>>) dst(%arg11 : memref<128x128xf32, #tpu.memory_space<vmem>>)
      "tpu.region"() ({
        %run_scoped3A = tpu.sem_alloc : memref<!tpu.dma_semaphore, #tpu.memory_space<semaphore_mem>>
        %dma_start3A_22 = arith.constant 0 : i32
        %dma_start3A_23 = tpu.memref_slice %arg6[%add3A_11, %dma_start3A_22] : memref<1048576x128xf32, #tpu.memory_space<hbm>> -> memref<128x128xf32, #tpu.memory_space<hbm>>
        %dma_start3A_24 = arith.constant 0 : i32
        %dma_start3A_25 = tpu.memref_slice %arg6[%add3A_11, %dma_start3A_24] : memref<1048576x128xf32, #tpu.memory_space<hbm>> -> memref<128x128xf32, #tpu.memory_space<hbm>>
        tpu.enqueue_dma source(%arg10 : memref<128x128xf32, #tpu.memory_space<vmem>>) target(%dma_start3A_25 : memref<128x128xf32, #tpu.memory_space<hbm>>) target_semaphore(%run_scoped3A : memref<!tpu.dma_semaphore, #tpu.memory_space<semaphore_mem>>)
        %dma_wait3A_26 = arith.constant 0 : i32
        %dma_wait3A_27 = tpu.memref_slice %arg6[%add3A_11, %dma_wait3A_26] : memref<1048576x128xf32, #tpu.memory_space<hbm>> -> memref<128x128xf32, #tpu.memory_space<hbm>>
        %dma_wait3A_28 = arith.constant 0 : i32
        %dma_wait3A_29 = tpu.memref_slice %arg6[%add3A_11, %dma_wait3A_28] : memref<1048576x128xf32, #tpu.memory_space<hbm>> -> memref<128x128xf32, #tpu.memory_space<hbm>>
        tpu.wait_dma2 semaphore(%run_scoped3A : memref<!tpu.dma_semaphore, #tpu.memory_space<semaphore_mem>>) src(%arg10 : memref<128x128xf32, #tpu.memory_space<vmem>>) dst(%dma_wait3A_29 : memref<128x128xf32, #tpu.memory_space<hbm>>)
        tpu.yield
      }) : () -> ()
      "tpu.region"() ({
        %run_scoped3A = tpu.sem_alloc : memref<!tpu.dma_semaphore, #tpu.memory_space<semaphore_mem>>
        %dma_start3A_22 = arith.constant 0 : i32
        %dma_start3A_23 = tpu.memref_slice %arg7[%add3A_11, %dma_start3A_22] : memref<1048576x128xf32, #tpu.memory_space<hbm>> -> memref<128x128xf32, #tpu.memory_space<hbm>>
        %dma_start3A_24 = arith.constant 0 : i32
        %dma_start3A_25 = tpu.memref_slice %arg7[%add3A_11, %dma_start3A_24] : memref<1048576x128xf32, #tpu.memory_space<hbm>> -> memref<128x128xf32, #tpu.memory_space<hbm>>
        tpu.enqueue_dma source(%arg11 : memref<128x128xf32, #tpu.memory_space<vmem>>) target(%dma_start3A_25 : memref<128x128xf32, #tpu.memory_space<hbm>>) target_semaphore(%run_scoped3A : memref<!tpu.dma_semaphore, #tpu.memory_space<semaphore_mem>>)
        %dma_wait3A_26 = arith.constant 0 : i32
        %dma_wait3A_27 = tpu.memref_slice %arg7[%add3A_11, %dma_wait3A_26] : memref<1048576x128xf32, #tpu.memory_space<hbm>> -> memref<128x128xf32, #tpu.memory_space<hbm>>
        %dma_wait3A_28 = arith.constant 0 : i32
        %dma_wait3A_29 = tpu.memref_slice %arg7[%add3A_11, %dma_wait3A_28] : memref<1048576x128xf32, #tpu.memory_space<hbm>> -> memref<128x128xf32, #tpu.memory_space<hbm>>
        tpu.wait_dma2 semaphore(%run_scoped3A : memref<!tpu.dma_semaphore, #tpu.memory_space<semaphore_mem>>) src(%arg11 : memref<128x128xf32, #tpu.memory_space<vmem>>) dst(%dma_wait3A_29 : memref<128x128xf32, #tpu.memory_space<hbm>>)
        tpu.yield
      }) : () -> ()
    }
    %scan3A_7 = arith.constant 256 : i32
    return
  }
}

#map = affine_map<(d0, d1) -> (0, 0)>
#map1 = affine_map<(d0, d1) -> (0)>
#map2 = affine_map<(d0, d1) -> (0, 0, 0)>
module attributes {stable_mosaic.version = 14 : i64} {
  func.func @k(%arg0: i32, %arg1: i32, %arg2: memref<1048576x128xf32, #tpu.memory_space<hbm>>, %arg3: memref<1048576xi32, #tpu.memory_space<hbm>>, %arg4: memref<10240x128xf32, #tpu.memory_space<hbm>>, %arg5: memref<2x10240x128xf32, #tpu.memory_space<hbm>>, %arg6: memref<128xi32, #tpu.memory_space<vmem>>, %arg7: memref<128x128xf32, #tpu.memory_space<vmem>>, %arg8: memref<10240x128xf32, #tpu.memory_space<vmem_shared>>) attributes {dimension_semantics = [#tpu.dimension_semantics<core_parallel>, #tpu.dimension_semantics<subcore_parallel>], iteration_bounds = array<i64: 2, 16>, scalar_prefetch = 0 : i64, scratch_operands = 3 : i64, tpu.core_type = #tpu.core_type<sc_vector_subcore>, window_params = [{transform_indices = #map}, {transform_indices = #map1}, {transform_indices = #map}, {transform_indices = #map2}]} {
    %mul3A = arith.constant 2 : i32
    %mul3A_0 = arith.muli %arg1, %mul3A : i32
    %add3A = arith.addi %mul3A_0, %arg0 : i32
    %mul3A_1 = arith.constant 640 : i32
    %mul3A_2 = arith.muli %arg1, %mul3A_1 : i32
    %mul3A_3 = arith.constant 640 : i32
    %mul3A_4 = arith.muli %arg1, %mul3A_3 : i32
    "tpu.region"() ({
      %run_scoped3A = tpu.sem_alloc : memref<!tpu.dma_semaphore, #tpu.memory_space<semaphore_mem>>
      %dma_start3A = arith.constant 0 : i32
      %dma_start3A_15 = tpu.memref_slice %arg8[%mul3A_4, %dma_start3A] : memref<10240x128xf32, #tpu.memory_space<vmem_shared>> -> memref<640x128xf32, #tpu.memory_space<vmem_shared>>
      %dma_start3A_16 = arith.constant 0 : i32
      %dma_start3A_17 = tpu.memref_slice %arg4[%mul3A_2, %dma_start3A_16] : memref<10240x128xf32, #tpu.memory_space<hbm>> -> memref<640x128xf32, #tpu.memory_space<hbm>>
      tpu.enqueue_dma source(%dma_start3A_17 : memref<640x128xf32, #tpu.memory_space<hbm>>) target(%dma_start3A_15 : memref<640x128xf32, #tpu.memory_space<vmem_shared>>) target_semaphore(%run_scoped3A : memref<!tpu.dma_semaphore, #tpu.memory_space<semaphore_mem>>)
      %dma_wait3A = arith.constant 0 : i32
      %dma_wait3A_18 = tpu.memref_slice %arg8[%mul3A_4, %dma_wait3A] : memref<10240x128xf32, #tpu.memory_space<vmem_shared>> -> memref<640x128xf32, #tpu.memory_space<vmem_shared>>
      %dma_wait3A_19 = arith.constant 0 : i32
      %dma_wait3A_20 = tpu.memref_slice %arg4[%mul3A_2, %dma_wait3A_19] : memref<10240x128xf32, #tpu.memory_space<hbm>> -> memref<640x128xf32, #tpu.memory_space<hbm>>
      tpu.wait_dma2 semaphore(%run_scoped3A : memref<!tpu.dma_semaphore, #tpu.memory_space<semaphore_mem>>) src(%dma_wait3A_20 : memref<640x128xf32, #tpu.memory_space<hbm>>) dst(%dma_wait3A_18 : memref<640x128xf32, #tpu.memory_space<vmem_shared>>)
      tpu.yield
    }) : () -> ()
    %barrier3A = arith.constant 0 : index
    tpu.barrier barrier_id(%barrier3A)
    %scan3A = arith.constant 0 : i32
    %scan3A_5 = arith.constant 0 : i32
    %scan3A_6 = arith.constant 256 : i32
    %scan3A_7 = arith.addi %scan3A_5, %scan3A_6 : i32
    %scan3A_8 = arith.constant 1 : i32
    scf.for %scan3A_15 = %scan3A_5 to %scan3A_7 step %scan3A_8  : i32 {
      %mul3A_16 = arith.constant 32768 : i32
      %mul3A_17 = arith.muli %add3A, %mul3A_16 : i32
      %mul3A_18 = arith.constant 128 : i32
      %mul3A_19 = arith.muli %scan3A_15, %mul3A_18 : i32
      %add3A_20 = arith.addi %mul3A_17, %mul3A_19 : i32
      "tpu.region"() ({
        %run_scoped3A = tpu.sem_alloc : memref<!tpu.dma_semaphore, #tpu.memory_space<semaphore_mem>>
        %dma_start3A = tpu.memref_slice %arg3[%add3A_20] : memref<1048576xi32, #tpu.memory_space<hbm>> -> memref<128xi32, #tpu.memory_space<hbm>>
        %dma_start3A_21 = tpu.memref_slice %arg3[%add3A_20] : memref<1048576xi32, #tpu.memory_space<hbm>> -> memref<128xi32, #tpu.memory_space<hbm>>
        tpu.enqueue_dma source(%dma_start3A_21 : memref<128xi32, #tpu.memory_space<hbm>>) target(%arg6 : memref<128xi32, #tpu.memory_space<vmem>>) target_semaphore(%run_scoped3A : memref<!tpu.dma_semaphore, #tpu.memory_space<semaphore_mem>>)
        %dma_wait3A = tpu.memref_slice %arg3[%add3A_20] : memref<1048576xi32, #tpu.memory_space<hbm>> -> memref<128xi32, #tpu.memory_space<hbm>>
        %dma_wait3A_22 = tpu.memref_slice %arg3[%add3A_20] : memref<1048576xi32, #tpu.memory_space<hbm>> -> memref<128xi32, #tpu.memory_space<hbm>>
        tpu.wait_dma2 semaphore(%run_scoped3A : memref<!tpu.dma_semaphore, #tpu.memory_space<semaphore_mem>>) src(%dma_wait3A_22 : memref<128xi32, #tpu.memory_space<hbm>>) dst(%arg6 : memref<128xi32, #tpu.memory_space<vmem>>)
        tpu.yield
      }) : () -> ()
      "tpu.region"() ({
        %run_scoped3A = tpu.sem_alloc : memref<!tpu.dma_semaphore, #tpu.memory_space<semaphore_mem>>
        %dma_start3A = arith.constant 0 : i32
        %dma_start3A_21 = tpu.memref_slice %arg2[%add3A_20, %dma_start3A] : memref<1048576x128xf32, #tpu.memory_space<hbm>> -> memref<128x128xf32, #tpu.memory_space<hbm>>
        %dma_start3A_22 = arith.constant 0 : i32
        %dma_start3A_23 = tpu.memref_slice %arg2[%add3A_20, %dma_start3A_22] : memref<1048576x128xf32, #tpu.memory_space<hbm>> -> memref<128x128xf32, #tpu.memory_space<hbm>>
        tpu.enqueue_dma source(%dma_start3A_23 : memref<128x128xf32, #tpu.memory_space<hbm>>) target(%arg7 : memref<128x128xf32, #tpu.memory_space<vmem>>) target_semaphore(%run_scoped3A : memref<!tpu.dma_semaphore, #tpu.memory_space<semaphore_mem>>)
        %dma_wait3A = arith.constant 0 : i32
        %dma_wait3A_24 = tpu.memref_slice %arg2[%add3A_20, %dma_wait3A] : memref<1048576x128xf32, #tpu.memory_space<hbm>> -> memref<128x128xf32, #tpu.memory_space<hbm>>
        %dma_wait3A_25 = arith.constant 0 : i32
        %dma_wait3A_26 = tpu.memref_slice %arg2[%add3A_20, %dma_wait3A_25] : memref<1048576x128xf32, #tpu.memory_space<hbm>> -> memref<128x128xf32, #tpu.memory_space<hbm>>
        tpu.wait_dma2 semaphore(%run_scoped3A : memref<!tpu.dma_semaphore, #tpu.memory_space<semaphore_mem>>) src(%dma_wait3A_26 : memref<128x128xf32, #tpu.memory_space<hbm>>) dst(%arg7 : memref<128x128xf32, #tpu.memory_space<vmem>>)
        tpu.yield
      }) : () -> ()
      "tpu.region"() ({
        %run_scoped3A = tpu.sem_alloc : memref<!tpu.dma_semaphore, #tpu.memory_space<semaphore_mem>>
        %dma_start3A = arith.constant 0 : i32
        %dma_start3A_21 = arith.constant 0 : i32
        %dma_start3A_22 = tpu.memref_slice %arg8[%dma_start3A, %dma_start3A_21] : memref<10240x128xf32, #tpu.memory_space<vmem_shared>> -> memref<10240x128xf32, #tpu.memory_space<vmem_shared>>
        tpu.enqueue_indirect_dma source(%arg7 : memref<128x128xf32, #tpu.memory_space<vmem>>) target(%dma_start3A_22 : memref<10240x128xf32, #tpu.memory_space<vmem_shared>>) offsets(%arg6 : memref<128xi32, #tpu.memory_space<vmem>>) semaphore(%run_scoped3A : memref<!tpu.dma_semaphore, #tpu.memory_space<semaphore_mem>>) {add = true}
        %dma_wait3A = arith.constant 0 : i32
        %dma_wait3A_23 = arith.constant 0 : i32
        %dma_wait3A_24 = tpu.memref_slice %arg8[%dma_wait3A, %dma_wait3A_23] : memref<10240x128xf32, #tpu.memory_space<vmem_shared>> -> memref<10240x128xf32, #tpu.memory_space<vmem_shared>>
        tpu.wait_indirect_dma semaphore(%run_scoped3A : memref<!tpu.dma_semaphore, #tpu.memory_space<semaphore_mem>>) src(%arg7 : memref<128x128xf32, #tpu.memory_space<vmem>>) dst(%dma_wait3A_24 : memref<10240x128xf32, #tpu.memory_space<vmem_shared>>)
        tpu.yield
      }) : () -> ()
    }
    %scan3A_9 = arith.constant 256 : i32
    %barrier3A_10 = arith.constant 0 : index
    tpu.barrier barrier_id(%barrier3A_10)
    %mul3A_11 = arith.constant 640 : i32
    %mul3A_12 = arith.muli %arg1, %mul3A_11 : i32
    %mul3A_13 = arith.constant 640 : i32
    %mul3A_14 = arith.muli %arg1, %mul3A_13 : i32
    "tpu.region"() ({
      %run_scoped3A = tpu.sem_alloc : memref<!tpu.dma_semaphore, #tpu.memory_space<semaphore_mem>>
      %dma_start3A = arith.constant 0 : i32
      %dma_start3A_15 = tpu.memref_slice %arg5[%arg0, %mul3A_14, %dma_start3A] : memref<2x10240x128xf32, #tpu.memory_space<hbm>> -> memref<1x640x128xf32, #tpu.memory_space<hbm>>
      %dma_start3A_16 = tpu.memref_squeeze %dma_start3A_15 : memref<1x640x128xf32, #tpu.memory_space<hbm>> -> memref<640x128xf32, #tpu.memory_space<hbm>>
      %dma_start3A_17 = arith.constant 0 : i32
      %dma_start3A_18 = tpu.memref_slice %arg8[%mul3A_12, %dma_start3A_17] : memref<10240x128xf32, #tpu.memory_space<vmem_shared>> -> memref<640x128xf32, #tpu.memory_space<vmem_shared>>
      tpu.enqueue_dma source(%dma_start3A_18 : memref<640x128xf32, #tpu.memory_space<vmem_shared>>) target(%dma_start3A_16 : memref<640x128xf32, #tpu.memory_space<hbm>>) target_semaphore(%run_scoped3A : memref<!tpu.dma_semaphore, #tpu.memory_space<semaphore_mem>>)
      %dma_wait3A = arith.constant 0 : i32
      %dma_wait3A_19 = tpu.memref_slice %arg5[%arg0, %mul3A_14, %dma_wait3A] : memref<2x10240x128xf32, #tpu.memory_space<hbm>> -> memref<1x640x128xf32, #tpu.memory_space<hbm>>
      %dma_wait3A_20 = tpu.memref_squeeze %dma_wait3A_19 : memref<1x640x128xf32, #tpu.memory_space<hbm>> -> memref<640x128xf32, #tpu.memory_space<hbm>>
      %dma_wait3A_21 = arith.constant 0 : i32
      %dma_wait3A_22 = tpu.memref_slice %arg8[%mul3A_12, %dma_wait3A_21] : memref<10240x128xf32, #tpu.memory_space<vmem_shared>> -> memref<640x128xf32, #tpu.memory_space<vmem_shared>>
      tpu.wait_dma2 semaphore(%run_scoped3A : memref<!tpu.dma_semaphore, #tpu.memory_space<semaphore_mem>>) src(%dma_wait3A_22 : memref<640x128xf32, #tpu.memory_space<vmem_shared>>) dst(%dma_wait3A_20 : memref<640x128xf32, #tpu.memory_space<hbm>>)
      tpu.yield
    }) : () -> ()
    return
  }
}

module attributes {stable_mosaic.version = 14 : i64} {
  func.func @_embed_body(%arg0: i32, %arg1: memref<256x1xi32, #tpu.memory_space<vmem>>, %arg2: memref<256x9xf32, #tpu.memory_space<vmem>>, %arg3: memref<4x128xf32, #tpu.memory_space<vmem>>, %arg4: memref<1x128xf32, #tpu.memory_space<vmem>>, %arg5: memref<6x128xf32, #tpu.memory_space<vmem>>, %arg6: memref<1x128xf32, #tpu.memory_space<vmem>>, %arg7: memref<256x128xf32, #tpu.memory_space<vmem>>) attributes {dimension_semantics = [#tpu.dimension_semantics<arbitrary>], iteration_bounds = array<i64: 40>, scalar_prefetch = 0 : i64, scratch_operands = 0 : i64, tpu.core_type = #tpu.core_type<tc>, window_params = [{transform_indices = @transform_0, window_bounds = array<i64: 256, 1>}, {transform_indices = @transform_1, window_bounds = array<i64: 256, 9>}, {pipeline_mode = #tpu.pipeline_mode<synchronous>, transform_indices = @transform_2, window_bounds = array<i64: 4, 128>}, {pipeline_mode = #tpu.pipeline_mode<synchronous>, transform_indices = @transform_3, window_bounds = array<i64: 1, 128>}, {pipeline_mode = #tpu.pipeline_mode<synchronous>, transform_indices = @transform_4, window_bounds = array<i64: 6, 128>}, {pipeline_mode = #tpu.pipeline_mode<synchronous>, transform_indices = @transform_5, window_bounds = array<i64: 1, 128>}, {transform_indices = @transform_6, window_bounds = array<i64: 256, 128>}]} {
    %get3A = arith.constant 0 : index
    %get3A_0 = arith.constant 0 : index
    %get3A_1 = vector.load %arg1[%get3A, %get3A_0] : memref<256x1xi32, #tpu.memory_space<vmem>>, vector<256x1xi32>
    %iota3A = tpu.iota {dimensions = array<i32: 1>} : vector<256x4xi32>
    %eq3A = vector.broadcast %get3A_1 : vector<256x1xi32> to vector<256x4xi32>
    %eq3A_2 = arith.cmpi eq, %eq3A, %iota3A : vector<256x4xi32>
    %convert_element_type3A = arith.extui %eq3A_2 : vector<256x4xi1> to vector<256x4xi32>
    %convert_element_type3A_3 = arith.sitofp %convert_element_type3A : vector<256x4xi32> to vector<256x4xf32>
    %get3A_4 = arith.constant 0 : index
    %get3A_5 = arith.constant 0 : index
    %get3A_6 = vector.load %arg3[%get3A_4, %get3A_5] : memref<4x128xf32, #tpu.memory_space<vmem>>, vector<4x128xf32>
    %dot_general3A = arith.constant dense<0.000000e+00> : vector<256x128xf32>
    %dot_general3A_7 = tpu.matmul %convert_element_type3A_3, %get3A_6, %dot_general3A {dimension_numbers = #tpu.dot_dimension_numbers<[1], [0], [0], [1], [0, 0, 1, 1], [], []>, transpose_lhs_hint = false} : vector<256x4xf32>, vector<4x128xf32>, vector<256x128xf32> -> vector<256x128xf32>
    %get3A_8 = arith.constant 0 : index
    %get3A_9 = arith.constant 0 : index
    %get3A_10 = vector.load %arg4[%get3A_8, %get3A_9] : memref<1x128xf32, #tpu.memory_space<vmem>>, vector<1x128xf32>
    %add3A = vector.broadcast %get3A_10 : vector<1x128xf32> to vector<256x128xf32>
    %add3A_11 = arith.addf %dot_general3A_7, %add3A : vector<256x128xf32>
    %get3A_12 = arith.constant 0 : index
    %get3A_13 = arith.constant 0 : index
    %get3A_14 = vector.load %arg2[%get3A_12, %get3A_13] : memref<256x9xf32, #tpu.memory_space<vmem>>, vector<256x9xf32>
    %slice3A = vector.extract_strided_slice %get3A_14 {offsets = [0, 0], sizes = [256, 1], strides = [1, 1]} : vector<256x9xf32> to vector<256x1xf32>
    %slice3A_15 = vector.extract_strided_slice %get3A_14 {offsets = [0, 4], sizes = [256, 1], strides = [1, 1]} : vector<256x9xf32> to vector<256x1xf32>
    %slice3A_16 = vector.extract_strided_slice %get3A_14 {offsets = [0, 8], sizes = [256, 1], strides = [1, 1]} : vector<256x9xf32> to vector<256x1xf32>
    %concatenate3A = tpu.concatenate %slice3A, %slice3A_15, %slice3A_16 in 1 : vector<256x1xf32>, vector<256x1xf32>, vector<256x1xf32> -> vector<256x3xf32>
    %mul3A = arith.mulf %get3A_14, %get3A_14 : vector<256x9xf32>
    %reduce_sum3A = arith.constant dense<0.000000e+00> : vector<256xf32>
    %reduce_sum3A_17 = vector.multi_reduction <add>, %mul3A, %reduce_sum3A [1] : vector<256x9xf32> to vector<256xf32>
    %broadcast_in_dim3A = vector.shape_cast %reduce_sum3A_17 : vector<256xf32> to vector<256x1xf32>
    %sqrt3A = math.sqrt %broadcast_in_dim3A : vector<256x1xf32>
    %reduce_sum3A_18 = arith.constant dense<0.000000e+00> : vector<256xf32>
    %reduce_sum3A_19 = vector.multi_reduction <add>, %concatenate3A, %reduce_sum3A_18 [1] : vector<256x3xf32> to vector<256xf32>
    %broadcast_in_dim3A_20 = vector.shape_cast %reduce_sum3A_19 : vector<256xf32> to vector<256x1xf32>
    %slice3A_21 = vector.extract_strided_slice %get3A_14 {offsets = [0, 0], sizes = [256, 1], strides = [1, 1]} : vector<256x9xf32> to vector<256x1xf32>
    %squeeze3A = vector.shape_cast %slice3A_21 : vector<256x1xf32> to vector<256xf32>
    %slice3A_22 = vector.extract_strided_slice %get3A_14 {offsets = [0, 4], sizes = [256, 1], strides = [1, 1]} : vector<256x9xf32> to vector<256x1xf32>
    %squeeze3A_23 = vector.shape_cast %slice3A_22 : vector<256x1xf32> to vector<256xf32>
    %slice3A_24 = vector.extract_strided_slice %get3A_14 {offsets = [0, 8], sizes = [256, 1], strides = [1, 1]} : vector<256x9xf32> to vector<256x1xf32>
    %squeeze3A_25 = vector.shape_cast %slice3A_24 : vector<256x1xf32> to vector<256xf32>
    %mul3A_26 = arith.mulf %squeeze3A_23, %squeeze3A_25 : vector<256xf32>
    %slice3A_27 = vector.extract_strided_slice %get3A_14 {offsets = [0, 5], sizes = [256, 1], strides = [1, 1]} : vector<256x9xf32> to vector<256x1xf32>
    %squeeze3A_28 = vector.shape_cast %slice3A_27 : vector<256x1xf32> to vector<256xf32>
    %slice3A_29 = vector.extract_strided_slice %get3A_14 {offsets = [0, 7], sizes = [256, 1], strides = [1, 1]} : vector<256x9xf32> to vector<256x1xf32>
    %squeeze3A_30 = vector.shape_cast %slice3A_29 : vector<256x1xf32> to vector<256xf32>
    %mul3A_31 = arith.mulf %squeeze3A_28, %squeeze3A_30 : vector<256xf32>
    %sub3A = arith.subf %mul3A_26, %mul3A_31 : vector<256xf32>
    %mul3A_32 = arith.mulf %squeeze3A, %sub3A : vector<256xf32>
    %slice3A_33 = vector.extract_strided_slice %get3A_14 {offsets = [0, 1], sizes = [256, 1], strides = [1, 1]} : vector<256x9xf32> to vector<256x1xf32>
    %squeeze3A_34 = vector.shape_cast %slice3A_33 : vector<256x1xf32> to vector<256xf32>
    %slice3A_35 = vector.extract_strided_slice %get3A_14 {offsets = [0, 3], sizes = [256, 1], strides = [1, 1]} : vector<256x9xf32> to vector<256x1xf32>
    %squeeze3A_36 = vector.shape_cast %slice3A_35 : vector<256x1xf32> to vector<256xf32>
    %slice3A_37 = vector.extract_strided_slice %get3A_14 {offsets = [0, 8], sizes = [256, 1], strides = [1, 1]} : vector<256x9xf32> to vector<256x1xf32>
    %squeeze3A_38 = vector.shape_cast %slice3A_37 : vector<256x1xf32> to vector<256xf32>
    %mul3A_39 = arith.mulf %squeeze3A_36, %squeeze3A_38 : vector<256xf32>
    %slice3A_40 = vector.extract_strided_slice %get3A_14 {offsets = [0, 5], sizes = [256, 1], strides = [1, 1]} : vector<256x9xf32> to vector<256x1xf32>
    %squeeze3A_41 = vector.shape_cast %slice3A_40 : vector<256x1xf32> to vector<256xf32>
    %slice3A_42 = vector.extract_strided_slice %get3A_14 {offsets = [0, 6], sizes = [256, 1], strides = [1, 1]} : vector<256x9xf32> to vector<256x1xf32>
    %squeeze3A_43 = vector.shape_cast %slice3A_42 : vector<256x1xf32> to vector<256xf32>
    %mul3A_44 = arith.mulf %squeeze3A_41, %squeeze3A_43 : vector<256xf32>
    %sub3A_45 = arith.subf %mul3A_39, %mul3A_44 : vector<256xf32>
    %mul3A_46 = arith.mulf %squeeze3A_34, %sub3A_45 : vector<256xf32>
    %sub3A_47 = arith.subf %mul3A_32, %mul3A_46 : vector<256xf32>
    %slice3A_48 = vector.extract_strided_slice %get3A_14 {offsets = [0, 2], sizes = [256, 1], strides = [1, 1]} : vector<256x9xf32> to vector<256x1xf32>
    %squeeze3A_49 = vector.shape_cast %slice3A_48 : vector<256x1xf32> to vector<256xf32>
    %slice3A_50 = vector.extract_strided_slice %get3A_14 {offsets = [0, 3], sizes = [256, 1], strides = [1, 1]} : vector<256x9xf32> to vector<256x1xf32>
    %squeeze3A_51 = vector.shape_cast %slice3A_50 : vector<256x1xf32> to vector<256xf32>
    %slice3A_52 = vector.extract_strided_slice %get3A_14 {offsets = [0, 7], sizes = [256, 1], strides = [1, 1]} : vector<256x9xf32> to vector<256x1xf32>
    %squeeze3A_53 = vector.shape_cast %slice3A_52 : vector<256x1xf32> to vector<256xf32>
    %mul3A_54 = arith.mulf %squeeze3A_51, %squeeze3A_53 : vector<256xf32>
    %slice3A_55 = vector.extract_strided_slice %get3A_14 {offsets = [0, 4], sizes = [256, 1], strides = [1, 1]} : vector<256x9xf32> to vector<256x1xf32>
    %squeeze3A_56 = vector.shape_cast %slice3A_55 : vector<256x1xf32> to vector<256xf32>
    %slice3A_57 = vector.extract_strided_slice %get3A_14 {offsets = [0, 6], sizes = [256, 1], strides = [1, 1]} : vector<256x9xf32> to vector<256x1xf32>
    %squeeze3A_58 = vector.shape_cast %slice3A_57 : vector<256x1xf32> to vector<256xf32>
    %mul3A_59 = arith.mulf %squeeze3A_56, %squeeze3A_58 : vector<256xf32>
    %sub3A_60 = arith.subf %mul3A_54, %mul3A_59 : vector<256xf32>
    %mul3A_61 = arith.mulf %squeeze3A_49, %sub3A_60 : vector<256xf32>
    %add3A_62 = arith.addf %sub3A_47, %mul3A_61 : vector<256xf32>
    %broadcast_in_dim3A_63 = vector.shape_cast %add3A_62 : vector<256xf32> to vector<256x1xf32>
    %concatenate3A_64 = tpu.concatenate %concatenate3A, %sqrt3A, %broadcast_in_dim3A_20, %broadcast_in_dim3A_63 in 1 : vector<256x3xf32>, vector<256x1xf32>, vector<256x1xf32>, vector<256x1xf32> -> vector<256x6xf32>
    %get3A_65 = arith.constant 0 : index
    %get3A_66 = arith.constant 0 : index
    %get3A_67 = vector.load %arg5[%get3A_65, %get3A_66] : memref<6x128xf32, #tpu.memory_space<vmem>>, vector<6x128xf32>
    %dot_general3A_68 = arith.constant dense<0.000000e+00> : vector<256x128xf32>
    %dot_general3A_69 = tpu.matmul %concatenate3A_64, %get3A_67, %dot_general3A_68 {dimension_numbers = #tpu.dot_dimension_numbers<[1], [0], [0], [1], [0, 0, 1, 1], [], []>, transpose_lhs_hint = false} : vector<256x6xf32>, vector<6x128xf32>, vector<256x128xf32> -> vector<256x128xf32>
    %add3A_70 = arith.addf %add3A_11, %dot_general3A_69 : vector<256x128xf32>
    %get3A_71 = arith.constant 0 : index
    %get3A_72 = arith.constant 0 : index
    %get3A_73 = vector.load %arg6[%get3A_71, %get3A_72] : memref<1x128xf32, #tpu.memory_space<vmem>>, vector<1x128xf32>
    %add3A_74 = vector.broadcast %get3A_73 : vector<1x128xf32> to vector<256x128xf32>
    %add3A_75 = arith.addf %add3A_70, %add3A_74 : vector<256x128xf32>
    %swap3A = arith.constant 0 : index
    %swap3A_76 = arith.constant 0 : index
    %swap3A_77 = vector.load %arg7[%swap3A, %swap3A_76] : memref<256x128xf32, #tpu.memory_space<vmem>>, vector<256x128xf32>
    tpu.vector_store %arg7[%swap3A, %swap3A_76], %add3A_75 {strides = array<i32>} : memref<256x128xf32, #tpu.memory_space<vmem>>, vector<256x128xf32>,
    return
  }
  func.func @transform_0(%arg0: i32) -> (i32, i32) {
    %c0_i32 = arith.constant 0 : i32
    %c0_i32_0 = arith.constant 0 : i32
    return %arg0, %c0_i32 : i32, i32
  }
  func.func @transform_1(%arg0: i32) -> (i32, i32) {
    %c0_i32 = arith.constant 0 : i32
    %c0_i32_0 = arith.constant 0 : i32
    return %arg0, %c0_i32 : i32, i32
  }
  func.func @transform_2(%arg0: i32) -> (i32, i32) {
    %c0_i32 = arith.constant 0 : i32
    %c0_i32_0 = arith.constant 0 : i32
    %c0_i32_1 = arith.constant 0 : i32
    return %c0_i32, %c0_i32_0 : i32, i32
  }
  func.func @transform_3(%arg0: i32) -> (i32, i32) {
    %c0_i32 = arith.constant 0 : i32
    %c0_i32_0 = arith.constant 0 : i32
    %c0_i32_1 = arith.constant 0 : i32
    return %c0_i32, %c0_i32_0 : i32, i32
  }
  func.func @transform_4(%arg0: i32) -> (i32, i32) {
    %c0_i32 = arith.constant 0 : i32
    %c0_i32_0 = arith.constant 0 : i32
    %c0_i32_1 = arith.constant 0 : i32
    return %c0_i32, %c0_i32_0 : i32, i32
  }
  func.func @transform_5(%arg0: i32) -> (i32, i32) {
    %c0_i32 = arith.constant 0 : i32
    %c0_i32_0 = arith.constant 0 : i32
    %c0_i32_1 = arith.constant 0 : i32
    return %c0_i32, %c0_i32_0 : i32, i32
  }
  func.func @transform_6(%arg0: i32) -> (i32, i32) {
    %c0_i32 = arith.constant 0 : i32
    %c0_i32_0 = arith.constant 0 : i32
    return %arg0, %c0_i32 : i32, i32
  }
}

module attributes {stable_mosaic.version = 14 : i64} {
  func.func @_ab_body(%arg0: i32, %arg1: memref<256x128xf32, #tpu.memory_space<vmem>>, %arg2: memref<128x128xf32, #tpu.memory_space<vmem>>, %arg3: memref<128x128xf32, #tpu.memory_space<vmem>>, %arg4: memref<1x128xf32, #tpu.memory_space<vmem>>, %arg5: memref<256x128xf32, #tpu.memory_space<vmem>>, %arg6: memref<256x128xf32, #tpu.memory_space<vmem>>) attributes {dimension_semantics = [#tpu.dimension_semantics<arbitrary>], iteration_bounds = array<i64: 40>, scalar_prefetch = 0 : i64, scratch_operands = 0 : i64, tpu.core_type = #tpu.core_type<tc>, window_params = [{transform_indices = @transform_0, window_bounds = array<i64: 256, 128>}, {pipeline_mode = #tpu.pipeline_mode<synchronous>, transform_indices = @transform_1, window_bounds = array<i64: 128, 128>}, {pipeline_mode = #tpu.pipeline_mode<synchronous>, transform_indices = @transform_2, window_bounds = array<i64: 128, 128>}, {pipeline_mode = #tpu.pipeline_mode<synchronous>, transform_indices = @transform_3, window_bounds = array<i64: 1, 128>}, {transform_indices = @transform_4, window_bounds = array<i64: 256, 128>}, {transform_indices = @transform_5, window_bounds = array<i64: 256, 128>}]} {
    %get3A = arith.constant 0 : index
    %get3A_0 = arith.constant 0 : index
    %get3A_1 = vector.load %arg1[%get3A, %get3A_0] : memref<256x128xf32, #tpu.memory_space<vmem>>, vector<256x128xf32>
    %get3A_2 = arith.constant 0 : index
    %get3A_3 = arith.constant 0 : index
    %get3A_4 = vector.load %arg2[%get3A_2, %get3A_3] : memref<128x128xf32, #tpu.memory_space<vmem>>, vector<128x128xf32>
    %dot_general3A = arith.constant dense<0.000000e+00> : vector<256x128xf32>
    %dot_general3A_5 = tpu.matmul %get3A_1, %get3A_4, %dot_general3A {dimension_numbers = #tpu.dot_dimension_numbers<[1], [0], [0], [1], [0, 0, 1, 1], [], []>, transpose_lhs_hint = false} : vector<256x128xf32>, vector<128x128xf32>, vector<256x128xf32> -> vector<256x128xf32>
    %swap3A = arith.constant 0 : index
    %swap3A_6 = arith.constant 0 : index
    %swap3A_7 = vector.load %arg5[%swap3A, %swap3A_6] : memref<256x128xf32, #tpu.memory_space<vmem>>, vector<256x128xf32>
    tpu.vector_store %arg5[%swap3A, %swap3A_6], %dot_general3A_5 {strides = array<i32>} : memref<256x128xf32, #tpu.memory_space<vmem>>, vector<256x128xf32>,
    %get3A_8 = arith.constant 0 : index
    %get3A_9 = arith.constant 0 : index
    %get3A_10 = vector.load %arg3[%get3A_8, %get3A_9] : memref<128x128xf32, #tpu.memory_space<vmem>>, vector<128x128xf32>
    %dot_general3A_11 = arith.constant dense<0.000000e+00> : vector<256x128xf32>
    %dot_general3A_12 = tpu.matmul %get3A_1, %get3A_10, %dot_general3A_11 {dimension_numbers = #tpu.dot_dimension_numbers<[1], [0], [0], [1], [0, 0, 1, 1], [], []>, transpose_lhs_hint = false} : vector<256x128xf32>, vector<128x128xf32>, vector<256x128xf32> -> vector<256x128xf32>
    %get3A_13 = arith.constant 0 : index
    %get3A_14 = arith.constant 0 : index
    %get3A_15 = vector.load %arg4[%get3A_13, %get3A_14] : memref<1x128xf32, #tpu.memory_space<vmem>>, vector<1x128xf32>
    %add3A = vector.broadcast %get3A_15 : vector<1x128xf32> to vector<256x128xf32>
    %add3A_16 = arith.addf %dot_general3A_12, %add3A : vector<256x128xf32>
    %swap3A_17 = arith.constant 0 : index
    %swap3A_18 = arith.constant 0 : index
    %swap3A_19 = vector.load %arg6[%swap3A_17, %swap3A_18] : memref<256x128xf32, #tpu.memory_space<vmem>>, vector<256x128xf32>
    tpu.vector_store %arg6[%swap3A_17, %swap3A_18], %add3A_16 {strides = array<i32>} : memref<256x128xf32, #tpu.memory_space<vmem>>, vector<256x128xf32>,
    return
  }
  func.func @transform_0(%arg0: i32) -> (i32, i32) {
    %c0_i32 = arith.constant 0 : i32
    %c0_i32_0 = arith.constant 0 : i32
    return %arg0, %c0_i32 : i32, i32
  }
  func.func @transform_1(%arg0: i32) -> (i32, i32) {
    %c0_i32 = arith.constant 0 : i32
    %c0_i32_0 = arith.constant 0 : i32
    %c0_i32_1 = arith.constant 0 : i32
    return %c0_i32, %c0_i32_0 : i32, i32
  }
  func.func @transform_2(%arg0: i32) -> (i32, i32) {
    %c0_i32 = arith.constant 0 : i32
    %c0_i32_0 = arith.constant 0 : i32
    %c0_i32_1 = arith.constant 0 : i32
    return %c0_i32, %c0_i32_0 : i32, i32
  }
  func.func @transform_3(%arg0: i32) -> (i32, i32) {
    %c0_i32 = arith.constant 0 : i32
    %c0_i32_0 = arith.constant 0 : i32
    %c0_i32_1 = arith.constant 0 : i32
    return %c0_i32, %c0_i32_0 : i32, i32
  }
  func.func @transform_4(%arg0: i32) -> (i32, i32) {
    %c0_i32 = arith.constant 0 : i32
    %c0_i32_0 = arith.constant 0 : i32
    return %arg0, %c0_i32 : i32, i32
  }
  func.func @transform_5(%arg0: i32) -> (i32, i32) {
    %c0_i32 = arith.constant 0 : i32
    %c0_i32_0 = arith.constant 0 : i32
    return %arg0, %c0_i32 : i32, i32
  }
}

module attributes {stable_mosaic.version = 14 : i64} {
  func.func @_edge_feats_body(%arg0: i32, %arg1: memref<1024x1xf32, #tpu.memory_space<vmem>>, %arg2: memref<1024x17xf32, #tpu.memory_space<vmem>>) attributes {dimension_semantics = [#tpu.dimension_semantics<arbitrary>], iteration_bounds = array<i64: 1024>, scalar_prefetch = 0 : i64, scratch_operands = 0 : i64, tpu.core_type = #tpu.core_type<tc>, window_params = [{transform_indices = @transform_0, window_bounds = array<i64: 1024, 1>}, {transform_indices = @transform_1, window_bounds = array<i64: 1024, 17>}]} {
    %get3A = arith.constant 0 : index
    %get3A_0 = arith.constant 0 : index
    %get3A_1 = vector.load %arg1[%get3A, %get3A_0] : memref<1024x1xf32, #tpu.memory_space<vmem>>, vector<1024x1xf32>
    %sqrt3A = math.sqrt %get3A_1 : vector<1024x1xf32>
    %iota3A = tpu.iota {dimensions = array<i32: 1>} : vector<1x16xi32>
    %convert_element_type3A = arith.sitofp %iota3A : vector<1x16xi32> to vector<1x16xf32>
    %mul3A = arith.constant 0.666666686 : f32
    %mul3A_2 = vector.broadcast %mul3A : f32 to vector<1x16xf32>
    %mul3A_3 = arith.mulf %convert_element_type3A, %mul3A_2 : vector<1x16xf32>
    %sub3A = vector.broadcast %sqrt3A : vector<1024x1xf32> to vector<1024x16xf32>
    %sub3A_4 = vector.broadcast %mul3A_3 : vector<1x16xf32> to vector<1024x16xf32>
    %sub3A_5 = arith.subf %sub3A, %sub3A_4 : vector<1024x16xf32>
    %integer_pow3A = arith.mulf %sub3A_5, %sub3A_5 : vector<1024x16xf32>
    %neg3A = arith.constant 0.000000e+00 : f32
    %neg3A_6 = vector.broadcast %neg3A : f32 to vector<1024x16xf32>
    %neg3A_7 = arith.subf %neg3A_6, %integer_pow3A : vector<1024x16xf32>
    %div3A = arith.constant 7.812500e-01 : f32
    %div3A_8 = vector.broadcast %div3A : f32 to vector<1024x16xf32>
    %div3A_9 = arith.divf %neg3A_7, %div3A_8 : vector<1024x16xf32>
    %exp3A = math.exp %div3A_9 : vector<1024x16xf32>
    %concatenate3A = tpu.concatenate %get3A_1, %exp3A in 1 : vector<1024x1xf32>, vector<1024x16xf32> -> vector<1024x17xf32>
    %swap3A = arith.constant 0 : index
    %swap3A_10 = arith.constant 0 : index
    %swap3A_11 = vector.load %arg2[%swap3A, %swap3A_10] : memref<1024x17xf32, #tpu.memory_space<vmem>>, vector<1024x17xf32>
    tpu.vector_store %arg2[%swap3A, %swap3A_10], %concatenate3A {strides = array<i32>} : memref<1024x17xf32, #tpu.memory_space<vmem>>, vector<1024x17xf32>,
    return
  }
  func.func @transform_0(%arg0: i32) -> (i32, i32) {
    %c0_i32 = arith.constant 0 : i32
    %c0_i32_0 = arith.constant 0 : i32
    return %arg0, %c0_i32 : i32, i32
  }
  func.func @transform_1(%arg0: i32) -> (i32, i32) {
    %c0_i32 = arith.constant 0 : i32
    %c0_i32_0 = arith.constant 0 : i32
    return %arg0, %c0_i32 : i32, i32
  }
}

module attributes {stable_mosaic.version = 14 : i64} {
  func.func @_edge_mlp_body(%arg0: i32, %arg1: memref<1024x128xf32, #tpu.memory_space<vmem>>, %arg2: memref<1024x128xf32, #tpu.memory_space<vmem>>, %arg3: memref<1024x17xf32, #tpu.memory_space<vmem>>, %arg4: memref<17x128xf32, #tpu.memory_space<vmem>>, %arg5: memref<128x128xf32, #tpu.memory_space<vmem>>, %arg6: memref<1x128xf32, #tpu.memory_space<vmem>>, %arg7: memref<1024x128xf32, #tpu.memory_space<vmem>>) attributes {dimension_semantics = [#tpu.dimension_semantics<arbitrary>], iteration_bounds = array<i64: 1024>, scalar_prefetch = 0 : i64, scratch_operands = 0 : i64, tpu.core_type = #tpu.core_type<tc>, window_params = [{transform_indices = @transform_0, window_bounds = array<i64: 1024, 128>}, {transform_indices = @transform_1, window_bounds = array<i64: 1024, 128>}, {transform_indices = @transform_2, window_bounds = array<i64: 1024, 17>}, {pipeline_mode = #tpu.pipeline_mode<synchronous>, transform_indices = @transform_3, window_bounds = array<i64: 17, 128>}, {pipeline_mode = #tpu.pipeline_mode<synchronous>, transform_indices = @transform_4, window_bounds = array<i64: 128, 128>}, {pipeline_mode = #tpu.pipeline_mode<synchronous>, transform_indices = @transform_5, window_bounds = array<i64: 1, 128>}, {transform_indices = @transform_6, window_bounds = array<i64: 1024, 128>}]} {
    %get3A = arith.constant 0 : index
    %get3A_0 = arith.constant 0 : index
    %get3A_1 = vector.load %arg1[%get3A, %get3A_0] : memref<1024x128xf32, #tpu.memory_space<vmem>>, vector<1024x128xf32>
    %get3A_2 = arith.constant 0 : index
    %get3A_3 = arith.constant 0 : index
    %get3A_4 = vector.load %arg2[%get3A_2, %get3A_3] : memref<1024x128xf32, #tpu.memory_space<vmem>>, vector<1024x128xf32>
    %add3A = arith.addf %get3A_1, %get3A_4 : vector<1024x128xf32>
    %get3A_5 = arith.constant 0 : index
    %get3A_6 = arith.constant 0 : index
    %get3A_7 = vector.load %arg3[%get3A_5, %get3A_6] : memref<1024x17xf32, #tpu.memory_space<vmem>>, vector<1024x17xf32>
    %get3A_8 = arith.constant 0 : index
    %get3A_9 = arith.constant 0 : index
    %get3A_10 = vector.load %arg4[%get3A_8, %get3A_9] : memref<17x128xf32, #tpu.memory_space<vmem>>, vector<17x128xf32>
    %dot_general3A = arith.constant dense<0.000000e+00> : vector<1024x128xf32>
    %dot_general3A_11 = tpu.matmul %get3A_7, %get3A_10, %dot_general3A {dimension_numbers = #tpu.dot_dimension_numbers<[1], [0], [0], [1], [0, 0, 1, 1], [], []>, transpose_lhs_hint = false} : vector<1024x17xf32>, vector<17x128xf32>, vector<1024x128xf32> -> vector<1024x128xf32>
    %add3A_12 = arith.addf %add3A, %dot_general3A_11 : vector<1024x128xf32>
    %logistic3A = arith.negf %add3A_12 : vector<1024x128xf32>
    %logistic3A_13 = math.exp %logistic3A : vector<1024x128xf32>
    %logistic3A_14 = arith.constant 1.000000e+00 : f32
    %logistic3A_15 = vector.broadcast %logistic3A_14 : f32 to vector<1024x128xf32>
    %logistic3A_16 = arith.addf %logistic3A_15, %logistic3A_13 : vector<1024x128xf32>
    %logistic3A_17 = arith.divf %logistic3A_15, %logistic3A_16 : vector<1024x128xf32>
    %mul3A = arith.mulf %add3A_12, %logistic3A_17 : vector<1024x128xf32>
    %get3A_18 = arith.constant 0 : index
    %get3A_19 = arith.constant 0 : index
    %get3A_20 = vector.load %arg5[%get3A_18, %get3A_19] : memref<128x128xf32, #tpu.memory_space<vmem>>, vector<128x128xf32>
    %dot_general3A_21 = arith.constant dense<0.000000e+00> : vector<1024x128xf32>
    %dot_general3A_22 = tpu.matmul %mul3A, %get3A_20, %dot_general3A_21 {dimension_numbers = #tpu.dot_dimension_numbers<[1], [0], [0], [1], [0, 0, 1, 1], [], []>, transpose_lhs_hint = false} : vector<1024x128xf32>, vector<128x128xf32>, vector<1024x128xf32> -> vector<1024x128xf32>
    %get3A_23 = arith.constant 0 : index
    %get3A_24 = arith.constant 0 : index
    %get3A_25 = vector.load %arg6[%get3A_23, %get3A_24] : memref<1x128xf32, #tpu.memory_space<vmem>>, vector<1x128xf32>
    %add3A_26 = vector.broadcast %get3A_25 : vector<1x128xf32> to vector<1024x128xf32>
    %add3A_27 = arith.addf %dot_general3A_22, %add3A_26 : vector<1024x128xf32>
    %logistic3A_28 = arith.negf %add3A_27 : vector<1024x128xf32>
    %logistic3A_29 = math.exp %logistic3A_28 : vector<1024x128xf32>
    %logistic3A_30 = arith.constant 1.000000e+00 : f32
    %logistic3A_31 = vector.broadcast %logistic3A_30 : f32 to vector<1024x128xf32>
    %logistic3A_32 = arith.addf %logistic3A_31, %logistic3A_29 : vector<1024x128xf32>
    %logistic3A_33 = arith.divf %logistic3A_31, %logistic3A_32 : vector<1024x128xf32>
    %mul3A_34 = arith.mulf %add3A_27, %logistic3A_33 : vector<1024x128xf32>
    %swap3A = arith.constant 0 : index
    %swap3A_35 = arith.constant 0 : index
    %swap3A_36 = vector.load %arg7[%swap3A, %swap3A_35] : memref<1024x128xf32, #tpu.memory_space<vmem>>, vector<1024x128xf32>
    tpu.vector_store %arg7[%swap3A, %swap3A_35], %mul3A_34 {strides = array<i32>} : memref<1024x128xf32, #tpu.memory_space<vmem>>, vector<1024x128xf32>,
    return
  }
  func.func @transform_0(%arg0: i32) -> (i32, i32) {
    %c0_i32 = arith.constant 0 : i32
    %c0_i32_0 = arith.constant 0 : i32
    return %arg0, %c0_i32 : i32, i32
  }
  func.func @transform_1(%arg0: i32) -> (i32, i32) {
    %c0_i32 = arith.constant 0 : i32
    %c0_i32_0 = arith.constant 0 : i32
    return %arg0, %c0_i32 : i32, i32
  }
  func.func @transform_2(%arg0: i32) -> (i32, i32) {
    %c0_i32 = arith.constant 0 : i32
    %c0_i32_0 = arith.constant 0 : i32
    return %arg0, %c0_i32 : i32, i32
  }
  func.func @transform_3(%arg0: i32) -> (i32, i32) {
    %c0_i32 = arith.constant 0 : i32
    %c0_i32_0 = arith.constant 0 : i32
    %c0_i32_1 = arith.constant 0 : i32
    return %c0_i32, %c0_i32_0 : i32, i32
  }
  func.func @transform_4(%arg0: i32) -> (i32, i32) {
    %c0_i32 = arith.constant 0 : i32
    %c0_i32_0 = arith.constant 0 : i32
    %c0_i32_1 = arith.constant 0 : i32
    return %c0_i32, %c0_i32_0 : i32, i32
  }
  func.func @transform_5(%arg0: i32) -> (i32, i32) {
    %c0_i32 = arith.constant 0 : i32
    %c0_i32_0 = arith.constant 0 : i32
    %c0_i32_1 = arith.constant 0 : i32
    return %c0_i32, %c0_i32_0 : i32, i32
  }
  func.func @transform_6(%arg0: i32) -> (i32, i32) {
    %c0_i32 = arith.constant 0 : i32
    %c0_i32_0 = arith.constant 0 : i32
    return %arg0, %c0_i32 : i32, i32
  }
}

module attributes {stable_mosaic.version = 14 : i64} {
  func.func @_node_upd_body(%arg0: i32, %arg1: memref<256x128xf32, #tpu.memory_space<vmem>>, %arg2: memref<1x256x128xf32, #tpu.memory_space<vmem>>, %arg3: memref<1x256x128xf32, #tpu.memory_space<vmem>>, %arg4: memref<128x128xf32, #tpu.memory_space<vmem>>, %arg5: memref<128x128xf32, #tpu.memory_space<vmem>>, %arg6: memref<1x128xf32, #tpu.memory_space<vmem>>, %arg7: memref<128x128xf32, #tpu.memory_space<vmem>>, %arg8: memref<1x128xf32, #tpu.memory_space<vmem>>, %arg9: memref<256x128xf32, #tpu.memory_space<vmem>>) attributes {dimension_semantics = [#tpu.dimension_semantics<arbitrary>], iteration_bounds = array<i64: 40>, scalar_prefetch = 0 : i64, scratch_operands = 0 : i64, tpu.core_type = #tpu.core_type<tc>, window_params = [{transform_indices = @transform_0, window_bounds = array<i64: 256, 128>}, {transform_indices = @transform_1, window_bounds = array<i64: 1, 256, 128>}, {transform_indices = @transform_2, window_bounds = array<i64: 1, 256, 128>}, {pipeline_mode = #tpu.pipeline_mode<synchronous>, transform_indices = @transform_3, window_bounds = array<i64: 128, 128>}, {pipeline_mode = #tpu.pipeline_mode<synchronous>, transform_indices = @transform_4, window_bounds = array<i64: 128, 128>}, {pipeline_mode = #tpu.pipeline_mode<synchronous>, transform_indices = @transform_5, window_bounds = array<i64: 1, 128>}, {pipeline_mode = #tpu.pipeline_mode<synchronous>, transform_indices = @transform_6, window_bounds = array<i64: 128, 128>}, {pipeline_mode = #tpu.pipeline_mode<synchronous>, transform_indices = @transform_7, window_bounds = array<i64: 1, 128>}, {transform_indices = @transform_8, window_bounds = array<i64: 256, 128>}]} {
    %get3A = arith.constant 0 : index
    %get3A_0 = arith.constant 0 : index
    %get3A_1 = vector.load %arg1[%get3A, %get3A_0] : memref<256x128xf32, #tpu.memory_space<vmem>>, vector<256x128xf32>
    %get3A_2 = arith.constant 0 : index
    %get3A_3 = arith.constant 0 : index
    %get3A_4 = arith.constant 0 : index
    %get3A_5 = vector.load %arg2[%get3A_2, %get3A_3, %get3A_4] : memref<1x256x128xf32, #tpu.memory_space<vmem>>, vector<1x256x128xf32>
    %get3A_6 = vector.shape_cast %get3A_5 : vector<1x256x128xf32> to vector<256x128xf32>
    %get3A_7 = arith.constant 0 : index
    %get3A_8 = arith.constant 0 : index
    %get3A_9 = arith.constant 0 : index
    %get3A_10 = vector.load %arg3[%get3A_7, %get3A_8, %get3A_9] : memref<1x256x128xf32, #tpu.memory_space<vmem>>, vector<1x256x128xf32>
    %get3A_11 = vector.shape_cast %get3A_10 : vector<1x256x128xf32> to vector<256x128xf32>
    %add3A = arith.addf %get3A_6, %get3A_11 : vector<256x128xf32>
    %get3A_12 = arith.constant 0 : index
    %get3A_13 = arith.constant 0 : index
    %get3A_14 = vector.load %arg4[%get3A_12, %get3A_13] : memref<128x128xf32, #tpu.memory_space<vmem>>, vector<128x128xf32>
    %dot_general3A = arith.constant dense<0.000000e+00> : vector<256x128xf32>
    %dot_general3A_15 = tpu.matmul %get3A_1, %get3A_14, %dot_general3A {dimension_numbers = #tpu.dot_dimension_numbers<[1], [0], [0], [1], [0, 0, 1, 1], [], []>, transpose_lhs_hint = false} : vector<256x128xf32>, vector<128x128xf32>, vector<256x128xf32> -> vector<256x128xf32>
    %get3A_16 = arith.constant 0 : index
    %get3A_17 = arith.constant 0 : index
    %get3A_18 = vector.load %arg5[%get3A_16, %get3A_17] : memref<128x128xf32, #tpu.memory_space<vmem>>, vector<128x128xf32>
    %dot_general3A_19 = arith.constant dense<0.000000e+00> : vector<256x128xf32>
    %dot_general3A_20 = tpu.matmul %add3A, %get3A_18, %dot_general3A_19 {dimension_numbers = #tpu.dot_dimension_numbers<[1], [0], [0], [1], [0, 0, 1, 1], [], []>, transpose_lhs_hint = false} : vector<256x128xf32>, vector<128x128xf32>, vector<256x128xf32> -> vector<256x128xf32>
    %add3A_21 = arith.addf %dot_general3A_15, %dot_general3A_20 : vector<256x128xf32>
    %get3A_22 = arith.constant 0 : index
    %get3A_23 = arith.constant 0 : index
    %get3A_24 = vector.load %arg6[%get3A_22, %get3A_23] : memref<1x128xf32, #tpu.memory_space<vmem>>, vector<1x128xf32>
    %add3A_25 = vector.broadcast %get3A_24 : vector<1x128xf32> to vector<256x128xf32>
    %add3A_26 = arith.addf %add3A_21, %add3A_25 : vector<256x128xf32>
    %logistic3A = arith.negf %add3A_26 : vector<256x128xf32>
    %logistic3A_27 = math.exp %logistic3A : vector<256x128xf32>
    %logistic3A_28 = arith.constant 1.000000e+00 : f32
    %logistic3A_29 = vector.broadcast %logistic3A_28 : f32 to vector<256x128xf32>
    %logistic3A_30 = arith.addf %logistic3A_29, %logistic3A_27 : vector<256x128xf32>
    %logistic3A_31 = arith.divf %logistic3A_29, %logistic3A_30 : vector<256x128xf32>
    %mul3A = arith.mulf %add3A_26, %logistic3A_31 : vector<256x128xf32>
    %get3A_32 = arith.constant 0 : index
    %get3A_33 = arith.constant 0 : index
    %get3A_34 = vector.load %arg7[%get3A_32, %get3A_33] : memref<128x128xf32, #tpu.memory_space<vmem>>, vector<128x128xf32>
    %dot_general3A_35 = arith.constant dense<0.000000e+00> : vector<256x128xf32>
    %dot_general3A_36 = tpu.matmul %mul3A, %get3A_34, %dot_general3A_35 {dimension_numbers = #tpu.dot_dimension_numbers<[1], [0], [0], [1], [0, 0, 1, 1], [], []>, transpose_lhs_hint = false} : vector<256x128xf32>, vector<128x128xf32>, vector<256x128xf32> -> vector<256x128xf32>
    %get3A_37 = arith.constant 0 : index
    %get3A_38 = arith.constant 0 : index
    %get3A_39 = vector.load %arg8[%get3A_37, %get3A_38] : memref<1x128xf32, #tpu.memory_space<vmem>>, vector<1x128xf32>
    %add3A_40 = vector.broadcast %get3A_39 : vector<1x128xf32> to vector<256x128xf32>
    %add3A_41 = arith.addf %dot_general3A_36, %add3A_40 : vector<256x128xf32>
    %add3A_42 = arith.addf %get3A_1, %add3A_41 : vector<256x128xf32>
    %swap3A = arith.constant 0 : index
    %swap3A_43 = arith.constant 0 : index
    %swap3A_44 = vector.load %arg9[%swap3A, %swap3A_43] : memref<256x128xf32, #tpu.memory_space<vmem>>, vector<256x128xf32>
    tpu.vector_store %arg9[%swap3A, %swap3A_43], %add3A_42 {strides = array<i32>} : memref<256x128xf32, #tpu.memory_space<vmem>>, vector<256x128xf32>,
    return
  }
  func.func @transform_0(%arg0: i32) -> (i32, i32) {
    %c0_i32 = arith.constant 0 : i32
    %c0_i32_0 = arith.constant 0 : i32
    return %arg0, %c0_i32 : i32, i32
  }
  func.func @transform_1(%arg0: i32) -> (i32, i32, i32) {
    %c0_i32 = arith.constant 0 : i32
    %c0_i32_0 = arith.constant 0 : i32
    %c0_i32_1 = arith.constant 0 : i32
    return %c0_i32, %arg0, %c0_i32_0 : i32, i32, i32
  }
  func.func @transform_2(%arg0: i32) -> (i32, i32, i32) {
    %c1_i32 = arith.constant 1 : i32
    %c0_i32 = arith.constant 0 : i32
    %c0_i32_0 = arith.constant 0 : i32
    return %c1_i32, %arg0, %c0_i32 : i32, i32, i32
  }
  func.func @transform_3(%arg0: i32) -> (i32, i32) {
    %c0_i32 = arith.constant 0 : i32
    %c0_i32_0 = arith.constant 0 : i32
    %c0_i32_1 = arith.constant 0 : i32
    return %c0_i32, %c0_i32_0 : i32, i32
  }
  func.func @transform_4(%arg0: i32) -> (i32, i32) {
    %c0_i32 = arith.constant 0 : i32
    %c0_i32_0 = arith.constant 0 : i32
    %c0_i32_1 = arith.constant 0 : i32
    return %c0_i32, %c0_i32_0 : i32, i32
  }
  func.func @transform_5(%arg0: i32) -> (i32, i32) {
    %c0_i32 = arith.constant 0 : i32
    %c0_i32_0 = arith.constant 0 : i32
    %c0_i32_1 = arith.constant 0 : i32
    return %c0_i32, %c0_i32_0 : i32, i32
  }
  func.func @transform_6(%arg0: i32) -> (i32, i32) {
    %c0_i32 = arith.constant 0 : i32
    %c0_i32_0 = arith.constant 0 : i32
    %c0_i32_1 = arith.constant 0 : i32
    return %c0_i32, %c0_i32_0 : i32, i32
  }
  func.func @transform_7(%arg0: i32) -> (i32, i32) {
    %c0_i32 = arith.constant 0 : i32
    %c0_i32_0 = arith.constant 0 : i32
    %c0_i32_1 = arith.constant 0 : i32
    return %c0_i32, %c0_i32_0 : i32, i32
  }
  func.func @transform_8(%arg0: i32) -> (i32, i32) {
    %c0_i32 = arith.constant 0 : i32
    %c0_i32_0 = arith.constant 0 : i32
    return %arg0, %c0_i32 : i32, i32
  }
}

module attributes {stable_mosaic.version = 14 : i64} {
  func.func @_heads_body(%arg0: i32, %arg1: memref<256x128xf32, #tpu.memory_space<vmem>>, %arg2: memref<128x16xf32, #tpu.memory_space<vmem>>, %arg3: memref<1x16xf32, #tpu.memory_space<vmem>>, %arg4: memref<128x16xf32, #tpu.memory_space<vmem>>, %arg5: memref<1x16xf32, #tpu.memory_space<vmem>>, %arg6: memref<256x16xf32, #tpu.memory_space<vmem>>, %arg7: memref<256x16xf32, #tpu.memory_space<vmem>>) attributes {dimension_semantics = [#tpu.dimension_semantics<arbitrary>], iteration_bounds = array<i64: 40>, scalar_prefetch = 0 : i64, scratch_operands = 0 : i64, tpu.core_type = #tpu.core_type<tc>, window_params = [{transform_indices = @transform_0, window_bounds = array<i64: 256, 128>}, {pipeline_mode = #tpu.pipeline_mode<synchronous>, transform_indices = @transform_1, window_bounds = array<i64: 128, 16>}, {pipeline_mode = #tpu.pipeline_mode<synchronous>, transform_indices = @transform_2, window_bounds = array<i64: 1, 16>}, {pipeline_mode = #tpu.pipeline_mode<synchronous>, transform_indices = @transform_3, window_bounds = array<i64: 128, 16>}, {pipeline_mode = #tpu.pipeline_mode<synchronous>, transform_indices = @transform_4, window_bounds = array<i64: 1, 16>}, {transform_indices = @transform_5, window_bounds = array<i64: 256, 16>}, {transform_indices = @transform_6, window_bounds = array<i64: 256, 16>}]} {
    %get3A = arith.constant 0 : index
    %get3A_0 = arith.constant 0 : index
    %get3A_1 = vector.load %arg1[%get3A, %get3A_0] : memref<256x128xf32, #tpu.memory_space<vmem>>, vector<256x128xf32>
    %get3A_2 = arith.constant 0 : index
    %get3A_3 = arith.constant 0 : index
    %get3A_4 = vector.load %arg2[%get3A_2, %get3A_3] : memref<128x16xf32, #tpu.memory_space<vmem>>, vector<128x16xf32>
    %dot_general3A = arith.constant dense<0.000000e+00> : vector<256x16xf32>
    %dot_general3A_5 = tpu.matmul %get3A_1, %get3A_4, %dot_general3A {dimension_numbers = #tpu.dot_dimension_numbers<[1], [0], [0], [1], [0, 0, 1, 1], [], []>, transpose_lhs_hint = false} : vector<256x128xf32>, vector<128x16xf32>, vector<256x16xf32> -> vector<256x16xf32>
    %get3A_6 = arith.constant 0 : index
    %get3A_7 = arith.constant 0 : index
    %get3A_8 = vector.load %arg3[%get3A_6, %get3A_7] : memref<1x16xf32, #tpu.memory_space<vmem>>, vector<1x16xf32>
    %add3A = vector.broadcast %get3A_8 : vector<1x16xf32> to vector<256x16xf32>
    %add3A_9 = arith.addf %dot_general3A_5, %add3A : vector<256x16xf32>
    %swap3A = arith.constant 0 : index
    %swap3A_10 = arith.constant 0 : index
    %swap3A_11 = vector.load %arg6[%swap3A, %swap3A_10] : memref<256x16xf32, #tpu.memory_space<vmem>>, vector<256x16xf32>
    tpu.vector_store %arg6[%swap3A, %swap3A_10], %add3A_9 {strides = array<i32>} : memref<256x16xf32, #tpu.memory_space<vmem>>, vector<256x16xf32>,
    %get3A_12 = arith.constant 0 : index
    %get3A_13 = arith.constant 0 : index
    %get3A_14 = vector.load %arg4[%get3A_12, %get3A_13] : memref<128x16xf32, #tpu.memory_space<vmem>>, vector<128x16xf32>
    %dot_general3A_15 = arith.constant dense<0.000000e+00> : vector<256x16xf32>
    %dot_general3A_16 = tpu.matmul %get3A_1, %get3A_14, %dot_general3A_15 {dimension_numbers = #tpu.dot_dimension_numbers<[1], [0], [0], [1], [0, 0, 1, 1], [], []>, transpose_lhs_hint = false} : vector<256x128xf32>, vector<128x16xf32>, vector<256x16xf32> -> vector<256x16xf32>
    %get3A_17 = arith.constant 0 : index
    %get3A_18 = arith.constant 0 : index
    %get3A_19 = vector.load %arg5[%get3A_17, %get3A_18] : memref<1x16xf32, #tpu.memory_space<vmem>>, vector<1x16xf32>
    %add3A_20 = vector.broadcast %get3A_19 : vector<1x16xf32> to vector<256x16xf32>
    %add3A_21 = arith.addf %dot_general3A_16, %add3A_20 : vector<256x16xf32>
    %jit3A = arith.constant -1.000000e+01 : f32
    %jit3A_22 = arith.constant 2.000000e+00 : f32
    %max3A = vector.broadcast %jit3A : f32 to vector<256x16xf32>
    %max3A_23 = arith.maximumf %max3A, %add3A_21 : vector<256x16xf32>
    %min3A = vector.broadcast %jit3A_22 : f32 to vector<256x16xf32>
    %min3A_24 = arith.minimumf %min3A, %max3A_23 : vector<256x16xf32>
    %swap3A_25 = arith.constant 0 : index
    %swap3A_26 = arith.constant 0 : index
    %swap3A_27 = vector.load %arg7[%swap3A_25, %swap3A_26] : memref<256x16xf32, #tpu.memory_space<vmem>>, vector<256x16xf32>
    tpu.vector_store %arg7[%swap3A_25, %swap3A_26], %min3A_24 {strides = array<i32>} : memref<256x16xf32, #tpu.memory_space<vmem>>, vector<256x16xf32>,
    return
  }
  func.func @transform_0(%arg0: i32) -> (i32, i32) {
    %c0_i32 = arith.constant 0 : i32
    %c0_i32_0 = arith.constant 0 : i32
    return %arg0, %c0_i32 : i32, i32
  }
  func.func @transform_1(%arg0: i32) -> (i32, i32) {
    %c0_i32 = arith.constant 0 : i32
    %c0_i32_0 = arith.constant 0 : i32
    %c0_i32_1 = arith.constant 0 : i32
    return %c0_i32, %c0_i32_0 : i32, i32
  }
  func.func @transform_2(%arg0: i32) -> (i32, i32) {
    %c0_i32 = arith.constant 0 : i32
    %c0_i32_0 = arith.constant 0 : i32
    %c0_i32_1 = arith.constant 0 : i32
    return %c0_i32, %c0_i32_0 : i32, i32
  }
  func.func @transform_3(%arg0: i32) -> (i32, i32) {
    %c0_i32 = arith.constant 0 : i32
    %c0_i32_0 = arith.constant 0 : i32
    %c0_i32_1 = arith.constant 0 : i32
    return %c0_i32, %c0_i32_0 : i32, i32
  }
  func.func @transform_4(%arg0: i32) -> (i32, i32) {
    %c0_i32 = arith.constant 0 : i32
    %c0_i32_0 = arith.constant 0 : i32
    %c0_i32_1 = arith.constant 0 : i32
    return %c0_i32, %c0_i32_0 : i32, i32
  }
  func.func @transform_5(%arg0: i32) -> (i32, i32) {
    %c0_i32 = arith.constant 0 : i32
    %c0_i32_0 = arith.constant 0 : i32
    return %arg0, %c0_i32 : i32, i32
  }
  func.func @transform_6(%arg0: i32) -> (i32, i32) {
    %c0_i32 = arith.constant 0 : i32
    %c0_i32_0 = arith.constant 0 : i32
    return %arg0, %c0_i32 : i32, i32
  }
}

</mosaic_0001>

<sc_bundles>
// kernel: kernel.20.cloned.1.call-start
scs
__scs_entry_jumppad:
0x0: {  	(pc) =	sbr.rel $0x88, $3  }
0x1: {  	(tag) =	ssettag $0x0;
	lr =	simm.s32 $0x1  }
0x2: {  	[smem:$0x3F8E] =	sst lr;
	_ =	strace $0xD0000000  }
0x3: {  	_ = 	snop  }
0x4: {  	_ = 	snop  }
0x5: {  	_ = 	snop  }
0x6: {  	_ = 	snop  }
0x7: {  	_ = 	snop  }
__scs_overlays_trampoline_lowered:
0x8: {  	[smem:$0x3F9D] =	sst s0  }
0x9: {  	[smem:$0x3F9E] =	sst s1  }
0xa: {  	[smem:$0x3F9F] =	sst s2  }
0xb: {  	[smem:$0x3FA0] =	sst s3  }
0xc: {  	[smem:$0x3FA1] =	sst s4  }
0xd: {  	[smem:$0x3FA2] =	sst s5  }
0xe: {  	[smem:$0x3FA3] =	sst s6  }
0xf: {  	[smem:$0x3FA4] =	sst s7  }
0x10: {  	[smem:$0x3FA5] =	sst s8  }
0x11: {  	[smem:$0x3FA6] =	sst s9;
	s0 =	simm.s32 @!p0 $0x0  }
0x12: {  	s1 =	sld [smem:$0x3F8C];
	s0 =	simm.s32 @p0 $0x1  }
0x13: {  	[smem:$0x3FA7] =	sst s0;
	s0 =	simm.s32 @!p1 $0x0  }
0x14: {  	s2 =	sld [smem:$0x3F8B];
	s0 =	simm.s32 @p1 $0x1  }
0x15: {  	[smem:$0x3FA8] =	sst s0;
	s0 =	simm.s32 @!p2 $0x0  }
0x16: {  	s3 =	sld [smem:$0x3FDB];
	s0 =	simm.s32 @p2 $0x1  }
0x17: {  	s4 =	simm.s32 $0x1BF5;
	[smem:$0x3FAA] =	sst s0  }
0x18: {  	s0 =	sld [smem:$0x3F8D];
	_ =	swait.ge [sflag:s4], $0x0  }
0x19: {  	s7 =	sld [smem:$0x3F8E]  }
0x1a: {  	s8 =	sadd.s32 $0xFFFFE003, lr  }
0x1b: {  	s9 =	sadd.s32 $0xFFFFFEF7, lr;
	s5 =	simm.s32 $0xFFFFFFFF;
	p2 =	slt.u32 s8, $0xFFFFF086  }
0x1c: {  	p1 =	slt.u32 s9, $0xF7A;
	s5 =	simm.s32 @!p2 $0x0  }
0x1d: {  	s5 =	simm.s32 @p1 $0x1;
	p0 =	seq.s32 s7, s2  }
0x1e: {  	s7 =	smul.u32 @!p0 $0xF7A, s2;
	p2 =	seq.s32 @!p0 s5, $0x0  }
0x1f: {  	s9 =	smul.u32 $0xF7A, s1;
	s8 =	simm.s32 @!p0 $0x1BF5;
	p2 =	por !p2, p0  }
0x20: {  	[sflag:s8] =	ssyncset.s32 @!p0 $0xFFFFF086;
	s6 =	sadd.s32 @!p0 s3, s7;
	s7 =	simm.s32 @!p0 $0x108  }
0x21: {  	s3 =	sadd.s32 s3, s9;
	s6 =	sadd.s32 @!p0 $0x88, s6;
	s7 =	simm.s32 @p2 $0x1082  }
0x22: {  	[simem:s7], [sflag:s8] =	dma.local @!p0 [hbm:s6], $0xF7A  }
0x23: {  	s9 =	sor.u32 $0xD0000000, s2;
	s6 =	simm.s32 $0x108;
	_ =	swait.ge @!p0 [sflag:s8], $0x0  }
0x24: {  	s3 =	sadd.s32 $0x88, s3;
	s6 =	simm.s32 @!p1 $0x1082;
	[sflag:s4] =	ssyncset.s32 $0xFFFFF086  }
0x25: {  	[simem:s6], [sflag:s4] =	dma.local [hbm:s3], $0xF7A  }
0x26: {  	[smem:$0x3F8E] =	sst s1;
	(tag) =	ssettag s2;
	_ =	strace s9  }
0x27: {  	s1 =	sld [smem:$0x3F9E]  }
0x28: {  	s2 =	sld [smem:$0x3F9F]  }
0x29: {  	s4 =	sld [smem:$0x3FA1]  }
0x2a: {  	p0 =	seq.s32 s5, $0x0;
	s5 =	sld [smem:$0x3FA2]  }
0x2b: {  	s6 =	sld [smem:$0x3FA3]  }
0x2c: {  	s7 =	sld [smem:$0x3FA4]  }
0x2d: {  	s3 =	simm.s32 $0x108;
	s8 =	sld [smem:$0x3FA5]  }
0x2e: {  	s3 =	simm.s32 @!p0 $0x1082;
	s9 =	sld [smem:$0x3FA6]  }
0x2f: {  	lr =	sadd.s32 s0, s3;
	s0 =	sld [smem:$0x3F9D]  }
0x30: {  	s3 =	sld [smem:$0x3FA0]  }
0x31: {  	[smem:$0x3FA9] =	sst s10  }
0x32: {  	s10 =	sld [smem:$0x3FA7];
	_ =	sdelay $0x3  }
0x33: {  	p0 =	seq.s32 s10, $0x1;
	s10 =	sld [smem:$0x3FA9];
	_ =	sdelay $0x3  }
0x34: {  	[smem:$0x3FA9] =	sst s10  }
0x35: {  	s10 =	sld [smem:$0x3FA8];
	_ =	sdelay $0x3  }
0x36: {  	p1 =	seq.s32 s10, $0x1;
	s10 =	sld [smem:$0x3FA9];
	_ =	sdelay $0x3  }
0x37: {  	[smem:$0x3FA9] =	sst s10  }
0x38: {  	s10 =	sld [smem:$0x3FAA]  }
0x39: {  	_ = 	snop;
	(pc) =	sbr.ind lr, $3  }
0x3a: {  	_ = 	snop  }
0x3b: {  	_ = 	snop  }
0x3c: {  	p2 =	seq.s32 s10, $0x1;
	s10 =	sld [smem:$0x3FA9]  }
0x3d: {  	_ =	shalt  }
0x3e: {  	_ =	shalt  }
0x3f: {  	_ =	shalt  }
0x40: {  	_ =	shalt  }
0x41: {  	_ =	shalt  }
0x42: {  	_ =	shalt  }
0x43: {  	_ =	shalt  }
0x44: {  	_ =	shalt  }
0x45: {  	_ =	shalt  }
0x46: {  	_ =	shalt  }
0x47: {  	_ =	shalt  }
0x48: {  	_ =	shalt  }
0x49: {  	_ =	shalt  }
0x4a: {  	_ =	shalt  }
0x4b: {  	_ =	shalt  }
0x4c: {  	_ =	shalt  }
0x4d: {  	_ =	shalt  }
0x4e: {  	_ =	shalt  }
0x4f: {  	_ =	shalt  }
0x50: {  	_ =	shalt  }
0x51: {  	_ =	shalt  }
0x52: {  	_ =	shalt  }
0x53: {  	_ =	shalt  }
0x54: {  	_ =	shalt  }
0x55: {  	_ =	shalt  }
0x56: {  	_ =	shalt  }
0x57: {  	_ =	shalt  }
0x58: {  	_ =	shalt  }
0x59: {  	_ =	shalt  }
0x5a: {  	_ =	shalt  }
0x5b: {  	_ =	shalt  }
0x5c: {  	_ =	shalt  }
0x5d: {  	_ =	shalt  }
0x5e: {  	_ =	shalt  }
0x5f: {  	_ =	shalt  }
0x60: {  	_ =	shalt  }
0x61: {  	_ =	shalt  }
0x62: {  	_ =	shalt  }
0x63: {  	_ =	shalt  }
0x64: {  	_ =	shalt  }
0x65: {  	_ =	shalt  }
0x66: {  	_ =	shalt  }
0x67: {  	_ =	shalt  }
0x68: {  	_ =	shalt  }
0x69: {  	_ =	shalt  }
0x6a: {  	_ =	shalt  }
0x6b: {  	_ =	shalt  }
0x6c: {  	_ =	shalt  }
0x6d: {  	_ =	shalt  }
0x6e: {  	_ =	shalt  }
0x6f: {  	_ =	shalt  }
0x70: {  	_ =	shalt  }
0x71: {  	_ =	shalt  }
0x72: {  	_ =	shalt  }
0x73: {  	_ =	shalt  }
0x74: {  	_ =	shalt  }
0x75: {  	_ =	shalt  }
0x76: {  	_ =	shalt  }
0x77: {  	_ =	shalt  }
0x78: {  	_ =	shalt  }
0x79: {  	_ =	shalt  }
0x7a: {  	_ =	shalt  }
0x7b: {  	_ =	shalt  }
0x7c: {  	_ =	shalt  }
0x7d: {  	_ =	shalt  }
0x7e: {  	_ =	shalt  }
0x7f: {  	_ =	shalt  }
0x80: {  	_ =	shalt  }
0x81: {  	_ =	shalt  }
0x82: {  	_ =	shalt  }
0x83: {  	_ =	shalt  }
0x84: {  	_ =	shalt  }
0x85: {  	_ =	shalt  }
0x86: {  	_ =	shalt  }
0x87: {  	_ =	shalt  }
.Lfunc_end0:
.L_simem_size_0:
called_computation.3_lowered:
.L_overlay_start_0:
0x88: {  	s2 =	sld [smem:$0x3FD9]  }
0x89: {  	s3 =	sld [smem:$0x3FFE];
	_ =	sdelay $0x1  }
0x8a: {  	s1 =	srdreg.scid  }
0x8b: {  	s0 =	sand.u32 $0x1, s1  }
0x8c: {  	s16 =	sshll.u32 s0, $0xA;
	s2 =	sadd.s32 s3, s2  }
0x8d: {  	s2 =	sadd.s32 s2, s16  }
0x8e: {  	[smem:$0x3FB5] =	sst s2  }
0x8f: {  	_ = 	snop  }
0x90: {  	(tm) =	ssettm $0x1  }
0x91: {  	s17 =	sld [smem:$0x3FFB];
	_ =	sdelay $0x3  }
0x92: {  	_ =	strace s17  }
0x93: {  	s2 =	sld [smem:$0x3FFC];
	_ =	sdelay $0x3  }
0x94: {  	_ =	strace s2  }
0x95: {  	s2 =	sld [smem:$0x3FFD];
	_ =	sdelay $0x3  }
0x96: {  	_ =	strace s2  }
0x97: {  	_ =	strace $0x8FFFFFFF  }
0x98: {  	s18 =	sld [smem:$0x3FDB];
	_ =	sdelay $0x1  }
0x99: {  	s19 =	simm.s32 $_scs_section_size  }
0x9a: {  	s4 =	simm.s32 $_size__tile_overlayer_lowered;
	s5 =	simm.s32 $_tile_overlayer_lowered  }
0x9b: {  	s22 =	simm.s32 $0x1BFF;
	s21 =	sshll.u32 s5, $0x1;
	s2 =	sadd.s32 s19, s18  }
0x9c: {  	s6 =	simm.s32 $0x0;
	s20 =	sshll.u32 s4, $0x1;
	s4 =	sadd.s32 s21, s2  }
0x9d: {  	[timem:s6], [sflag:s22] =	dma.local [hbm:s4], s20  }
0x9e: {  	_ =	swait.ge [sflag:s22], s20  }
0x9f: {  	s3 =	ssub.s32 $0x0, s20;
	[sflag:s22] =	ssyncset.done $0x0  }
0xa0: {  	[sflag:s22] =	ssyncadd.s32 s3;
	_ =	sdelay $0x1  }
0xa1: {  	s23 =	simm.s32 $0x1B8B  }
0xa2: {  	_ =	swait.ge [sflag:s23], $0x1  }
0xa3: {  	[sflag:s23] =	ssyncset.done $0x0  }
0xa4: {  	s25 =	simm.s32 $0x1B8E;
	s24 =	sld [smem:$0x3FFE];
	[sflag:s23] =	ssyncadd.s32 $0xFFFFFFFF  }
0xa5: {  	s26 =	simm.s32 $execute0_lowered;
	[smem:$0x3FD2] =	sst s25  }
0xa6: {  	s4 =	sshll.u32 s26, $0x1;
	_ =	strace $0x8000004F;
	[dreg:$0x1] =	wrdreg $0xFFFFFFFF  }
0xa7: {  	s28 =	simm.s32 $_size_execute0_lowered;
	s2 =	sadd.s32 s2, s4;
	[dreg:$0x0] =	wrdreg $0x0  }
0xa8: {  	s4 =	sshll.u32 s28, $0x1;
	[dreg:$0x2] =	wrdreg s2  }
0xa9: {  	[dreg:$0x3] =	wrdreg s4  }
0xaa: {  	[dreg:$0x4] =	wrdreg $0xC0  }
0xab: {  	_ =	task [dreg:s6], $0x5FFFF  }
0xac: {  	[dreg:$0x1] =	wrdreg $0xFFFFFFFF  }
0xad: {  	[dreg:$0x0] =	wrdreg $0x60  }
0xae: {  	[dreg:$0x2] =	wrdreg s24  }
0xaf: {  	[dreg:$0x3] =	wrdreg $0x9  }
0xb0: {  	_ =	task.clear_ibuf [dreg:s6], $0x4FFFF;
	_ =	strace $0x9000004F  }
0xb1: {  	s29 =	simm.s32 $0x9;
	_ =	strace $0x80000051  }
0xb2: {  	_ =	swait.ge [sflag:s29], $0x1  }
0xb3: {  	[sflag:s29] =	ssyncadd.s32 $0xFFFFFFFF  }
0xb4: {  	_ =	strace $0x90000051  }
0xb5: {  	_ =	sfence  }
0xb6: {  	s30 =	sld [smem:$0x0];
	_ =	sdelay $0x2  }
0xb7: {  	s31 =	sshll.u32 s1, $0xD;
	s1 =	sshrl.u32 s1, $0x2  }
0xb8: {  	s3 =	sand.u32 $0x4000, s31;
	s1 =	sadd.s32 s1, s30  }
0xb9: {  	s0 =	sor.u32 s3, s0;
	s1 =	sshll.u32 s1, $0x11  }
0xba: {  	s0 =	sor.u32 s1, s0  }
0xbb: {  	s0 =	sadd.s32 $0x8F2B, s0  }
0xbc: {  	[sflag:s0] =	ssyncadd.remote.s32 $0x1  }
0xbd: {  	_ =	sfence.sel $0xFFFF  }
0xbe: {  	[dreg:$0x0] =	wrdreg $0xFFFFFFFF;
	(pc) =	sbr.abs _section_cstart, $3  }
0xbf: {  	[dreg:$0x1] =	wrdreg $0xFFFFFFFF  }
0xc0: {  	_ =	task.clear_ibuf [dreg:s6], $0x2FFFF;
	_ =	strace $0x9FFFFFFF  }
0xc1: {  	(tm) =	ssettm $0x7FFFFFFF  }
tec
execute0_lowered:
.L_overlay_start_1:
0x0: {  	(tag) =	ssettag $0x1  }
0x1: {  	s5 =	rddreg [dreg:$0x0]  }
0x2: {  	s0 =	rddreg [dreg:$0x1];
	s2 =	simm.s32 $0x0;
	s3 =	srdreg.scid  }
0x3: {  	s1 =	stileid.u32;
	s12 =	simm.s32 $0x100;
	s13 =	simm.s32 $0x4100  }
0x4: {  	s14 =	simm.s32 $0x1;
	s15 =	simm.s32 $0x2;
	s16 =	simm.s32 $0x0  }
0x5: {  	[smem:$0x7FF] =	sst s2;
	s6 =	sand.u32 $0x1, s3;
	s3 =	sadd.s32 $0x1851400, s5  }
0x6: {  	s7 =	sshll.u32 s1, $0x10;
	s4 =	sadd.s32 $0x1879400, s5;
	s29 =	sshll.u32 s1, $0x14  }
0x7: {  	_ =	strace $0x80000050;
	s8 =	sshll.u32 s6, $0xF;
	s9 =	ssub.s32 $0x2, s6  }
0x8: {  	s6 =	sshll.u32 s6, $0x13;
	s7 =	sor.u32 s8, s7;
	s10 =	sshrl.u32 s9, $0x1  }
0x9: {  	s8 =	sadd.s32 s29, s5;
	s7 =	sshrl.u32 s7, $0x3;
	s30 =	ssub.s32 s9, s10  }
0xa: {  	s31 =	sadd.s32 s6, s8;
	s10 =	simm.s32 $0x3;
	s11 =	sadd.s32 s7, s5  }
0xb: {  	s5 =	smax.u32 s30, $0x1;
	s6 =	sadd.s32 $0x18A1400, s31;
	s7 =	sadd.s32 $0x28A1400, s31  }
0xc: {  	s8 =	sadd.s32 $0x4F200, s11;
	s9 =	sadd.s32 $0x2F200, s11;
	s11 =	simm.s32 $0x80  }
.LBB2_1:
0xd: {  	s17 =	sadd.s32 $0x0, s9  }
0xe: {  	[tilespmem:s2], [sflag:$0x3] =	stream.linear.gather [hbm4b:s17+s2], $0x80, $0x38;
	[tilespmem:$0x8100] =	vst v63  }
0xf: {  	_ =	swait.ge [sflag:s10], $0x80  }
0x10: {  	[sflag:s10] =	ssyncset.done $0x0  }
0x11: {  	s31 =	sadd.s32 $0x0, s8;
	[sflag:s10] =	ssyncadd.s32 $0xFFFFFF80  }
0x12: {  	[tilespmem:s11], [sflag:$0x3] =	stream.linear.gather [hbm4b:s31+s2], $0x80, $0x38;
	[tilespmem:$0x8100] =	vst v63  }
0x13: {  	_ =	swait.ge [sflag:s10], $0x80  }
0x14: {  	[sflag:s10] =	ssyncset.done $0x0  }
0x15: {  	[sflag:s10] =	ssyncadd.s32 $0xFFFFFF80  }
0x16: {  	[tilespmem:s12], [sflag:$0x1] =	stream.indirect.gather [hbm4b:s3+s11], $0x80, s2, s11, $0xb8;
	[tilespmem:$0x8100] =	vst v63  }
0x17: {  	_ = 	snop  }
0x18: {  	[tilespmem:s13], [sflag:$0x2] =	stream.indirect.gather [hbm4b:s4+s11], $0x80, s11, s11, $0xb8;
	[tilespmem:$0x8100] =	vst v63  }
0x19: {  	_ =	swait.ge [sflag:s14], $0x4000  }
0x1a: {  	[sflag:s14] =	ssyncset.done $0x0  }
0x1b: {  	[sflag:s14] =	ssyncadd.s32 $0xFFFFC000  }
0x1c: {  	_ =	swait.ge [sflag:s15], $0x4000  }
0x1d: {  	[sflag:s15] =	ssyncset.done $0x0  }
0x1e: {  	[sflag:s15] =	ssyncadd.s32 $0xFFFFC000  }
0x1f: {  	[hbm4b:s6+s2] =	stream.linear.scatter [tilespmem:s12], [sflag:$0x3], $0x4000, $0x38;
	[tilespmem:$0x8100] =	vst v63  }
0x20: {  	_ =	swait.ge [sflag:s10], $0x4000  }
0x21: {  	[sflag:s10] =	ssyncset.done $0x0  }
0x22: {  	[sflag:s10] =	ssyncadd.s32 $0xFFFFC000  }
0x23: {  	[hbm4b:s7+s2] =	stream.linear.scatter [tilespmem:s13], [sflag:$0x3], $0x4000, $0x38;
	[tilespmem:$0x8100] =	vst v63  }
0x24: {  	s19 =	simm.s32 $0x10;
	s20 =	simm.s32 $0x20;
	_ =	swait.ge [sflag:s10], $0x4000  }
0x25: {  	s18 =	sadd.s32 $0x800, s6;
	s17 =	sadd.s32 $0x800, s7;
	[sflag:s10] =	ssyncset.done $0x0  }
.LBB2_2:
0x26: {  	s21 =	sadd.s32 s19, s9  }
0x27: {  	[sflag:s10] =	ssyncadd.s32 $0xFFFFC000;
	s22 =	smov.u32 s20;
	s23 =	sadd.s32 $0x10, s20  }
0x28: {  	[tilespmem:s2], [sflag:$0x3] =	stream.linear.gather [hbm4b:s21+s2], $0x80, $0x38;
	[tilespmem:$0x8100] =	vst v63  }
0x29: {  	p0 =	sne.s32 s20, $0xFF0;
	_ =	swait.ge [sflag:s10], $0x80  }
0x2a: {  	[sflag:s10] =	ssyncset.done $0x0  }
0x2b: {  	s20 =	sadd.s32 s19, s8;
	s19 =	smov.u32 s22;
	[sflag:s10] =	ssyncadd.s32 $0xFFFFFF80  }
0x2c: {  	[tilespmem:s11], [sflag:$0x3] =	stream.linear.gather [hbm4b:s20+s2], $0x80, $0x38;
	[tilespmem:$0x8100] =	vst v63  }
0x2d: {  	_ =	swait.ge [sflag:s10], $0x80  }
0x2e: {  	[sflag:s10] =	ssyncset.done $0x0  }
0x2f: {  	[sflag:s10] =	ssyncadd.s32 $0xFFFFFF80  }
0x30: {  	[tilespmem:s12], [sflag:$0x1] =	stream.indirect.gather [hbm4b:s3+s11], $0x80, s2, s11, $0xb8;
	[tilespmem:$0x8100] =	vst v63  }
0x31: {  	_ = 	snop  }
0x32: {  	[tilespmem:s13], [sflag:$0x2] =	stream.indirect.gather [hbm4b:s4+s11], $0x80, s11, s11, $0xb8;
	[tilespmem:$0x8100] =	vst v63  }
0x33: {  	_ =	swait.ge [sflag:s14], $0x4000  }
0x34: {  	[sflag:s14] =	ssyncset.done $0x0  }
0x35: {  	[sflag:s14] =	ssyncadd.s32 $0xFFFFC000  }
0x36: {  	_ =	swait.ge [sflag:s15], $0x4000  }
0x37: {  	[sflag:s15] =	ssyncset.done $0x0  }
0x38: {  	[sflag:s15] =	ssyncadd.s32 $0xFFFFC000  }
0x39: {  	[hbm4b:s18+s2] =	stream.linear.scatter [tilespmem:s12], [sflag:$0x3], $0x4000, $0x38;
	[tilespmem:$0x8100] =	vst v63  }
0x3a: {  	_ =	swait.ge [sflag:s10], $0x4000  }
.Ltmp0:
0x3b: {  	[sflag:s10] =	ssyncset.done $0x0;
	(pc) =	sbr.rel @p0 .LBB2_2-.Ltmp0, $4  }
0x3c: {  	[sflag:s10] =	ssyncadd.s32 $0xFFFFC000  }
0x3d: {  	[hbm4b:s17+s2] =	stream.linear.scatter [tilespmem:s13], [sflag:$0x3], $0x4000, $0x38;
	[tilespmem:$0x8100] =	vst v63  }
0x3e: {  	s20 =	smov.u32 s23;
	_ =	swait.ge [sflag:s10], $0x4000  }
0x3f: {  	s18 =	sadd.s32 $0x800, s18;
	s17 =	sadd.s32 $0x800, s17;
	[sflag:s10] =	ssyncset.done $0x0  }
0x40: {  	s20 =	sadd.s32 s19, s9;
	[sflag:s10] =	ssyncadd.s32 $0xFFFFC000  }
0x41: {  	[tilespmem:s2], [sflag:$0x3] =	stream.linear.gather [hbm4b:s20+s2], $0x80, $0x38;
	[tilespmem:$0x8100] =	vst v63  }
0x42: {  	_ =	swait.ge [sflag:s10], $0x80  }
0x43: {  	[sflag:s10] =	ssyncset.done $0x0  }
0x44: {  	s31 =	sadd.s32 s19, s8;
	[sflag:s10] =	ssyncadd.s32 $0xFFFFFF80  }
0x45: {  	[tilespmem:s11], [sflag:$0x3] =	stream.linear.gather [hbm4b:s31+s2], $0x80, $0x38;
	[tilespmem:$0x8100] =	vst v63  }
0x46: {  	_ =	swait.ge [sflag:s10], $0x80  }
0x47: {  	[sflag:s10] =	ssyncset.done $0x0  }
0x48: {  	[sflag:s10] =	ssyncadd.s32 $0xFFFFFF80  }
0x49: {  	[tilespmem:s12], [sflag:$0x1] =	stream.indirect.gather [hbm4b:s3+s11], $0x80, s2, s11, $0xb8;
	[tilespmem:$0x8100] =	vst v63  }
0x4a: {  	_ = 	snop  }
0x4b: {  	[tilespmem:s13], [sflag:$0x2] =	stream.indirect.gather [hbm4b:s4+s11], $0x80, s11, s11, $0xb8;
	[tilespmem:$0x8100] =	vst v63  }
0x4c: {  	_ =	swait.ge [sflag:s14], $0x4000  }
0x4d: {  	[sflag:s14] =	ssyncset.done $0x0  }
0x4e: {  	[sflag:s14] =	ssyncadd.s32 $0xFFFFC000  }
0x4f: {  	_ =	swait.ge [sflag:s15], $0x4000  }
0x50: {  	[sflag:s15] =	ssyncset.done $0x0  }
0x51: {  	[sflag:s15] =	ssyncadd.s32 $0xFFFFC000  }
0x52: {  	[hbm4b:s18+s2] =	stream.linear.scatter [tilespmem:s12], [sflag:$0x3], $0x4000, $0x38;
	[tilespmem:$0x8100] =	vst v63  }
0x53: {  	s16 =	sadd.s32 $0x1, s16;
	_ =	swait.ge [sflag:s10], $0x4000  }
0x54: {  	p0 =	sne.s32 s16, s5;
	[sflag:s10] =	ssyncset.done $0x0  }
.Ltmp1:
0x55: {  	[sflag:s10] =	ssyncadd.s32 $0xFFFFC000;
	(pc) =	sbr.rel @p0 .LBB2_1-.Ltmp1, $4  }
0x56: {  	[hbm4b:s17+s2] =	stream.linear.scatter [tilespmem:s13], [sflag:$0x3], $0x4000, $0x38;
	[tilespmem:$0x8100] =	vst v63  }
0x57: {  	_ =	swait.ge [sflag:s10], $0x4000  }
0x58: {  	[sflag:s10] =	ssyncset.done $0x0  }
0x59: {  	[sflag:s10] =	ssyncadd.s32 $0xFFFFC000  }
0x5a: {  	_ =	sfence.sel $0x180000  }
0x5b: {  	[bflag:$0x0] =	sbarrier.arrive $0xFFFF  }
0x5c: {  	p0 =	sne.s32 s1, $0x0;
	_ =	strace $0x90000050  }
0x5d: {  	s0 =	sadd.s32 @!p0 $0x100000, s0;
	[bflag:$0x2] =	sbarrier.arrive $0xFFFF  }
0x5e: {  	[sflag:s0] =	ssyncadd.tile.s32 @!p0 $0x1;
	_ =	shalt  }
.Lfunc_end2:
_tile_overlayer_lowered:
.L_overlay_start_2:
0x5f: {  	(tag) =	ssettag $0x2  }
0x60: {  	s0 =	rddreg [dreg:$0x0];
	s2 =	stileid.u32  }
0x61: {  	s1 =	rddreg [dreg:$0x1];
	p0 =	sne.s32 s2, $0x0  }
0x62: {  	s3 =	rddreg [dreg:$0x2];
	[bflag:$0x3] =	sbarrier.arrive $0xFFFF;
	s2 =	simm.s32 @!p0 $0x1C03  }
0x63: {  	[timem:s3], [sflag:s2] =	dma.local @!p0 [hbm:s0], s1  }
0x64: {  	s0 =	simm.s32 @!p0 $0x3  }
0x65: {  	_ =	swait.ge @!p0 [sflag:s0], s1  }
0x66: {  	s1 =	ssub.s32 @!p0 $0x0, s1;
	[sflag:s0] =	ssyncset.done @!p0 $0x0  }
0x67: {  	[sflag:s0] =	ssyncadd.s32 @!p0 s1  }
0x68: {  	[bflag:$0x3] =	sbarrier.arrive $0xFFFF  }
0x69: {  	_ =	shalt  }

// kernel: kernel.23.cloned.1.call-start
scs
__scs_entry_jumppad:
0x0: {  	(pc) =	sbr.rel $0x88, $3  }
0x1: {  	(tag) =	ssettag $0x0;
	lr =	simm.s32 $0x1  }
0x2: {  	[smem:$0x3F8E] =	sst lr;
	_ =	strace $0xD0000000  }
0x3: {  	_ = 	snop  }
0x4: {  	_ = 	snop  }
0x5: {  	_ = 	snop  }
0x6: {  	_ = 	snop  }
0x7: {  	_ = 	snop  }
__scs_overlays_trampoline_lowered:
0x8: {  	[smem:$0x3F9D] =	sst s0  }
0x9: {  	[smem:$0x3F9E] =	sst s1  }
0xa: {  	[smem:$0x3F9F] =	sst s2  }
0xb: {  	[smem:$0x3FA0] =	sst s3  }
0xc: {  	[smem:$0x3FA1] =	sst s4  }
0xd: {  	[smem:$0x3FA2] =	sst s5  }
0xe: {  	[smem:$0x3FA3] =	sst s6  }
0xf: {  	[smem:$0x3FA4] =	sst s7  }
0x10: {  	[smem:$0x3FA5] =	sst s8  }
0x11: {  	[smem:$0x3FA6] =	sst s9;
	s0 =	simm.s32 @!p0 $0x0  }
0x12: {  	s1 =	sld [smem:$0x3F8C];
	s0 =	simm.s32 @p0 $0x1  }
0x13: {  	[smem:$0x3FA7] =	sst s0;
	s0 =	simm.s32 @!p1 $0x0  }
0x14: {  	s2 =	sld [smem:$0x3F8B];
	s0 =	simm.s32 @p1 $0x1  }
0x15: {  	[smem:$0x3FA8] =	sst s0;
	s0 =	simm.s32 @!p2 $0x0  }
0x16: {  	s3 =	sld [smem:$0x3FDB];
	s0 =	simm.s32 @p2 $0x1  }
0x17: {  	s4 =	simm.s32 $0x1BF5;
	[smem:$0x3FAA] =	sst s0  }
0x18: {  	s0 =	sld [smem:$0x3F8D];
	_ =	swait.ge [sflag:s4], $0x0  }
0x19: {  	s7 =	sld [smem:$0x3F8E]  }
0x1a: {  	s8 =	sadd.s32 $0xFFFFE003, lr  }
0x1b: {  	s9 =	sadd.s32 $0xFFFFFEF7, lr;
	s5 =	simm.s32 $0xFFFFFFFF;
	p2 =	slt.u32 s8, $0xFFFFF086  }
0x1c: {  	p1 =	slt.u32 s9, $0xF7A;
	s5 =	simm.s32 @!p2 $0x0  }
0x1d: {  	s5 =	simm.s32 @p1 $0x1;
	p0 =	seq.s32 s7, s2  }
0x1e: {  	s7 =	smul.u32 @!p0 $0xF7A, s2;
	p2 =	seq.s32 @!p0 s5, $0x0  }
0x1f: {  	s9 =	smul.u32 $0xF7A, s1;
	s8 =	simm.s32 @!p0 $0x1BF5;
	p2 =	por !p2, p0  }
0x20: {  	[sflag:s8] =	ssyncset.s32 @!p0 $0xFFFFF086;
	s6 =	sadd.s32 @!p0 s3, s7;
	s7 =	simm.s32 @!p0 $0x108  }
0x21: {  	s3 =	sadd.s32 s3, s9;
	s6 =	sadd.s32 @!p0 $0x88, s6;
	s7 =	simm.s32 @p2 $0x1082  }
0x22: {  	[simem:s7], [sflag:s8] =	dma.local @!p0 [hbm:s6], $0xF7A  }
0x23: {  	s9 =	sor.u32 $0xD0000000, s2;
	s6 =	simm.s32 $0x108;
	_ =	swait.ge @!p0 [sflag:s8], $0x0  }
0x24: {  	s3 =	sadd.s32 $0x88, s3;
	s6 =	simm.s32 @!p1 $0x1082;
	[sflag:s4] =	ssyncset.s32 $0xFFFFF086  }
0x25: {  	[simem:s6], [sflag:s4] =	dma.local [hbm:s3], $0xF7A  }
0x26: {  	[smem:$0x3F8E] =	sst s1;
	(tag) =	ssettag s2;
	_ =	strace s9  }
0x27: {  	s1 =	sld [smem:$0x3F9E]  }
0x28: {  	s2 =	sld [smem:$0x3F9F]  }
0x29: {  	s4 =	sld [smem:$0x3FA1]  }
0x2a: {  	p0 =	seq.s32 s5, $0x0;
	s5 =	sld [smem:$0x3FA2]  }
0x2b: {  	s6 =	sld [smem:$0x3FA3]  }
0x2c: {  	s7 =	sld [smem:$0x3FA4]  }
0x2d: {  	s3 =	simm.s32 $0x108;
	s8 =	sld [smem:$0x3FA5]  }
0x2e: {  	s3 =	simm.s32 @!p0 $0x1082;
	s9 =	sld [smem:$0x3FA6]  }
0x2f: {  	lr =	sadd.s32 s0, s3;
	s0 =	sld [smem:$0x3F9D]  }
0x30: {  	s3 =	sld [smem:$0x3FA0]  }
0x31: {  	[smem:$0x3FA9] =	sst s10  }
0x32: {  	s10 =	sld [smem:$0x3FA7];
	_ =	sdelay $0x3  }
0x33: {  	p0 =	seq.s32 s10, $0x1;
	s10 =	sld [smem:$0x3FA9];
	_ =	sdelay $0x3  }
0x34: {  	[smem:$0x3FA9] =	sst s10  }
0x35: {  	s10 =	sld [smem:$0x3FA8];
	_ =	sdelay $0x3  }
0x36: {  	p1 =	seq.s32 s10, $0x1;
	s10 =	sld [smem:$0x3FA9];
	_ =	sdelay $0x3  }
0x37: {  	[smem:$0x3FA9] =	sst s10  }
0x38: {  	s10 =	sld [smem:$0x3FAA]  }
0x39: {  	_ = 	snop;
	(pc) =	sbr.ind lr, $3  }
0x3a: {  	_ = 	snop  }
0x3b: {  	_ = 	snop  }
0x3c: {  	p2 =	seq.s32 s10, $0x1;
	s10 =	sld [smem:$0x3FA9]  }
0x3d: {  	_ =	shalt  }
0x3e: {  	_ =	shalt  }
0x3f: {  	_ =	shalt  }
0x40: {  	_ =	shalt  }
0x41: {  	_ =	shalt  }
0x42: {  	_ =	shalt  }
0x43: {  	_ =	shalt  }
0x44: {  	_ =	shalt  }
0x45: {  	_ =	shalt  }
0x46: {  	_ =	shalt  }
0x47: {  	_ =	shalt  }
0x48: {  	_ =	shalt  }
0x49: {  	_ =	shalt  }
0x4a: {  	_ =	shalt  }
0x4b: {  	_ =	shalt  }
0x4c: {  	_ =	shalt  }
0x4d: {  	_ =	shalt  }
0x4e: {  	_ =	shalt  }
0x4f: {  	_ =	shalt  }
0x50: {  	_ =	shalt  }
0x51: {  	_ =	shalt  }
0x52: {  	_ =	shalt  }
0x53: {  	_ =	shalt  }
0x54: {  	_ =	shalt  }
0x55: {  	_ =	shalt  }
0x56: {  	_ =	shalt  }
0x57: {  	_ =	shalt  }
0x58: {  	_ =	shalt  }
0x59: {  	_ =	shalt  }
0x5a: {  	_ =	shalt  }
0x5b: {  	_ =	shalt  }
0x5c: {  	_ =	shalt  }
0x5d: {  	_ =	shalt  }
0x5e: {  	_ =	shalt  }
0x5f: {  	_ =	shalt  }
0x60: {  	_ =	shalt  }
0x61: {  	_ =	shalt  }
0x62: {  	_ =	shalt  }
0x63: {  	_ =	shalt  }
0x64: {  	_ =	shalt  }
0x65: {  	_ =	shalt  }
0x66: {  	_ =	shalt  }
0x67: {  	_ =	shalt  }
0x68: {  	_ =	shalt  }
0x69: {  	_ =	shalt  }
0x6a: {  	_ =	shalt  }
0x6b: {  	_ =	shalt  }
0x6c: {  	_ =	shalt  }
0x6d: {  	_ =	shalt  }
0x6e: {  	_ =	shalt  }
0x6f: {  	_ =	shalt  }
0x70: {  	_ =	shalt  }
0x71: {  	_ =	shalt  }
0x72: {  	_ =	shalt  }
0x73: {  	_ =	shalt  }
0x74: {  	_ =	shalt  }
0x75: {  	_ =	shalt  }
0x76: {  	_ =	shalt  }
0x77: {  	_ =	shalt  }
0x78: {  	_ =	shalt  }
0x79: {  	_ =	shalt  }
0x7a: {  	_ =	shalt  }
0x7b: {  	_ =	shalt  }
0x7c: {  	_ =	shalt  }
0x7d: {  	_ =	shalt  }
0x7e: {  	_ =	shalt  }
0x7f: {  	_ =	shalt  }
0x80: {  	_ =	shalt  }
0x81: {  	_ =	shalt  }
0x82: {  	_ =	shalt  }
0x83: {  	_ =	shalt  }
0x84: {  	_ =	shalt  }
0x85: {  	_ =	shalt  }
0x86: {  	_ =	shalt  }
0x87: {  	_ =	shalt  }
.Lfunc_end0:
.L_simem_size_0:
called_computation.4_lowered:
.L_overlay_start_0:
0x88: {  	s2 =	sld [smem:$0x3FD9]  }
0x89: {  	s3 =	sld [smem:$0x3FFE];
	_ =	sdelay $0x1  }
0x8a: {  	s1 =	srdreg.scid  }
0x8b: {  	s0 =	sand.u32 $0x1, s1  }
0x8c: {  	s16 =	sshll.u32 s0, $0xA;
	s2 =	sadd.s32 s3, s2  }
0x8d: {  	s2 =	sadd.s32 s2, s16  }
0x8e: {  	[smem:$0x3FB5] =	sst s2  }
0x8f: {  	_ = 	snop  }
0x90: {  	(tm) =	ssettm $0x1  }
0x91: {  	s17 =	sld [smem:$0x3FFB];
	_ =	sdelay $0x3  }
0x92: {  	_ =	strace s17  }
0x93: {  	s2 =	sld [smem:$0x3FFC];
	_ =	sdelay $0x3  }
0x94: {  	_ =	strace s2  }
0x95: {  	s2 =	sld [smem:$0x3FFD];
	_ =	sdelay $0x3  }
0x96: {  	_ =	strace s2  }
0x97: {  	_ =	strace $0x8FFFFFFF  }
0x98: {  	s18 =	sld [smem:$0x3FDB];
	_ =	sdelay $0x1  }
0x99: {  	s19 =	simm.s32 $_scs_section_size  }
0x9a: {  	s4 =	simm.s32 $_size__tile_overlayer_lowered;
	s5 =	simm.s32 $_tile_overlayer_lowered  }
0x9b: {  	s22 =	simm.s32 $0x1BFF;
	s21 =	sshll.u32 s5, $0x1;
	s2 =	sadd.s32 s19, s18  }
0x9c: {  	s6 =	simm.s32 $0x0;
	s20 =	sshll.u32 s4, $0x1;
	s4 =	sadd.s32 s21, s2  }
0x9d: {  	[timem:s6], [sflag:s22] =	dma.local [hbm:s4], s20  }
0x9e: {  	_ =	swait.ge [sflag:s22], s20  }
0x9f: {  	s3 =	ssub.s32 $0x0, s20;
	[sflag:s22] =	ssyncset.done $0x0  }
0xa0: {  	[sflag:s22] =	ssyncadd.s32 s3;
	_ =	sdelay $0x1  }
0xa1: {  	s23 =	simm.s32 $0x1B8B  }
0xa2: {  	_ =	swait.ge [sflag:s23], $0x1  }
0xa3: {  	[sflag:s23] =	ssyncset.done $0x0  }
0xa4: {  	s25 =	simm.s32 $0x1B8E;
	s24 =	sld [smem:$0x3FFE];
	[sflag:s23] =	ssyncadd.s32 $0xFFFFFFFF  }
0xa5: {  	s26 =	simm.s32 $execute0_lowered;
	[smem:$0x3FD2] =	sst s25  }
0xa6: {  	s4 =	sshll.u32 s26, $0x1;
	_ =	strace $0x80000052;
	[dreg:$0x1] =	wrdreg $0xFFFFFFFF  }
0xa7: {  	s28 =	simm.s32 $_size_execute0_lowered;
	s2 =	sadd.s32 s2, s4;
	[dreg:$0x0] =	wrdreg $0x0  }
0xa8: {  	s4 =	sshll.u32 s28, $0x1;
	[dreg:$0x2] =	wrdreg s2  }
0xa9: {  	[dreg:$0x3] =	wrdreg s4  }
0xaa: {  	[dreg:$0x4] =	wrdreg $0xC0  }
0xab: {  	_ =	task [dreg:s6], $0x5FFFF  }
0xac: {  	[dreg:$0x1] =	wrdreg $0xFFFFFFFF  }
0xad: {  	[dreg:$0x0] =	wrdreg $0x60  }
0xae: {  	[dreg:$0x2] =	wrdreg s24  }
0xaf: {  	[dreg:$0x3] =	wrdreg $0x40800  }
0xb0: {  	[dreg:$0x4] =	wrdreg $0x9  }
0xb1: {  	_ =	task.clear_ibuf [dreg:s6], $0x5FFFF;
	_ =	strace $0x90000052  }
0xb2: {  	s29 =	simm.s32 $0x9;
	_ =	strace $0x80000054  }
0xb3: {  	_ =	swait.ge [sflag:s29], $0x1  }
0xb4: {  	[sflag:s29] =	ssyncadd.s32 $0xFFFFFFFF  }
0xb5: {  	_ =	strace $0x90000054  }
0xb6: {  	_ =	sfence  }
0xb7: {  	s30 =	sld [smem:$0x0];
	_ =	sdelay $0x2  }
0xb8: {  	s31 =	sshll.u32 s1, $0xD;
	s1 =	sshrl.u32 s1, $0x2  }
0xb9: {  	s3 =	sand.u32 $0x4000, s31;
	s1 =	sadd.s32 s1, s30  }
0xba: {  	s0 =	sor.u32 s3, s0;
	s1 =	sshll.u32 s1, $0x11  }
0xbb: {  	s0 =	sor.u32 s1, s0  }
0xbc: {  	s0 =	sadd.s32 $0x8F2B, s0  }
0xbd: {  	[sflag:s0] =	ssyncadd.remote.s32 $0x1  }
0xbe: {  	_ =	sfence.sel $0xFFFF  }
0xbf: {  	[dreg:$0x0] =	wrdreg $0xFFFFFFFF;
	(pc) =	sbr.abs _section_cstart, $3  }
0xc0: {  	[dreg:$0x1] =	wrdreg $0xFFFFFFFF  }
0xc1: {  	_ =	task.clear_ibuf [dreg:s6], $0x2FFFF;
	_ =	strace $0x9FFFFFFF  }
0xc2: {  	(tm) =	ssettm $0x7FFFFFFF  }
0xc3: {  	_ =	shalt  }
tec
execute0_lowered:
.L_overlay_start_1:
0x0: {  	(tag) =	ssettag $0x1  }
0x1: {  	s4 =	rddreg [dreg:$0x0]  }
0x2: {  	s2 =	rddreg [dreg:$0x1];
	s3 =	srdreg.scid  }
0x3: {  	s0 =	rddreg [dreg:$0x2];
	s1 =	stileid.u32;
	s13 =	simm.s32 $0x0  }
0x4: {  	s6 =	sand.u32 $0x1, s3;
	s3 =	simm.s32 $0x0;
	s25 =	smul.u32 $0x14000, s1  }
0x5: {  	s5 =	sshll.u32 s1, $0x10;
	s8 =	sshll.u32 s1, $0x14;
	s28 =	smul.u32 $0x50000, s1  }
0x6: {  	s30 =	sshll.u32 s1, $0x6;
	s7 =	sshll.u32 s6, $0xF;
	[smem:$0x7FF] =	sst s3  }
0x7: {  	s9 =	smul.u32 $0x140000, s6;
	s8 =	sadd.s32 s8, s4;
	s11 =	ssub.s32 $0x2, s6  }
0x8: {  	s31 =	sshll.u32 s6, $0x13;
	s5 =	sor.u32 s7, s5;
	_ =	strace $0x80000053  }
0x9: {  	s26 =	sshrl.u32 s25, $0x3;
	s29 =	sshrl.u32 s11, $0x1;
	s8 =	sadd.s32 s31, s8  }
0xa: {  	s5 =	sshrl.u32 s5, $0x3;
	s7 =	sadd.s32 s25, s9;
	s9 =	sshrl.u32 s28, $0x2  }
0xb: {  	s11 =	ssub.s32 s11, s29;
	s8 =	sadd.s32 $0x38A1400, s8;
	s10 =	sadd.s32 s5, s4  }
0xc: {  	s5 =	sadd.s32 s26, s4;
	s7 =	sshrl.u32 s7, $0x3;
	s12 =	sadd.s32 s9, s2  }
0xd: {  	s7 =	sadd.s32 s7, s4;
	s4 =	sadd.s32 $0x6F200, s5;
	s5 =	sor.u32 $0x1C01, s30  }
0xe: {  	s9 =	sadd.s32 $0x4F200, s10;
	s10 =	sshrl.u32 s12, $0x3;
	s12 =	simm.s32 $0x80  }
0xf: {  	s6 =	sadd.s32 $0x97200, s7;
	s7 =	smax.u32 s11, $0x1;
	s11 =	simm.s32 $0x1  }
.LBB2_1:
0x10: {  	[spmem:s10], [sflag:s5] =	dma.local [hbm:s4], $0x2800  }
0x11: {  	_ =	swait.ge [sflag:s11], $0x2800  }
0x12: {  	[sflag:s11] =	ssyncset.done $0x0  }
0x13: {  	[sflag:s11] =	ssyncadd.s32 $0xFFFFD800  }
0x14: {  	s14 =	sadd.s32 $0x0, s9;
	[bflag:$0x0] =	sbarrier.arrive $0xFFFF  }
0x15: {  	[tilespmem:s3], [sflag:$0x1] =	stream.linear.gather [hbm4b:s14+s3], $0x80, $0x38;
	[tilespmem:$0x18080] =	vst v63  }
0x16: {  	_ =	swait.ge [sflag:s11], $0x80  }
0x17: {  	[sflag:s11] =	ssyncset.done $0x0  }
0x18: {  	[sflag:s11] =	ssyncadd.s32 $0xFFFFFF80  }
0x19: {  	[tilespmem:s12], [sflag:$0x1] =	stream.linear.gather [hbm4b:s8+s3], $0x4000, $0x38;
	[tilespmem:$0x18080] =	vst v63  }
0x1a: {  	_ =	swait.ge [sflag:s11], $0x4000  }
0x1b: {  	[sflag:s11] =	ssyncset.done $0x0  }
0x1c: {  	[sflag:s11] =	ssyncadd.s32 $0xFFFFC000  }
0x1d: {  	[spmem:s2] =	stream.indirect.scatter.add.f32 [tilespmem:s12], [sflag:$0x1], $0x80, s3, s12, $0xb8;
	[tilespmem:$0x18080] =	vst v63  }
0x1e: {  	s15 =	simm.s32 $0x10;
	_ =	swait.ge [sflag:s11], $0x4000  }
0x1f: {  	s16 =	simm.s32 $0x20;
	s14 =	sadd.s32 $0x800, s8;
	[sflag:s11] =	ssyncset.done $0x0  }
.LBB2_2:
0x20: {  	s17 =	sadd.s32 s15, s9  }
0x21: {  	[sflag:s11] =	ssyncadd.s32 $0xFFFFC000;
	s15 =	smov.u32 s16;
	s18 =	sadd.s32 $0x10, s16  }
0x22: {  	[tilespmem:s3], [sflag:$0x1] =	stream.linear.gather [hbm4b:s17+s3], $0x80, $0x38;
	[tilespmem:$0x18080] =	vst v63  }
0x23: {  	p0 =	sne.s32 s16, $0xFF0;
	_ =	swait.ge [sflag:s11], $0x80  }
0x24: {  	[sflag:s11] =	ssyncset.done $0x0  }
0x25: {  	[sflag:s11] =	ssyncadd.s32 $0xFFFFFF80  }
0x26: {  	[tilespmem:s12], [sflag:$0x1] =	stream.linear.gather [hbm4b:s14+s3], $0x4000, $0x38;
	[tilespmem:$0x18080] =	vst v63  }
0x27: {  	_ =	swait.ge [sflag:s11], $0x4000  }
.Ltmp0:
0x28: {  	[sflag:s11] =	ssyncset.done $0x0;
	(pc) =	sbr.rel @p0 .LBB2_2-.Ltmp0, $4  }
0x29: {  	[sflag:s11] =	ssyncadd.s32 $0xFFFFC000  }
0x2a: {  	[spmem:s2] =	stream.indirect.scatter.add.f32 [tilespmem:s12], [sflag:$0x1], $0x80, s3, s12, $0xb8;
	[tilespmem:$0x18080] =	vst v63  }
0x2b: {  	_ =	swait.ge [sflag:s11], $0x4000  }
0x2c: {  	s16 =	smov.u32 s18;
	s14 =	sadd.s32 $0x800, s14;
	[sflag:s11] =	ssyncset.done $0x0  }
0x2d: {  	s15 =	sadd.s32 s15, s9;
	[sflag:s11] =	ssyncadd.s32 $0xFFFFC000  }
0x2e: {  	[tilespmem:s3], [sflag:$0x1] =	stream.linear.gather [hbm4b:s15+s3], $0x80, $0x38;
	[tilespmem:$0x18080] =	vst v63  }
0x2f: {  	_ =	swait.ge [sflag:s11], $0x80  }
0x30: {  	[sflag:s11] =	ssyncset.done $0x0  }
0x31: {  	[sflag:s11] =	ssyncadd.s32 $0xFFFFFF80  }
0x32: {  	[tilespmem:s12], [sflag:$0x1] =	stream.linear.gather [hbm4b:s14+s3], $0x4000, $0x38;
	[tilespmem:$0x18080] =	vst v63  }
0x33: {  	_ =	swait.ge [sflag:s11], $0x4000  }
0x34: {  	[sflag:s11] =	ssyncset.done $0x0  }
0x35: {  	[sflag:s11] =	ssyncadd.s32 $0xFFFFC000  }
0x36: {  	[spmem:s2] =	stream.indirect.scatter.add.f32 [tilespmem:s12], [sflag:$0x1], $0x80, s3, s12, $0xb8;
	[tilespmem:$0x18080] =	vst v63  }
0x37: {  	_ =	swait.ge [sflag:s11], $0x4000  }
0x38: {  	s13 =	sadd.s32 $0x1, s13;
	[sflag:s11] =	ssyncset.done $0x0  }
0x39: {  	p0 =	sne.s32 s13, s7;
	[sflag:s11] =	ssyncadd.s32 $0xFFFFC000  }
.Ltmp1:
0x3a: {  	[bflag:$0x0] =	sbarrier.arrive $0xFFFF;
	(pc) =	sbr.rel @p0 .LBB2_1-.Ltmp1, $4  }
0x3b: {  	[hbm:s6], [sflag:s5] =	dma.local [spmem:s10], $0x2800  }
0x3c: {  	_ =	swait.ge [sflag:s11], $0x2800  }
0x3d: {  	[sflag:s11] =	ssyncset.done $0x0  }
0x3e: {  	[sflag:s11] =	ssyncadd.s32 $0xFFFFD800  }
0x3f: {  	_ =	sfence.sel $0x180000  }
0x40: {  	[bflag:$0x0] =	sbarrier.arrive $0xFFFF  }
0x41: {  	p0 =	sne.s32 s1, $0x0;
	_ =	strace $0x90000053  }
0x42: {  	s0 =	sadd.s32 @!p0 $0x100000, s0;
	[bflag:$0x2] =	sbarrier.arrive $0xFFFF  }
0x43: {  	[sflag:s0] =	ssyncadd.tile.s32 @!p0 $0x1;
	_ =	shalt  }
.Lfunc_end2:
_tile_overlayer_lowered:
.L_overlay_start_2:
0x44: {  	(tag) =	ssettag $0x2  }
0x45: {  	s0 =	rddreg [dreg:$0x0];
	s2 =	stileid.u32  }
0x46: {  	s1 =	rddreg [dreg:$0x1];
	p0 =	sne.s32 s2, $0x0  }
0x47: {  	s3 =	rddreg [dreg:$0x2];
	[bflag:$0x3] =	sbarrier.arrive $0xFFFF;
	s2 =	simm.s32 @!p0 $0x1C01  }
0x48: {  	[timem:s3], [sflag:s2] =	dma.local @!p0 [hbm:s0], s1  }
0x49: {  	s0 =	simm.s32 @!p0 $0x1  }
0x4a: {  	_ =	swait.ge @!p0 [sflag:s0], s1  }
0x4b: {  	s1 =	ssub.s32 @!p0 $0x0, s1;
	[sflag:s0] =	ssyncset.done @!p0 $0x0  }
0x4c: {  	[sflag:s0] =	ssyncadd.s32 @!p0 s1  }
0x4d: {  	[bflag:$0x3] =	sbarrier.arrive $0xFFFF  }
0x4e: {  	_ =	shalt  }

// kernel: kernel.26.cloned.1.call-start
scs
__scs_entry_jumppad:
0x0: {  	(pc) =	sbr.rel $0x88, $3  }
0x1: {  	(tag) =	ssettag $0x0;
	lr =	simm.s32 $0x1  }
0x2: {  	[smem:$0x3F8E] =	sst lr;
	_ =	strace $0xD0000000  }
0x3: {  	_ = 	snop  }
0x4: {  	_ = 	snop  }
0x5: {  	_ = 	snop  }
0x6: {  	_ = 	snop  }
0x7: {  	_ = 	snop  }
__scs_overlays_trampoline_lowered:
0x8: {  	[smem:$0x3F9D] =	sst s0  }
0x9: {  	[smem:$0x3F9E] =	sst s1  }
0xa: {  	[smem:$0x3F9F] =	sst s2  }
0xb: {  	[smem:$0x3FA0] =	sst s3  }
0xc: {  	[smem:$0x3FA1] =	sst s4  }
0xd: {  	[smem:$0x3FA2] =	sst s5  }
0xe: {  	[smem:$0x3FA3] =	sst s6  }
0xf: {  	[smem:$0x3FA4] =	sst s7  }
0x10: {  	[smem:$0x3FA5] =	sst s8  }
0x11: {  	[smem:$0x3FA6] =	sst s9;
	s0 =	simm.s32 @!p0 $0x0  }
0x12: {  	s1 =	sld [smem:$0x3F8C];
	s0 =	simm.s32 @p0 $0x1  }
0x13: {  	[smem:$0x3FA7] =	sst s0;
	s0 =	simm.s32 @!p1 $0x0  }
0x14: {  	s2 =	sld [smem:$0x3F8B];
	s0 =	simm.s32 @p1 $0x1  }
0x15: {  	[smem:$0x3FA8] =	sst s0;
	s0 =	simm.s32 @!p2 $0x0  }
0x16: {  	s3 =	sld [smem:$0x3FDB];
	s0 =	simm.s32 @p2 $0x1  }
0x17: {  	s4 =	simm.s32 $0x1BF5;
	[smem:$0x3FAA] =	sst s0  }
0x18: {  	s0 =	sld [smem:$0x3F8D];
	_ =	swait.ge [sflag:s4], $0x0  }
0x19: {  	s7 =	sld [smem:$0x3F8E]  }
0x1a: {  	s8 =	sadd.s32 $0xFFFFE003, lr  }
0x1b: {  	s9 =	sadd.s32 $0xFFFFFEF7, lr;
	s5 =	simm.s32 $0xFFFFFFFF;
	p2 =	slt.u32 s8, $0xFFFFF086  }
0x1c: {  	p1 =	slt.u32 s9, $0xF7A;
	s5 =	simm.s32 @!p2 $0x0  }
0x1d: {  	s5 =	simm.s32 @p1 $0x1;
	p0 =	seq.s32 s7, s2  }
0x1e: {  	s7 =	smul.u32 @!p0 $0xF7A, s2;
	p2 =	seq.s32 @!p0 s5, $0x0  }
0x1f: {  	s9 =	smul.u32 $0xF7A, s1;
	s8 =	simm.s32 @!p0 $0x1BF5;
	p2 =	por !p2, p0  }
0x20: {  	[sflag:s8] =	ssyncset.s32 @!p0 $0xFFFFF086;
	s6 =	sadd.s32 @!p0 s3, s7;
	s7 =	simm.s32 @!p0 $0x108  }
0x21: {  	s3 =	sadd.s32 s3, s9;
	s6 =	sadd.s32 @!p0 $0x88, s6;
	s7 =	simm.s32 @p2 $0x1082  }
0x22: {  	[simem:s7], [sflag:s8] =	dma.local @!p0 [hbm:s6], $0xF7A  }
0x23: {  	s9 =	sor.u32 $0xD0000000, s2;
	s6 =	simm.s32 $0x108;
	_ =	swait.ge @!p0 [sflag:s8], $0x0  }
0x24: {  	s3 =	sadd.s32 $0x88, s3;
	s6 =	simm.s32 @!p1 $0x1082;
	[sflag:s4] =	ssyncset.s32 $0xFFFFF086  }
0x25: {  	[simem:s6], [sflag:s4] =	dma.local [hbm:s3], $0xF7A  }
0x26: {  	[smem:$0x3F8E] =	sst s1;
	(tag) =	ssettag s2;
	_ =	strace s9  }
0x27: {  	s1 =	sld [smem:$0x3F9E]  }
0x28: {  	s2 =	sld [smem:$0x3F9F]  }
0x29: {  	s4 =	sld [smem:$0x3FA1]  }
0x2a: {  	p0 =	seq.s32 s5, $0x0;
	s5 =	sld [smem:$0x3FA2]  }
0x2b: {  	s6 =	sld [smem:$0x3FA3]  }
0x2c: {  	s7 =	sld [smem:$0x3FA4]  }
0x2d: {  	s3 =	simm.s32 $0x108;
	s8 =	sld [smem:$0x3FA5]  }
0x2e: {  	s3 =	simm.s32 @!p0 $0x1082;
	s9 =	sld [smem:$0x3FA6]  }
0x2f: {  	lr =	sadd.s32 s0, s3;
	s0 =	sld [smem:$0x3F9D]  }
0x30: {  	s3 =	sld [smem:$0x3FA0]  }
0x31: {  	[smem:$0x3FA9] =	sst s10  }
0x32: {  	s10 =	sld [smem:$0x3FA7];
	_ =	sdelay $0x3  }
0x33: {  	p0 =	seq.s32 s10, $0x1;
	s10 =	sld [smem:$0x3FA9];
	_ =	sdelay $0x3  }
0x34: {  	[smem:$0x3FA9] =	sst s10  }
0x35: {  	s10 =	sld [smem:$0x3FA8];
	_ =	sdelay $0x3  }
0x36: {  	p1 =	seq.s32 s10, $0x1;
	s10 =	sld [smem:$0x3FA9];
	_ =	sdelay $0x3  }
0x37: {  	[smem:$0x3FA9] =	sst s10  }
0x38: {  	s10 =	sld [smem:$0x3FAA]  }
0x39: {  	_ = 	snop;
	(pc) =	sbr.ind lr, $3  }
0x3a: {  	_ = 	snop  }
0x3b: {  	_ = 	snop  }
0x3c: {  	p2 =	seq.s32 s10, $0x1;
	s10 =	sld [smem:$0x3FA9]  }
0x3d: {  	_ =	shalt  }
0x3e: {  	_ =	shalt  }
0x3f: {  	_ =	shalt  }
0x40: {  	_ =	shalt  }
0x41: {  	_ =	shalt  }
0x42: {  	_ =	shalt  }
0x43: {  	_ =	shalt  }
0x44: {  	_ =	shalt  }
0x45: {  	_ =	shalt  }
0x46: {  	_ =	shalt  }
0x47: {  	_ =	shalt  }
0x48: {  	_ =	shalt  }
0x49: {  	_ =	shalt  }
0x4a: {  	_ =	shalt  }
0x4b: {  	_ =	shalt  }
0x4c: {  	_ =	shalt  }
0x4d: {  	_ =	shalt  }
0x4e: {  	_ =	shalt  }
0x4f: {  	_ =	shalt  }
0x50: {  	_ =	shalt  }
0x51: {  	_ =	shalt  }
0x52: {  	_ =	shalt  }
0x53: {  	_ =	shalt  }
0x54: {  	_ =	shalt  }
0x55: {  	_ =	shalt  }
0x56: {  	_ =	shalt  }
0x57: {  	_ =	shalt  }
0x58: {  	_ =	shalt  }
0x59: {  	_ =	shalt  }
0x5a: {  	_ =	shalt  }
0x5b: {  	_ =	shalt  }
0x5c: {  	_ =	shalt  }
0x5d: {  	_ =	shalt  }
0x5e: {  	_ =	shalt  }
0x5f: {  	_ =	shalt  }
0x60: {  	_ =	shalt  }
0x61: {  	_ =	shalt  }
0x62: {  	_ =	shalt  }
0x63: {  	_ =	shalt  }
0x64: {  	_ =	shalt  }
0x65: {  	_ =	shalt  }
0x66: {  	_ =	shalt  }
0x67: {  	_ =	shalt  }
0x68: {  	_ =	shalt  }
0x69: {  	_ =	shalt  }
0x6a: {  	_ =	shalt  }
0x6b: {  	_ =	shalt  }
0x6c: {  	_ =	shalt  }
0x6d: {  	_ =	shalt  }
0x6e: {  	_ =	shalt  }
0x6f: {  	_ =	shalt  }
0x70: {  	_ =	shalt  }
0x71: {  	_ =	shalt  }
0x72: {  	_ =	shalt  }
0x73: {  	_ =	shalt  }
0x74: {  	_ =	shalt  }
0x75: {  	_ =	shalt  }
0x76: {  	_ =	shalt  }
0x77: {  	_ =	shalt  }
0x78: {  	_ =	shalt  }
0x79: {  	_ =	shalt  }
0x7a: {  	_ =	shalt  }
0x7b: {  	_ =	shalt  }
0x7c: {  	_ =	shalt  }
0x7d: {  	_ =	shalt  }
0x7e: {  	_ =	shalt  }
0x7f: {  	_ =	shalt  }
0x80: {  	_ =	shalt  }
0x81: {  	_ =	shalt  }
0x82: {  	_ =	shalt  }
0x83: {  	_ =	shalt  }
0x84: {  	_ =	shalt  }
0x85: {  	_ =	shalt  }
0x86: {  	_ =	shalt  }
0x87: {  	_ =	shalt  }
.Lfunc_end0:
.L_simem_size_0:
called_computation.5_lowered:
.L_overlay_start_0:
0x88: {  	s2 =	sld [smem:$0x3FD9]  }
0x89: {  	s3 =	sld [smem:$0x3FFE];
	_ =	sdelay $0x1  }
0x8a: {  	s1 =	srdreg.scid  }
0x8b: {  	s0 =	sand.u32 $0x1, s1  }
0x8c: {  	s16 =	sshll.u32 s0, $0xA;
	s2 =	sadd.s32 s3, s2  }
0x8d: {  	s2 =	sadd.s32 s2, s16  }
0x8e: {  	[smem:$0x3FB5] =	sst s2  }
0x8f: {  	_ = 	snop  }
0x90: {  	(tm) =	ssettm $0x1  }
0x91: {  	s17 =	sld [smem:$0x3FFB];
	_ =	sdelay $0x3  }
0x92: {  	_ =	strace s17  }
0x93: {  	s2 =	sld [smem:$0x3FFC];
	_ =	sdelay $0x3  }
0x94: {  	_ =	strace s2  }
0x95: {  	s2 =	sld [smem:$0x3FFD];
	_ =	sdelay $0x3  }
0x96: {  	_ =	strace s2  }
0x97: {  	_ =	strace $0x8FFFFFFF  }
0x98: {  	s18 =	sld [smem:$0x3FDB];
	_ =	sdelay $0x1  }
0x99: {  	s19 =	simm.s32 $_scs_section_size  }
0x9a: {  	s4 =	simm.s32 $_size__tile_overlayer_lowered;
	s5 =	simm.s32 $_tile_overlayer_lowered  }
0x9b: {  	s22 =	simm.s32 $0x1BFF;
	s21 =	sshll.u32 s5, $0x1;
	s2 =	sadd.s32 s19, s18  }
0x9c: {  	s6 =	simm.s32 $0x0;
	s20 =	sshll.u32 s4, $0x1;
	s4 =	sadd.s32 s21, s2  }
0x9d: {  	[timem:s6], [sflag:s22] =	dma.local [hbm:s4], s20  }
0x9e: {  	_ =	swait.ge [sflag:s22], s20  }
0x9f: {  	s3 =	ssub.s32 $0x0, s20;
	[sflag:s22] =	ssyncset.done $0x0  }
0xa0: {  	[sflag:s22] =	ssyncadd.s32 s3;
	_ =	sdelay $0x1  }
0xa1: {  	s23 =	simm.s32 $0x1B8B  }
0xa2: {  	_ =	swait.ge [sflag:s23], $0x1  }
0xa3: {  	[sflag:s23] =	ssyncset.done $0x0  }
0xa4: {  	s25 =	simm.s32 $0x1B8E;
	s24 =	sld [smem:$0x3FFE];
	[sflag:s23] =	ssyncadd.s32 $0xFFFFFFFF  }
0xa5: {  	s26 =	simm.s32 $execute0_lowered;
	[smem:$0x3FD2] =	sst s25  }
0xa6: {  	s4 =	sshll.u32 s26, $0x1;
	_ =	strace $0x80000055;
	[dreg:$0x1] =	wrdreg $0xFFFFFFFF  }
0xa7: {  	s28 =	simm.s32 $_size_execute0_lowered;
	s2 =	sadd.s32 s2, s4;
	[dreg:$0x0] =	wrdreg $0x0  }
0xa8: {  	s4 =	sshll.u32 s28, $0x1;
	[dreg:$0x2] =	wrdreg s2  }
0xa9: {  	[dreg:$0x3] =	wrdreg s4  }
0xaa: {  	[dreg:$0x4] =	wrdreg $0xC0  }
0xab: {  	_ =	task [dreg:s6], $0x5FFFF  }
0xac: {  	[dreg:$0x1] =	wrdreg $0xFFFFFFFF  }
0xad: {  	[dreg:$0x0] =	wrdreg $0x60  }
0xae: {  	[dreg:$0x2] =	wrdreg s24  }
0xaf: {  	[dreg:$0x3] =	wrdreg $0x9  }
0xb0: {  	_ =	task.clear_ibuf [dreg:s6], $0x4FFFF;
	_ =	strace $0x90000055  }
0xb1: {  	s29 =	simm.s32 $0x9;
	_ =	strace $0x80000057  }
0xb2: {  	_ =	swait.ge [sflag:s29], $0x1  }
0xb3: {  	[sflag:s29] =	ssyncadd.s32 $0xFFFFFFFF  }
0xb4: {  	_ =	strace $0x90000057  }
0xb5: {  	_ =	sfence  }
0xb6: {  	s30 =	sld [smem:$0x0];
	_ =	sdelay $0x2  }
0xb7: {  	s31 =	sshll.u32 s1, $0xD;
	s1 =	sshrl.u32 s1, $0x2  }
0xb8: {  	s3 =	sand.u32 $0x4000, s31;
	s1 =	sadd.s32 s1, s30  }
0xb9: {  	s0 =	sor.u32 s3, s0;
	s1 =	sshll.u32 s1, $0x11  }
0xba: {  	s0 =	sor.u32 s1, s0  }
0xbb: {  	s0 =	sadd.s32 $0x8F2B, s0  }
0xbc: {  	[sflag:s0] =	ssyncadd.remote.s32 $0x1  }
0xbd: {  	_ =	sfence.sel $0xFFFF  }
0xbe: {  	[dreg:$0x0] =	wrdreg $0xFFFFFFFF;
	(pc) =	sbr.abs _section_cstart, $3  }
0xbf: {  	[dreg:$0x1] =	wrdreg $0xFFFFFFFF  }
0xc0: {  	_ =	task.clear_ibuf [dreg:s6], $0x2FFFF;
	_ =	strace $0x9FFFFFFF  }
0xc1: {  	(tm) =	ssettm $0x7FFFFFFF  }
tec
execute0_lowered:
.L_overlay_start_1:
0x0: {  	(tag) =	ssettag $0x1  }
0x1: {  	s5 =	rddreg [dreg:$0x0]  }
0x2: {  	s0 =	rddreg [dreg:$0x1];
	s2 =	simm.s32 $0x0;
	s3 =	srdreg.scid  }
0x3: {  	s1 =	stileid.u32;
	s12 =	simm.s32 $0x100;
	s13 =	simm.s32 $0x4100  }
0x4: {  	s14 =	simm.s32 $0x1;
	s15 =	simm.s32 $0x2;
	s16 =	simm.s32 $0x0  }
0x5: {  	[smem:$0x7FF] =	sst s2;
	s6 =	sand.u32 $0x1, s3;
	s7 =	sshll.u32 s1, $0x10  }
0x6: {  	s3 =	sadd.s32 $0xBF200, s5;
	s4 =	sadd.s32 $0xE7200, s5;
	s29 =	sshll.u32 s1, $0x14  }
0x7: {  	_ =	strace $0x80000056;
	s8 =	sshll.u32 s6, $0xF;
	s9 =	ssub.s32 $0x2, s6  }
0x8: {  	s6 =	sshll.u32 s6, $0x13;
	s7 =	sor.u32 s8, s7;
	s10 =	sshrl.u32 s9, $0x1  }
0x9: {  	s8 =	sadd.s32 s29, s5;
	s7 =	sshrl.u32 s7, $0x3;
	s30 =	ssub.s32 s9, s10  }
0xa: {  	s31 =	sadd.s32 s6, s8;
	s10 =	simm.s32 $0x3;
	s11 =	sadd.s32 s7, s5  }
0xb: {  	s5 =	smax.u32 s30, $0x1;
	s6 =	sadd.s32 $0xC1F600, s31;
	s7 =	sadd.s32 $0x1C1F600, s31  }
0xc: {  	s8 =	sadd.s32 $0x4F200, s11;
	s9 =	sadd.s32 $0x2F200, s11;
	s11 =	simm.s32 $0x80  }
.LBB2_1:
0xd: {  	s17 =	sadd.s32 $0x0, s9  }
0xe: {  	[tilespmem:s2], [sflag:$0x3] =	stream.linear.gather [hbm4b:s17+s2], $0x80, $0x38;
	[tilespmem:$0x8100] =	vst v63  }
0xf: {  	_ =	swait.ge [sflag:s10], $0x80  }
0x10: {  	[sflag:s10] =	ssyncset.done $0x0  }
0x11: {  	s31 =	sadd.s32 $0x0, s8;
	[sflag:s10] =	ssyncadd.s32 $0xFFFFFF80  }
0x12: {  	[tilespmem:s11], [sflag:$0x3] =	stream.linear.gather [hbm4b:s31+s2], $0x80, $0x38;
	[tilespmem:$0x8100] =	vst v63  }
0x13: {  	_ =	swait.ge [sflag:s10], $0x80  }
0x14: {  	[sflag:s10] =	ssyncset.done $0x0  }
0x15: {  	[sflag:s10] =	ssyncadd.s32 $0xFFFFFF80  }
0x16: {  	[tilespmem:s12], [sflag:$0x1] =	stream.indirect.gather [hbm4b:s3+s11], $0x80, s2, s11, $0xb8;
	[tilespmem:$0x8100] =	vst v63  }
0x17: {  	_ = 	snop  }
0x18: {  	[tilespmem:s13], [sflag:$0x2] =	stream.indirect.gather [hbm4b:s4+s11], $0x80, s11, s11, $0xb8;
	[tilespmem:$0x8100] =	vst v63  }
0x19: {  	_ =	swait.ge [sflag:s14], $0x4000  }
0x1a: {  	[sflag:s14] =	ssyncset.done $0x0  }
0x1b: {  	[sflag:s14] =	ssyncadd.s32 $0xFFFFC000  }
0x1c: {  	_ =	swait.ge [sflag:s15], $0x4000  }
0x1d: {  	[sflag:s15] =	ssyncset.done $0x0  }
0x1e: {  	[sflag:s15] =	ssyncadd.s32 $0xFFFFC000  }
0x1f: {  	[hbm4b:s6+s2] =	stream.linear.scatter [tilespmem:s12], [sflag:$0x3], $0x4000, $0x38;
	[tilespmem:$0x8100] =	vst v63  }
0x20: {  	_ =	swait.ge [sflag:s10], $0x4000  }
0x21: {  	[sflag:s10] =	ssyncset.done $0x0  }
0x22: {  	[sflag:s10] =	ssyncadd.s32 $0xFFFFC000  }
0x23: {  	[hbm4b:s7+s2] =	stream.linear.scatter [tilespmem:s13], [sflag:$0x3], $0x4000, $0x38;
	[tilespmem:$0x8100] =	vst v63  }
0x24: {  	s19 =	simm.s32 $0x10;
	s20 =	simm.s32 $0x20;
	_ =	swait.ge [sflag:s10], $0x4000  }
0x25: {  	s18 =	sadd.s32 $0x800, s6;
	s17 =	sadd.s32 $0x800, s7;
	[sflag:s10] =	ssyncset.done $0x0  }
.LBB2_2:
0x26: {  	s21 =	sadd.s32 s19, s9  }
0x27: {  	[sflag:s10] =	ssyncadd.s32 $0xFFFFC000;
	s22 =	smov.u32 s20;
	s23 =	sadd.s32 $0x10, s20  }
0x28: {  	[tilespmem:s2], [sflag:$0x3] =	stream.linear.gather [hbm4b:s21+s2], $0x80, $0x38;
	[tilespmem:$0x8100] =	vst v63  }
0x29: {  	p0 =	sne.s32 s20, $0xFF0;
	_ =	swait.ge [sflag:s10], $0x80  }
0x2a: {  	[sflag:s10] =	ssyncset.done $0x0  }
0x2b: {  	s20 =	sadd.s32 s19, s8;
	s19 =	smov.u32 s22;
	[sflag:s10] =	ssyncadd.s32 $0xFFFFFF80  }
0x2c: {  	[tilespmem:s11], [sflag:$0x3] =	stream.linear.gather [hbm4b:s20+s2], $0x80, $0x38;
	[tilespmem:$0x8100] =	vst v63  }
0x2d: {  	_ =	swait.ge [sflag:s10], $0x80  }
0x2e: {  	[sflag:s10] =	ssyncset.done $0x0  }
0x2f: {  	[sflag:s10] =	ssyncadd.s32 $0xFFFFFF80  }
0x30: {  	[tilespmem:s12], [sflag:$0x1] =	stream.indirect.gather [hbm4b:s3+s11], $0x80, s2, s11, $0xb8;
	[tilespmem:$0x8100] =	vst v63  }
0x31: {  	_ = 	snop  }
0x32: {  	[tilespmem:s13], [sflag:$0x2] =	stream.indirect.gather [hbm4b:s4+s11], $0x80, s11, s11, $0xb8;
	[tilespmem:$0x8100] =	vst v63  }
0x33: {  	_ =	swait.ge [sflag:s14], $0x4000  }
0x34: {  	[sflag:s14] =	ssyncset.done $0x0  }
0x35: {  	[sflag:s14] =	ssyncadd.s32 $0xFFFFC000  }
0x36: {  	_ =	swait.ge [sflag:s15], $0x4000  }
0x37: {  	[sflag:s15] =	ssyncset.done $0x0  }
0x38: {  	[sflag:s15] =	ssyncadd.s32 $0xFFFFC000  }
0x39: {  	[hbm4b:s18+s2] =	stream.linear.scatter [tilespmem:s12], [sflag:$0x3], $0x4000, $0x38;
	[tilespmem:$0x8100] =	vst v63  }
0x3a: {  	_ =	swait.ge [sflag:s10], $0x4000  }
.Ltmp0:
0x3b: {  	[sflag:s10] =	ssyncset.done $0x0;
	(pc) =	sbr.rel @p0 .LBB2_2-.Ltmp0, $4  }
0x3c: {  	[sflag:s10] =	ssyncadd.s32 $0xFFFFC000  }
0x3d: {  	[hbm4b:s17+s2] =	stream.linear.scatter [tilespmem:s13], [sflag:$0x3], $0x4000, $0x38;
	[tilespmem:$0x8100] =	vst v63  }
0x3e: {  	s20 =	smov.u32 s23;
	_ =	swait.ge [sflag:s10], $0x4000  }
0x3f: {  	s18 =	sadd.s32 $0x800, s18;
	s17 =	sadd.s32 $0x800, s17;
	[sflag:s10] =	ssyncset.done $0x0  }
0x40: {  	s20 =	sadd.s32 s19, s9;
	[sflag:s10] =	ssyncadd.s32 $0xFFFFC000  }
0x41: {  	[tilespmem:s2], [sflag:$0x3] =	stream.linear.gather [hbm4b:s20+s2], $0x80, $0x38;
	[tilespmem:$0x8100] =	vst v63  }
0x42: {  	_ =	swait.ge [sflag:s10], $0x80  }
0x43: {  	[sflag:s10] =	ssyncset.done $0x0  }
0x44: {  	s31 =	sadd.s32 s19, s8;
	[sflag:s10] =	ssyncadd.s32 $0xFFFFFF80  }
0x45: {  	[tilespmem:s11], [sflag:$0x3] =	stream.linear.gather [hbm4b:s31+s2], $0x80, $0x38;
	[tilespmem:$0x8100] =	vst v63  }
0x46: {  	_ =	swait.ge [sflag:s10], $0x80  }
0x47: {  	[sflag:s10] =	ssyncset.done $0x0  }
0x48: {  	[sflag:s10] =	ssyncadd.s32 $0xFFFFFF80  }
0x49: {  	[tilespmem:s12], [sflag:$0x1] =	stream.indirect.gather [hbm4b:s3+s11], $0x80, s2, s11, $0xb8;
	[tilespmem:$0x8100] =	vst v63  }
0x4a: {  	_ = 	snop  }
0x4b: {  	[tilespmem:s13], [sflag:$0x2] =	stream.indirect.gather [hbm4b:s4+s11], $0x80, s11, s11, $0xb8;
	[tilespmem:$0x8100] =	vst v63  }
0x4c: {  	_ =	swait.ge [sflag:s14], $0x4000  }
0x4d: {  	[sflag:s14] =	ssyncset.done $0x0  }
0x4e: {  	[sflag:s14] =	ssyncadd.s32 $0xFFFFC000  }
0x4f: {  	_ =	swait.ge [sflag:s15], $0x4000  }
0x50: {  	[sflag:s15] =	ssyncset.done $0x0  }
0x51: {  	[sflag:s15] =	ssyncadd.s32 $0xFFFFC000  }
0x52: {  	[hbm4b:s18+s2] =	stream.linear.scatter [tilespmem:s12], [sflag:$0x3], $0x4000, $0x38;
	[tilespmem:$0x8100] =	vst v63  }
0x53: {  	s16 =	sadd.s32 $0x1, s16;
	_ =	swait.ge [sflag:s10], $0x4000  }
0x54: {  	p0 =	sne.s32 s16, s5;
	[sflag:s10] =	ssyncset.done $0x0  }
.Ltmp1:
0x55: {  	[sflag:s10] =	ssyncadd.s32 $0xFFFFC000;
	(pc) =	sbr.rel @p0 .LBB2_1-.Ltmp1, $4  }
0x56: {  	[hbm4b:s17+s2] =	stream.linear.scatter [tilespmem:s13], [sflag:$0x3], $0x4000, $0x38;
	[tilespmem:$0x8100] =	vst v63  }
0x57: {  	_ =	swait.ge [sflag:s10], $0x4000  }
0x58: {  	[sflag:s10] =	ssyncset.done $0x0  }
0x59: {  	[sflag:s10] =	ssyncadd.s32 $0xFFFFC000  }
0x5a: {  	_ =	sfence.sel $0x180000  }
0x5b: {  	[bflag:$0x0] =	sbarrier.arrive $0xFFFF  }
0x5c: {  	p0 =	sne.s32 s1, $0x0;
	_ =	strace $0x90000056  }
0x5d: {  	s0 =	sadd.s32 @!p0 $0x100000, s0;
	[bflag:$0x2] =	sbarrier.arrive $0xFFFF  }
0x5e: {  	[sflag:s0] =	ssyncadd.tile.s32 @!p0 $0x1;
	_ =	shalt  }
.Lfunc_end2:
_tile_overlayer_lowered:
.L_overlay_start_2:
0x5f: {  	(tag) =	ssettag $0x2  }
0x60: {  	s0 =	rddreg [dreg:$0x0];
	s2 =	stileid.u32  }
0x61: {  	s1 =	rddreg [dreg:$0x1];
	p0 =	sne.s32 s2, $0x0  }
0x62: {  	s3 =	rddreg [dreg:$0x2];
	[bflag:$0x3] =	sbarrier.arrive $0xFFFF;
	s2 =	simm.s32 @!p0 $0x1C03  }
0x63: {  	[timem:s3], [sflag:s2] =	dma.local @!p0 [hbm:s0], s1  }
0x64: {  	s0 =	simm.s32 @!p0 $0x3  }
0x65: {  	_ =	swait.ge @!p0 [sflag:s0], s1  }
0x66: {  	s1 =	ssub.s32 @!p0 $0x0, s1;
	[sflag:s0] =	ssyncset.done @!p0 $0x0  }
0x67: {  	[sflag:s0] =	ssyncadd.s32 @!p0 s1  }
0x68: {  	[bflag:$0x3] =	sbarrier.arrive $0xFFFF  }
0x69: {  	_ =	shalt  }

// kernel: kernel.29.cloned.1.call-start
scs
__scs_entry_jumppad:
0x0: {  	(pc) =	sbr.rel $0x88, $3  }
0x1: {  	(tag) =	ssettag $0x0;
	lr =	simm.s32 $0x1  }
0x2: {  	[smem:$0x3F8E] =	sst lr;
	_ =	strace $0xD0000000  }
0x3: {  	_ = 	snop  }
0x4: {  	_ = 	snop  }
0x5: {  	_ = 	snop  }
0x6: {  	_ = 	snop  }
0x7: {  	_ = 	snop  }
__scs_overlays_trampoline_lowered:
0x8: {  	[smem:$0x3F9D] =	sst s0  }
0x9: {  	[smem:$0x3F9E] =	sst s1  }
0xa: {  	[smem:$0x3F9F] =	sst s2  }
0xb: {  	[smem:$0x3FA0] =	sst s3  }
0xc: {  	[smem:$0x3FA1] =	sst s4  }
0xd: {  	[smem:$0x3FA2] =	sst s5  }
0xe: {  	[smem:$0x3FA3] =	sst s6  }
0xf: {  	[smem:$0x3FA4] =	sst s7  }
0x10: {  	[smem:$0x3FA5] =	sst s8  }
0x11: {  	[smem:$0x3FA6] =	sst s9;
	s0 =	simm.s32 @!p0 $0x0  }
0x12: {  	s1 =	sld [smem:$0x3F8C];
	s0 =	simm.s32 @p0 $0x1  }
0x13: {  	[smem:$0x3FA7] =	sst s0;
	s0 =	simm.s32 @!p1 $0x0  }
0x14: {  	s2 =	sld [smem:$0x3F8B];
	s0 =	simm.s32 @p1 $0x1  }
0x15: {  	[smem:$0x3FA8] =	sst s0;
	s0 =	simm.s32 @!p2 $0x0  }
0x16: {  	s3 =	sld [smem:$0x3FDB];
	s0 =	simm.s32 @p2 $0x1  }
0x17: {  	s4 =	simm.s32 $0x1BF5;
	[smem:$0x3FAA] =	sst s0  }
0x18: {  	s0 =	sld [smem:$0x3F8D];
	_ =	swait.ge [sflag:s4], $0x0  }
0x19: {  	s7 =	sld [smem:$0x3F8E]  }
0x1a: {  	s8 =	sadd.s32 $0xFFFFE003, lr  }
0x1b: {  	s9 =	sadd.s32 $0xFFFFFEF7, lr;
	s5 =	simm.s32 $0xFFFFFFFF;
	p2 =	slt.u32 s8, $0xFFFFF086  }
0x1c: {  	p1 =	slt.u32 s9, $0xF7A;
	s5 =	simm.s32 @!p2 $0x0  }
0x1d: {  	s5 =	simm.s32 @p1 $0x1;
	p0 =	seq.s32 s7, s2  }
0x1e: {  	s7 =	smul.u32 @!p0 $0xF7A, s2;
	p2 =	seq.s32 @!p0 s5, $0x0  }
0x1f: {  	s9 =	smul.u32 $0xF7A, s1;
	s8 =	simm.s32 @!p0 $0x1BF5;
	p2 =	por !p2, p0  }
0x20: {  	[sflag:s8] =	ssyncset.s32 @!p0 $0xFFFFF086;
	s6 =	sadd.s32 @!p0 s3, s7;
	s7 =	simm.s32 @!p0 $0x108  }
0x21: {  	s3 =	sadd.s32 s3, s9;
	s6 =	sadd.s32 @!p0 $0x88, s6;
	s7 =	simm.s32 @p2 $0x1082  }
0x22: {  	[simem:s7], [sflag:s8] =	dma.local @!p0 [hbm:s6], $0xF7A  }
0x23: {  	s9 =	sor.u32 $0xD0000000, s2;
	s6 =	simm.s32 $0x108;
	_ =	swait.ge @!p0 [sflag:s8], $0x0  }
0x24: {  	s3 =	sadd.s32 $0x88, s3;
	s6 =	simm.s32 @!p1 $0x1082;
	[sflag:s4] =	ssyncset.s32 $0xFFFFF086  }
0x25: {  	[simem:s6], [sflag:s4] =	dma.local [hbm:s3], $0xF7A  }
0x26: {  	[smem:$0x3F8E] =	sst s1;
	(tag) =	ssettag s2;
	_ =	strace s9  }
0x27: {  	s1 =	sld [smem:$0x3F9E]  }
0x28: {  	s2 =	sld [smem:$0x3F9F]  }
0x29: {  	s4 =	sld [smem:$0x3FA1]  }
0x2a: {  	p0 =	seq.s32 s5, $0x0;
	s5 =	sld [smem:$0x3FA2]  }
0x2b: {  	s6 =	sld [smem:$0x3FA3]  }
0x2c: {  	s7 =	sld [smem:$0x3FA4]  }
0x2d: {  	s3 =	simm.s32 $0x108;
	s8 =	sld [smem:$0x3FA5]  }
0x2e: {  	s3 =	simm.s32 @!p0 $0x1082;
	s9 =	sld [smem:$0x3FA6]  }
0x2f: {  	lr =	sadd.s32 s0, s3;
	s0 =	sld [smem:$0x3F9D]  }
0x30: {  	s3 =	sld [smem:$0x3FA0]  }
0x31: {  	[smem:$0x3FA9] =	sst s10  }
0x32: {  	s10 =	sld [smem:$0x3FA7];
	_ =	sdelay $0x3  }
0x33: {  	p0 =	seq.s32 s10, $0x1;
	s10 =	sld [smem:$0x3FA9];
	_ =	sdelay $0x3  }
0x34: {  	[smem:$0x3FA9] =	sst s10  }
0x35: {  	s10 =	sld [smem:$0x3FA8];
	_ =	sdelay $0x3  }
0x36: {  	p1 =	seq.s32 s10, $0x1;
	s10 =	sld [smem:$0x3FA9];
	_ =	sdelay $0x3  }
0x37: {  	[smem:$0x3FA9] =	sst s10  }
0x38: {  	s10 =	sld [smem:$0x3FAA]  }
0x39: {  	_ = 	snop;
	(pc) =	sbr.ind lr, $3  }
0x3a: {  	_ = 	snop  }
0x3b: {  	_ = 	snop  }
0x3c: {  	p2 =	seq.s32 s10, $0x1;
	s10 =	sld [smem:$0x3FA9]  }
0x3d: {  	_ =	shalt  }
0x3e: {  	_ =	shalt  }
0x3f: {  	_ =	shalt  }
0x40: {  	_ =	shalt  }
0x41: {  	_ =	shalt  }
0x42: {  	_ =	shalt  }
0x43: {  	_ =	shalt  }
0x44: {  	_ =	shalt  }
0x45: {  	_ =	shalt  }
0x46: {  	_ =	shalt  }
0x47: {  	_ =	shalt  }
0x48: {  	_ =	shalt  }
0x49: {  	_ =	shalt  }
0x4a: {  	_ =	shalt  }
0x4b: {  	_ =	shalt  }
0x4c: {  	_ =	shalt  }
0x4d: {  	_ =	shalt  }
0x4e: {  	_ =	shalt  }
0x4f: {  	_ =	shalt  }
0x50: {  	_ =	shalt  }
0x51: {  	_ =	shalt  }
0x52: {  	_ =	shalt  }
0x53: {  	_ =	shalt  }
0x54: {  	_ =	shalt  }
0x55: {  	_ =	shalt  }
0x56: {  	_ =	shalt  }
0x57: {  	_ =	shalt  }
0x58: {  	_ =	shalt  }
0x59: {  	_ =	shalt  }
0x5a: {  	_ =	shalt  }
0x5b: {  	_ =	shalt  }
0x5c: {  	_ =	shalt  }
0x5d: {  	_ =	shalt  }
0x5e: {  	_ =	shalt  }
0x5f: {  	_ =	shalt  }
0x60: {  	_ =	shalt  }
0x61: {  	_ =	shalt  }
0x62: {  	_ =	shalt  }
0x63: {  	_ =	shalt  }
0x64: {  	_ =	shalt  }
0x65: {  	_ =	shalt  }
0x66: {  	_ =	shalt  }
0x67: {  	_ =	shalt  }
0x68: {  	_ =	shalt  }
0x69: {  	_ =	shalt  }
0x6a: {  	_ =	shalt  }
0x6b: {  	_ =	shalt  }
0x6c: {  	_ =	shalt  }
0x6d: {  	_ =	shalt  }
0x6e: {  	_ =	shalt  }
0x6f: {  	_ =	shalt  }
0x70: {  	_ =	shalt  }
0x71: {  	_ =	shalt  }
0x72: {  	_ =	shalt  }
0x73: {  	_ =	shalt  }
0x74: {  	_ =	shalt  }
0x75: {  	_ =	shalt  }
0x76: {  	_ =	shalt  }
0x77: {  	_ =	shalt  }
0x78: {  	_ =	shalt  }
0x79: {  	_ =	shalt  }
0x7a: {  	_ =	shalt  }
0x7b: {  	_ =	shalt  }
0x7c: {  	_ =	shalt  }
0x7d: {  	_ =	shalt  }
0x7e: {  	_ =	shalt  }
0x7f: {  	_ =	shalt  }
0x80: {  	_ =	shalt  }
0x81: {  	_ =	shalt  }
0x82: {  	_ =	shalt  }
0x83: {  	_ =	shalt  }
0x84: {  	_ =	shalt  }
0x85: {  	_ =	shalt  }
0x86: {  	_ =	shalt  }
0x87: {  	_ =	shalt  }
.Lfunc_end0:
.L_simem_size_0:
called_computation.6_lowered:
.L_overlay_start_0:
0x88: {  	s2 =	sld [smem:$0x3FD9]  }
0x89: {  	s3 =	sld [smem:$0x3FFE];
	_ =	sdelay $0x1  }
0x8a: {  	s1 =	srdreg.scid  }
0x8b: {  	s0 =	sand.u32 $0x1, s1  }
0x8c: {  	s16 =	sshll.u32 s0, $0xA;
	s2 =	sadd.s32 s3, s2  }
0x8d: {  	s2 =	sadd.s32 s2, s16  }
0x8e: {  	[smem:$0x3FB5] =	sst s2  }
0x8f: {  	_ = 	snop  }
0x90: {  	(tm) =	ssettm $0x1  }
0x91: {  	s17 =	sld [smem:$0x3FFB];
	_ =	sdelay $0x3  }
0x92: {  	_ =	strace s17  }
0x93: {  	s2 =	sld [smem:$0x3FFC];
	_ =	sdelay $0x3  }
0x94: {  	_ =	strace s2  }
0x95: {  	s2 =	sld [smem:$0x3FFD];
	_ =	sdelay $0x3  }
0x96: {  	_ =	strace s2  }
0x97: {  	_ =	strace $0x8FFFFFFF  }
0x98: {  	s18 =	sld [smem:$0x3FDB];
	_ =	sdelay $0x1  }
0x99: {  	s19 =	simm.s32 $_scs_section_size  }
0x9a: {  	s4 =	simm.s32 $_size__tile_overlayer_lowered;
	s5 =	simm.s32 $_tile_overlayer_lowered  }
0x9b: {  	s22 =	simm.s32 $0x1BFF;
	s21 =	sshll.u32 s5, $0x1;
	s2 =	sadd.s32 s19, s18  }
0x9c: {  	s6 =	simm.s32 $0x0;
	s20 =	sshll.u32 s4, $0x1;
	s4 =	sadd.s32 s21, s2  }
0x9d: {  	[timem:s6], [sflag:s22] =	dma.local [hbm:s4], s20  }
0x9e: {  	_ =	swait.ge [sflag:s22], s20  }
0x9f: {  	s3 =	ssub.s32 $0x0, s20;
	[sflag:s22] =	ssyncset.done $0x0  }
0xa0: {  	[sflag:s22] =	ssyncadd.s32 s3;
	_ =	sdelay $0x1  }
0xa1: {  	s23 =	simm.s32 $0x1B8B  }
0xa2: {  	_ =	swait.ge [sflag:s23], $0x1  }
0xa3: {  	[sflag:s23] =	ssyncset.done $0x0  }
0xa4: {  	s25 =	simm.s32 $0x1B8E;
	s24 =	sld [smem:$0x3FFE];
	[sflag:s23] =	ssyncadd.s32 $0xFFFFFFFF  }
0xa5: {  	s26 =	simm.s32 $execute0_lowered;
	[smem:$0x3FD2] =	sst s25  }
0xa6: {  	s4 =	sshll.u32 s26, $0x1;
	_ =	strace $0x80000058;
	[dreg:$0x1] =	wrdreg $0xFFFFFFFF  }
0xa7: {  	s28 =	simm.s32 $_size_execute0_lowered;
	s2 =	sadd.s32 s2, s4;
	[dreg:$0x0] =	wrdreg $0x0  }
0xa8: {  	s4 =	sshll.u32 s28, $0x1;
	[dreg:$0x2] =	wrdreg s2  }
0xa9: {  	[dreg:$0x3] =	wrdreg s4  }
0xaa: {  	[dreg:$0x4] =	wrdreg $0xC0  }
0xab: {  	_ =	task [dreg:s6], $0x5FFFF  }
0xac: {  	[dreg:$0x1] =	wrdreg $0xFFFFFFFF  }
0xad: {  	[dreg:$0x0] =	wrdreg $0x60  }
0xae: {  	[dreg:$0x2] =	wrdreg s24  }
0xaf: {  	[dreg:$0x3] =	wrdreg $0x40800  }
0xb0: {  	[dreg:$0x4] =	wrdreg $0x9  }
0xb1: {  	_ =	task.clear_ibuf [dreg:s6], $0x5FFFF;
	_ =	strace $0x90000058  }
0xb2: {  	s29 =	simm.s32 $0x9;
	_ =	strace $0x8000005A  }
0xb3: {  	_ =	swait.ge [sflag:s29], $0x1  }
0xb4: {  	[sflag:s29] =	ssyncadd.s32 $0xFFFFFFFF  }
0xb5: {  	_ =	strace $0x9000005A  }
0xb6: {  	_ =	sfence  }
0xb7: {  	s30 =	sld [smem:$0x0];
	_ =	sdelay $0x2  }
0xb8: {  	s31 =	sshll.u32 s1, $0xD;
	s1 =	sshrl.u32 s1, $0x2  }
0xb9: {  	s3 =	sand.u32 $0x4000, s31;
	s1 =	sadd.s32 s1, s30  }
0xba: {  	s0 =	sor.u32 s3, s0;
	s1 =	sshll.u32 s1, $0x11  }
0xbb: {  	s0 =	sor.u32 s1, s0  }
0xbc: {  	s0 =	sadd.s32 $0x8F2B, s0  }
0xbd: {  	[sflag:s0] =	ssyncadd.remote.s32 $0x1  }
0xbe: {  	_ =	sfence.sel $0xFFFF  }
0xbf: {  	[dreg:$0x0] =	wrdreg $0xFFFFFFFF;
	(pc) =	sbr.abs _section_cstart, $3  }
0xc0: {  	[dreg:$0x1] =	wrdreg $0xFFFFFFFF  }
0xc1: {  	_ =	task.clear_ibuf [dreg:s6], $0x2FFFF;
	_ =	strace $0x9FFFFFFF  }
0xc2: {  	(tm) =	ssettm $0x7FFFFFFF  }
0xc3: {  	_ =	shalt  }
tec
execute0_lowered:
.L_overlay_start_1:
0x0: {  	(tag) =	ssettag $0x1  }
0x1: {  	s4 =	rddreg [dreg:$0x0]  }
0x2: {  	s2 =	rddreg [dreg:$0x1];
	s3 =	srdreg.scid  }
0x3: {  	s0 =	rddreg [dreg:$0x2];
	s1 =	stileid.u32;
	s13 =	simm.s32 $0x0  }
0x4: {  	s6 =	sand.u32 $0x1, s3;
	s3 =	simm.s32 $0x0;
	s25 =	smul.u32 $0x14000, s1  }
0x5: {  	s5 =	sshll.u32 s1, $0x10;
	s8 =	sshll.u32 s1, $0x14;
	s28 =	smul.u32 $0x50000, s1  }
0x6: {  	s30 =	sshll.u32 s1, $0x6;
	s7 =	sshll.u32 s6, $0xF;
	[smem:$0x7FF] =	sst s3  }
0x7: {  	s9 =	smul.u32 $0x140000, s6;
	s8 =	sadd.s32 s8, s4;
	s11 =	ssub.s32 $0x2, s6  }
0x8: {  	s31 =	sshll.u32 s6, $0x13;
	s5 =	sor.u32 s7, s5;
	_ =	strace $0x80000059  }
0x9: {  	s26 =	sshrl.u32 s25, $0x3;
	s29 =	sshrl.u32 s11, $0x1;
	s8 =	sadd.s32 s31, s8  }
0xa: {  	s5 =	sshrl.u32 s5, $0x3;
	s7 =	sadd.s32 s25, s9;
	s9 =	sshrl.u32 s28, $0x2  }
0xb: {  	s11 =	ssub.s32 s11, s29;
	s8 =	sadd.s32 $0x2C1F600, s8;
	s10 =	sadd.s32 s5, s4  }
0xc: {  	s5 =	sadd.s32 s26, s4;
	s7 =	sshrl.u32 s7, $0x3;
	s12 =	sadd.s32 s9, s2  }
0xd: {  	s7 =	sadd.s32 s7, s4;
	s4 =	sadd.s32 $0x6F200, s5;
	s5 =	sor.u32 $0x1C01, s30  }
0xe: {  	s9 =	sadd.s32 $0x4F200, s10;
	s10 =	sshrl.u32 s12, $0x3;
	s12 =	simm.s32 $0x80  }
0xf: {  	s6 =	sadd.s32 $0xBF200, s7;
	s7 =	smax.u32 s11, $0x1;
	s11 =	simm.s32 $0x1  }
.LBB2_1:
0x10: {  	[spmem:s10], [sflag:s5] =	dma.local [hbm:s4], $0x2800  }
0x11: {  	_ =	swait.ge [sflag:s11], $0x2800  }
0x12: {  	[sflag:s11] =	ssyncset.done $0x0  }
0x13: {  	[sflag:s11] =	ssyncadd.s32 $0xFFFFD800  }
0x14: {  	s14 =	sadd.s32 $0x0, s9;
	[bflag:$0x0] =	sbarrier.arrive $0xFFFF  }
0x15: {  	[tilespmem:s3], [sflag:$0x1] =	stream.linear.gather [hbm4b:s14+s3], $0x80, $0x38;
	[tilespmem:$0x18080] =	vst v63  }
0x16: {  	_ =	swait.ge [sflag:s11], $0x80  }
0x17: {  	[sflag:s11] =	ssyncset.done $0x0  }
0x18: {  	[sflag:s11] =	ssyncadd.s32 $0xFFFFFF80  }
0x19: {  	[tilespmem:s12], [sflag:$0x1] =	stream.linear.gather [hbm4b:s8+s3], $0x4000, $0x38;
	[tilespmem:$0x18080] =	vst v63  }
0x1a: {  	_ =	swait.ge [sflag:s11], $0x4000  }
0x1b: {  	[sflag:s11] =	ssyncset.done $0x0  }
0x1c: {  	[sflag:s11] =	ssyncadd.s32 $0xFFFFC000  }
0x1d: {  	[spmem:s2] =	stream.indirect.scatter.add.f32 [tilespmem:s12], [sflag:$0x1], $0x80, s3, s12, $0xb8;
	[tilespmem:$0x18080] =	vst v63  }
0x1e: {  	s15 =	simm.s32 $0x10;
	_ =	swait.ge [sflag:s11], $0x4000  }
0x1f: {  	s16 =	simm.s32 $0x20;
	s14 =	sadd.s32 $0x800, s8;
	[sflag:s11] =	ssyncset.done $0x0  }
.LBB2_2:
0x20: {  	s17 =	sadd.s32 s15, s9  }
0x21: {  	[sflag:s11] =	ssyncadd.s32 $0xFFFFC000;
	s15 =	smov.u32 s16;
	s18 =	sadd.s32 $0x10, s16  }
0x22: {  	[tilespmem:s3], [sflag:$0x1] =	stream.linear.gather [hbm4b:s17+s3], $0x80, $0x38;
	[tilespmem:$0x18080] =	vst v63  }
0x23: {  	p0 =	sne.s32 s16, $0xFF0;
	_ =	swait.ge [sflag:s11], $0x80  }
0x24: {  	[sflag:s11] =	ssyncset.done $0x0  }
0x25: {  	[sflag:s11] =	ssyncadd.s32 $0xFFFFFF80  }
0x26: {  	[tilespmem:s12], [sflag:$0x1] =	stream.linear.gather [hbm4b:s14+s3], $0x4000, $0x38;
	[tilespmem:$0x18080] =	vst v63  }
0x27: {  	_ =	swait.ge [sflag:s11], $0x4000  }
.Ltmp0:
0x28: {  	[sflag:s11] =	ssyncset.done $0x0;
	(pc) =	sbr.rel @p0 .LBB2_2-.Ltmp0, $4  }
0x29: {  	[sflag:s11] =	ssyncadd.s32 $0xFFFFC000  }
0x2a: {  	[spmem:s2] =	stream.indirect.scatter.add.f32 [tilespmem:s12], [sflag:$0x1], $0x80, s3, s12, $0xb8;
	[tilespmem:$0x18080] =	vst v63  }
0x2b: {  	_ =	swait.ge [sflag:s11], $0x4000  }
0x2c: {  	s16 =	smov.u32 s18;
	s14 =	sadd.s32 $0x800, s14;
	[sflag:s11] =	ssyncset.done $0x0  }
0x2d: {  	s15 =	sadd.s32 s15, s9;
	[sflag:s11] =	ssyncadd.s32 $0xFFFFC000  }
0x2e: {  	[tilespmem:s3], [sflag:$0x1] =	stream.linear.gather [hbm4b:s15+s3], $0x80, $0x38;
	[tilespmem:$0x18080] =	vst v63  }
0x2f: {  	_ =	swait.ge [sflag:s11], $0x80  }
0x30: {  	[sflag:s11] =	ssyncset.done $0x0  }
0x31: {  	[sflag:s11] =	ssyncadd.s32 $0xFFFFFF80  }
0x32: {  	[tilespmem:s12], [sflag:$0x1] =	stream.linear.gather [hbm4b:s14+s3], $0x4000, $0x38;
	[tilespmem:$0x18080] =	vst v63  }
0x33: {  	_ =	swait.ge [sflag:s11], $0x4000  }
0x34: {  	[sflag:s11] =	ssyncset.done $0x0  }
0x35: {  	[sflag:s11] =	ssyncadd.s32 $0xFFFFC000  }
0x36: {  	[spmem:s2] =	stream.indirect.scatter.add.f32 [tilespmem:s12], [sflag:$0x1], $0x80, s3, s12, $0xb8;
	[tilespmem:$0x18080] =	vst v63  }
0x37: {  	_ =	swait.ge [sflag:s11], $0x4000  }
0x38: {  	s13 =	sadd.s32 $0x1, s13;
	[sflag:s11] =	ssyncset.done $0x0  }
0x39: {  	p0 =	sne.s32 s13, s7;
	[sflag:s11] =	ssyncadd.s32 $0xFFFFC000  }
.Ltmp1:
0x3a: {  	[bflag:$0x0] =	sbarrier.arrive $0xFFFF;
	(pc) =	sbr.rel @p0 .LBB2_1-.Ltmp1, $4  }
0x3b: {  	[hbm:s6], [sflag:s5] =	dma.local [spmem:s10], $0x2800  }
0x3c: {  	_ =	swait.ge [sflag:s11], $0x2800  }
0x3d: {  	[sflag:s11] =	ssyncset.done $0x0  }
0x3e: {  	[sflag:s11] =	ssyncadd.s32 $0xFFFFD800  }
0x3f: {  	_ =	sfence.sel $0x180000  }
0x40: {  	[bflag:$0x0] =	sbarrier.arrive $0xFFFF  }
0x41: {  	p0 =	sne.s32 s1, $0x0;
	_ =	strace $0x90000059  }
0x42: {  	s0 =	sadd.s32 @!p0 $0x100000, s0;
	[bflag:$0x2] =	sbarrier.arrive $0xFFFF  }
0x43: {  	[sflag:s0] =	ssyncadd.tile.s32 @!p0 $0x1;
	_ =	shalt  }
.Lfunc_end2:
_tile_overlayer_lowered:
.L_overlay_start_2:
0x44: {  	(tag) =	ssettag $0x2  }
0x45: {  	s0 =	rddreg [dreg:$0x0];
	s2 =	stileid.u32  }
0x46: {  	s1 =	rddreg [dreg:$0x1];
	p0 =	sne.s32 s2, $0x0  }
0x47: {  	s3 =	rddreg [dreg:$0x2];
	[bflag:$0x3] =	sbarrier.arrive $0xFFFF;
	s2 =	simm.s32 @!p0 $0x1C01  }
0x48: {  	[timem:s3], [sflag:s2] =	dma.local @!p0 [hbm:s0], s1  }
0x49: {  	s0 =	simm.s32 @!p0 $0x1  }
0x4a: {  	_ =	swait.ge @!p0 [sflag:s0], s1  }
0x4b: {  	s1 =	ssub.s32 @!p0 $0x0, s1;
	[sflag:s0] =	ssyncset.done @!p0 $0x0  }
0x4c: {  	[sflag:s0] =	ssyncadd.s32 @!p0 s1  }
0x4d: {  	[bflag:$0x3] =	sbarrier.arrive $0xFFFF  }
0x4e: {  	_ =	shalt  }

// kernel: kernel.32.cloned.1.call-start
scs
__scs_entry_jumppad:
0x0: {  	(pc) =	sbr.rel $0x88, $3  }
0x1: {  	(tag) =	ssettag $0x0;
	lr =	simm.s32 $0x1  }
0x2: {  	[smem:$0x3F8E] =	sst lr;
	_ =	strace $0xD0000000  }
0x3: {  	_ = 	snop  }
0x4: {  	_ = 	snop  }
0x5: {  	_ = 	snop  }
0x6: {  	_ = 	snop  }
0x7: {  	_ = 	snop  }
__scs_overlays_trampoline_lowered:
0x8: {  	[smem:$0x3F9D] =	sst s0  }
0x9: {  	[smem:$0x3F9E] =	sst s1  }
0xa: {  	[smem:$0x3F9F] =	sst s2  }
0xb: {  	[smem:$0x3FA0] =	sst s3  }
0xc: {  	[smem:$0x3FA1] =	sst s4  }
0xd: {  	[smem:$0x3FA2] =	sst s5  }
0xe: {  	[smem:$0x3FA3] =	sst s6  }
0xf: {  	[smem:$0x3FA4] =	sst s7  }
0x10: {  	[smem:$0x3FA5] =	sst s8  }
0x11: {  	[smem:$0x3FA6] =	sst s9;
	s0 =	simm.s32 @!p0 $0x0  }
0x12: {  	s1 =	sld [smem:$0x3F8C];
	s0 =	simm.s32 @p0 $0x1  }
0x13: {  	[smem:$0x3FA7] =	sst s0;
	s0 =	simm.s32 @!p1 $0x0  }
0x14: {  	s2 =	sld [smem:$0x3F8B];
	s0 =	simm.s32 @p1 $0x1  }
0x15: {  	[smem:$0x3FA8] =	sst s0;
	s0 =	simm.s32 @!p2 $0x0  }
0x16: {  	s3 =	sld [smem:$0x3FDB];
	s0 =	simm.s32 @p2 $0x1  }
0x17: {  	s4 =	simm.s32 $0x1BF5;
	[smem:$0x3FAA] =	sst s0  }
0x18: {  	s0 =	sld [smem:$0x3F8D];
	_ =	swait.ge [sflag:s4], $0x0  }
0x19: {  	s7 =	sld [smem:$0x3F8E]  }
0x1a: {  	s8 =	sadd.s32 $0xFFFFE003, lr  }
0x1b: {  	s9 =	sadd.s32 $0xFFFFFEF7, lr;
	s5 =	simm.s32 $0xFFFFFFFF;
	p2 =	slt.u32 s8, $0xFFFFF086  }
0x1c: {  	p1 =	slt.u32 s9, $0xF7A;
	s5 =	simm.s32 @!p2 $0x0  }
0x1d: {  	s5 =	simm.s32 @p1 $0x1;
	p0 =	seq.s32 s7, s2  }
0x1e: {  	s7 =	smul.u32 @!p0 $0xF7A, s2;
	p2 =	seq.s32 @!p0 s5, $0x0  }
0x1f: {  	s9 =	smul.u32 $0xF7A, s1;
	s8 =	simm.s32 @!p0 $0x1BF5;
	p2 =	por !p2, p0  }
0x20: {  	[sflag:s8] =	ssyncset.s32 @!p0 $0xFFFFF086;
	s6 =	sadd.s32 @!p0 s3, s7;
	s7 =	simm.s32 @!p0 $0x108  }
0x21: {  	s3 =	sadd.s32 s3, s9;
	s6 =	sadd.s32 @!p0 $0x88, s6;
	s7 =	simm.s32 @p2 $0x1082  }
0x22: {  	[simem:s7], [sflag:s8] =	dma.local @!p0 [hbm:s6], $0xF7A  }
0x23: {  	s9 =	sor.u32 $0xD0000000, s2;
	s6 =	simm.s32 $0x108;
	_ =	swait.ge @!p0 [sflag:s8], $0x0  }
0x24: {  	s3 =	sadd.s32 $0x88, s3;
	s6 =	simm.s32 @!p1 $0x1082;
	[sflag:s4] =	ssyncset.s32 $0xFFFFF086  }
0x25: {  	[simem:s6], [sflag:s4] =	dma.local [hbm:s3], $0xF7A  }
0x26: {  	[smem:$0x3F8E] =	sst s1;
	(tag) =	ssettag s2;
	_ =	strace s9  }
0x27: {  	s1 =	sld [smem:$0x3F9E]  }
0x28: {  	s2 =	sld [smem:$0x3F9F]  }
0x29: {  	s4 =	sld [smem:$0x3FA1]  }
0x2a: {  	p0 =	seq.s32 s5, $0x0;
	s5 =	sld [smem:$0x3FA2]  }
0x2b: {  	s6 =	sld [smem:$0x3FA3]  }
0x2c: {  	s7 =	sld [smem:$0x3FA4]  }
0x2d: {  	s3 =	simm.s32 $0x108;
	s8 =	sld [smem:$0x3FA5]  }
0x2e: {  	s3 =	simm.s32 @!p0 $0x1082;
	s9 =	sld [smem:$0x3FA6]  }
0x2f: {  	lr =	sadd.s32 s0, s3;
	s0 =	sld [smem:$0x3F9D]  }
0x30: {  	s3 =	sld [smem:$0x3FA0]  }
0x31: {  	[smem:$0x3FA9] =	sst s10  }
0x32: {  	s10 =	sld [smem:$0x3FA7];
	_ =	sdelay $0x3  }
0x33: {  	p0 =	seq.s32 s10, $0x1;
	s10 =	sld [smem:$0x3FA9];
	_ =	sdelay $0x3  }
0x34: {  	[smem:$0x3FA9] =	sst s10  }
0x35: {  	s10 =	sld [smem:$0x3FA8];
	_ =	sdelay $0x3  }
0x36: {  	p1 =	seq.s32 s10, $0x1;
	s10 =	sld [smem:$0x3FA9];
	_ =	sdelay $0x3  }
0x37: {  	[smem:$0x3FA9] =	sst s10  }
0x38: {  	s10 =	sld [smem:$0x3FAA]  }
0x39: {  	_ = 	snop;
	(pc) =	sbr.ind lr, $3  }
0x3a: {  	_ = 	snop  }
0x3b: {  	_ = 	snop  }
0x3c: {  	p2 =	seq.s32 s10, $0x1;
	s10 =	sld [smem:$0x3FA9]  }
0x3d: {  	_ =	shalt  }
0x3e: {  	_ =	shalt  }
0x3f: {  	_ =	shalt  }
0x40: {  	_ =	shalt  }
0x41: {  	_ =	shalt  }
0x42: {  	_ =	shalt  }
0x43: {  	_ =	shalt  }
0x44: {  	_ =	shalt  }
0x45: {  	_ =	shalt  }
0x46: {  	_ =	shalt  }
0x47: {  	_ =	shalt  }
0x48: {  	_ =	shalt  }
0x49: {  	_ =	shalt  }
0x4a: {  	_ =	shalt  }
0x4b: {  	_ =	shalt  }
0x4c: {  	_ =	shalt  }
0x4d: {  	_ =	shalt  }
0x4e: {  	_ =	shalt  }
0x4f: {  	_ =	shalt  }
0x50: {  	_ =	shalt  }
0x51: {  	_ =	shalt  }
0x52: {  	_ =	shalt  }
0x53: {  	_ =	shalt  }
0x54: {  	_ =	shalt  }
0x55: {  	_ =	shalt  }
0x56: {  	_ =	shalt  }
0x57: {  	_ =	shalt  }
0x58: {  	_ =	shalt  }
0x59: {  	_ =	shalt  }
0x5a: {  	_ =	shalt  }
0x5b: {  	_ =	shalt  }
0x5c: {  	_ =	shalt  }
0x5d: {  	_ =	shalt  }
0x5e: {  	_ =	shalt  }
0x5f: {  	_ =	shalt  }
0x60: {  	_ =	shalt  }
0x61: {  	_ =	shalt  }
0x62: {  	_ =	shalt  }
0x63: {  	_ =	shalt  }
0x64: {  	_ =	shalt  }
0x65: {  	_ =	shalt  }
0x66: {  	_ =	shalt  }
0x67: {  	_ =	shalt  }
0x68: {  	_ =	shalt  }
0x69: {  	_ =	shalt  }
0x6a: {  	_ =	shalt  }
0x6b: {  	_ =	shalt  }
0x6c: {  	_ =	shalt  }
0x6d: {  	_ =	shalt  }
0x6e: {  	_ =	shalt  }
0x6f: {  	_ =	shalt  }
0x70: {  	_ =	shalt  }
0x71: {  	_ =	shalt  }
0x72: {  	_ =	shalt  }
0x73: {  	_ =	shalt  }
0x74: {  	_ =	shalt  }
0x75: {  	_ =	shalt  }
0x76: {  	_ =	shalt  }
0x77: {  	_ =	shalt  }
0x78: {  	_ =	shalt  }
0x79: {  	_ =	shalt  }
0x7a: {  	_ =	shalt  }
0x7b: {  	_ =	shalt  }
0x7c: {  	_ =	shalt  }
0x7d: {  	_ =	shalt  }
0x7e: {  	_ =	shalt  }
0x7f: {  	_ =	shalt  }
0x80: {  	_ =	shalt  }
0x81: {  	_ =	shalt  }
0x82: {  	_ =	shalt  }
0x83: {  	_ =	shalt  }
0x84: {  	_ =	shalt  }
0x85: {  	_ =	shalt  }
0x86: {  	_ =	shalt  }
0x87: {  	_ =	shalt  }
.Lfunc_end0:
.L_simem_size_0:
called_computation.7_lowered:
.L_overlay_start_0:
0x88: {  	s2 =	sld [smem:$0x3FD9]  }
0x89: {  	s3 =	sld [smem:$0x3FFE];
	_ =	sdelay $0x1  }
0x8a: {  	s1 =	srdreg.scid  }
0x8b: {  	s0 =	sand.u32 $0x1, s1  }
0x8c: {  	s16 =	sshll.u32 s0, $0xA;
	s2 =	sadd.s32 s3, s2  }
0x8d: {  	s2 =	sadd.s32 s2, s16  }
0x8e: {  	[smem:$0x3FB5] =	sst s2  }
0x8f: {  	_ = 	snop  }
0x90: {  	(tm) =	ssettm $0x1  }
0x91: {  	s17 =	sld [smem:$0x3FFB];
	_ =	sdelay $0x3  }
0x92: {  	_ =	strace s17  }
0x93: {  	s2 =	sld [smem:$0x3FFC];
	_ =	sdelay $0x3  }
0x94: {  	_ =	strace s2  }
0x95: {  	s2 =	sld [smem:$0x3FFD];
	_ =	sdelay $0x3  }
0x96: {  	_ =	strace s2  }
0x97: {  	_ =	strace $0x8FFFFFFF  }
0x98: {  	s18 =	sld [smem:$0x3FDB];
	_ =	sdelay $0x1  }
0x99: {  	s19 =	simm.s32 $_scs_section_size  }
0x9a: {  	s4 =	simm.s32 $_size__tile_overlayer_lowered;
	s5 =	simm.s32 $_tile_overlayer_lowered  }
0x9b: {  	s22 =	simm.s32 $0x1BFF;
	s21 =	sshll.u32 s5, $0x1;
	s2 =	sadd.s32 s19, s18  }
0x9c: {  	s6 =	simm.s32 $0x0;
	s20 =	sshll.u32 s4, $0x1;
	s4 =	sadd.s32 s21, s2  }
0x9d: {  	[timem:s6], [sflag:s22] =	dma.local [hbm:s4], s20  }
0x9e: {  	_ =	swait.ge [sflag:s22], s20  }
0x9f: {  	s3 =	ssub.s32 $0x0, s20;
	[sflag:s22] =	ssyncset.done $0x0  }
0xa0: {  	[sflag:s22] =	ssyncadd.s32 s3;
	_ =	sdelay $0x1  }
0xa1: {  	s23 =	simm.s32 $0x1B8B  }
0xa2: {  	_ =	swait.ge [sflag:s23], $0x1  }
0xa3: {  	[sflag:s23] =	ssyncset.done $0x0  }
0xa4: {  	s25 =	simm.s32 $0x1B8E;
	s24 =	sld [smem:$0x3FFE];
	[sflag:s23] =	ssyncadd.s32 $0xFFFFFFFF  }
0xa5: {  	s26 =	simm.s32 $execute0_lowered;
	[smem:$0x3FD2] =	sst s25  }
0xa6: {  	s4 =	sshll.u32 s26, $0x1;
	_ =	strace $0x8000005B;
	[dreg:$0x1] =	wrdreg $0xFFFFFFFF  }
0xa7: {  	s28 =	simm.s32 $_size_execute0_lowered;
	s2 =	sadd.s32 s2, s4;
	[dreg:$0x0] =	wrdreg $0x0  }
0xa8: {  	s4 =	sshll.u32 s28, $0x1;
	[dreg:$0x2] =	wrdreg s2  }
0xa9: {  	[dreg:$0x3] =	wrdreg s4  }
0xaa: {  	[dreg:$0x4] =	wrdreg $0xC0  }
0xab: {  	_ =	task [dreg:s6], $0x5FFFF  }
0xac: {  	[dreg:$0x1] =	wrdreg $0xFFFFFFFF  }
0xad: {  	[dreg:$0x0] =	wrdreg $0x60  }
0xae: {  	[dreg:$0x2] =	wrdreg s24  }
0xaf: {  	[dreg:$0x3] =	wrdreg $0x9  }
0xb0: {  	_ =	task.clear_ibuf [dreg:s6], $0x4FFFF;
	_ =	strace $0x9000005B  }
0xb1: {  	s29 =	simm.s32 $0x9;
	_ =	strace $0x8000005D  }
0xb2: {  	_ =	swait.ge [sflag:s29], $0x1  }
0xb3: {  	[sflag:s29] =	ssyncadd.s32 $0xFFFFFFFF  }
0xb4: {  	_ =	strace $0x9000005D  }
0xb5: {  	_ =	sfence  }
0xb6: {  	s30 =	sld [smem:$0x0];
	_ =	sdelay $0x2  }
0xb7: {  	s31 =	sshll.u32 s1, $0xD;
	s1 =	sshrl.u32 s1, $0x2  }
0xb8: {  	s3 =	sand.u32 $0x4000, s31;
	s1 =	sadd.s32 s1, s30  }
0xb9: {  	s0 =	sor.u32 s3, s0;
	s1 =	sshll.u32 s1, $0x11  }
0xba: {  	s0 =	sor.u32 s1, s0  }
0xbb: {  	s0 =	sadd.s32 $0x8F2B, s0  }
0xbc: {  	[sflag:s0] =	ssyncadd.remote.s32 $0x1  }
0xbd: {  	_ =	sfence.sel $0xFFFF  }
0xbe: {  	[dreg:$0x0] =	wrdreg $0xFFFFFFFF;
	(pc) =	sbr.abs _section_cstart, $3  }
0xbf: {  	[dreg:$0x1] =	wrdreg $0xFFFFFFFF  }
0xc0: {  	_ =	task.clear_ibuf [dreg:s6], $0x2FFFF;
	_ =	strace $0x9FFFFFFF  }
0xc1: {  	(tm) =	ssettm $0x7FFFFFFF  }
tec
execute0_lowered:
.L_overlay_start_1:
0x0: {  	(tag) =	ssettag $0x1  }
0x1: {  	s5 =	rddreg [dreg:$0x0]  }
0x2: {  	s0 =	rddreg [dreg:$0x1];
	s2 =	simm.s32 $0x0;
	s3 =	srdreg.scid  }
0x3: {  	s1 =	stileid.u32;
	s12 =	simm.s32 $0x100;
	s13 =	simm.s32 $0x4100  }
0x4: {  	s14 =	simm.s32 $0x1;
	s15 =	simm.s32 $0x2;
	s16 =	simm.s32 $0x0  }
0x5: {  	[smem:$0x7FF] =	sst s2;
	s6 =	sand.u32 $0x1, s3;
	s7 =	sshll.u32 s1, $0x10  }
0x6: {  	s3 =	sadd.s32 $0xBF200, s5;
	s4 =	sadd.s32 $0xE7200, s5;
	s29 =	sshll.u32 s1, $0x14  }
0x7: {  	_ =	strace $0x8000005C;
	s8 =	sshll.u32 s6, $0xF;
	s9 =	ssub.s32 $0x2, s6  }
0x8: {  	s6 =	sshll.u32 s6, $0x13;
	s7 =	sor.u32 s8, s7;
	s10 =	sshrl.u32 s9, $0x1  }
0x9: {  	s8 =	sadd.s32 s29, s5;
	s7 =	sshrl.u32 s7, $0x3;
	s30 =	ssub.s32 s9, s10  }
0xa: {  	s31 =	sadd.s32 s6, s8;
	s10 =	simm.s32 $0x3;
	s11 =	sadd.s32 s7, s5  }
0xb: {  	s5 =	smax.u32 s30, $0x1;
	s6 =	sadd.s32 $0xC1F600, s31;
	s7 =	sadd.s32 $0x1C1F600, s31  }
0xc: {  	s8 =	sadd.s32 $0x4F200, s11;
	s9 =	sadd.s32 $0x2F200, s11;
	s11 =	simm.s32 $0x80  }
.LBB2_1:
0xd: {  	s17 =	sadd.s32 $0x0, s9  }
0xe: {  	[tilespmem:s2], [sflag:$0x3] =	stream.linear.gather [hbm4b:s17+s2], $0x80, $0x38;
	[tilespmem:$0x8100] =	vst v63  }
0xf: {  	_ =	swait.ge [sflag:s10], $0x80  }
0x10: {  	[sflag:s10] =	ssyncset.done $0x0  }
0x11: {  	s31 =	sadd.s32 $0x0, s8;
	[sflag:s10] =	ssyncadd.s32 $0xFFFFFF80  }
0x12: {  	[tilespmem:s11], [sflag:$0x3] =	stream.linear.gather [hbm4b:s31+s2], $0x80, $0x38;
	[tilespmem:$0x8100] =	vst v63  }
0x13: {  	_ =	swait.ge [sflag:s10], $0x80  }
0x14: {  	[sflag:s10] =	ssyncset.done $0x0  }
0x15: {  	[sflag:s10] =	ssyncadd.s32 $0xFFFFFF80  }
0x16: {  	[tilespmem:s12], [sflag:$0x1] =	stream.indirect.gather [hbm4b:s3+s11], $0x80, s2, s11, $0xb8;
	[tilespmem:$0x8100] =	vst v63  }
0x17: {  	_ = 	snop  }
0x18: {  	[tilespmem:s13], [sflag:$0x2] =	stream.indirect.gather [hbm4b:s4+s11], $0x80, s11, s11, $0xb8;
	[tilespmem:$0x8100] =	vst v63  }
0x19: {  	_ =	swait.ge [sflag:s14], $0x4000  }
0x1a: {  	[sflag:s14] =	ssyncset.done $0x0  }
0x1b: {  	[sflag:s14] =	ssyncadd.s32 $0xFFFFC000  }
0x1c: {  	_ =	swait.ge [sflag:s15], $0x4000  }
0x1d: {  	[sflag:s15] =	ssyncset.done $0x0  }
0x1e: {  	[sflag:s15] =	ssyncadd.s32 $0xFFFFC000  }
0x1f: {  	[hbm4b:s6+s2] =	stream.linear.scatter [tilespmem:s12], [sflag:$0x3], $0x4000, $0x38;
	[tilespmem:$0x8100] =	vst v63  }
0x20: {  	_ =	swait.ge [sflag:s10], $0x4000  }
0x21: {  	[sflag:s10] =	ssyncset.done $0x0  }
0x22: {  	[sflag:s10] =	ssyncadd.s32 $0xFFFFC000  }
0x23: {  	[hbm4b:s7+s2] =	stream.linear.scatter [tilespmem:s13], [sflag:$0x3], $0x4000, $0x38;
	[tilespmem:$0x8100] =	vst v63  }
0x24: {  	s19 =	simm.s32 $0x10;
	s20 =	simm.s32 $0x20;
	_ =	swait.ge [sflag:s10], $0x4000  }
0x25: {  	s18 =	sadd.s32 $0x800, s6;
	s17 =	sadd.s32 $0x800, s7;
	[sflag:s10] =	ssyncset.done $0x0  }
.LBB2_2:
0x26: {  	s21 =	sadd.s32 s19, s9  }
0x27: {  	[sflag:s10] =	ssyncadd.s32 $0xFFFFC000;
	s22 =	smov.u32 s20;
	s23 =	sadd.s32 $0x10, s20  }
0x28: {  	[tilespmem:s2], [sflag:$0x3] =	stream.linear.gather [hbm4b:s21+s2], $0x80, $0x38;
	[tilespmem:$0x8100] =	vst v63  }
0x29: {  	p0 =	sne.s32 s20, $0xFF0;
	_ =	swait.ge [sflag:s10], $0x80  }
0x2a: {  	[sflag:s10] =	ssyncset.done $0x0  }
0x2b: {  	s20 =	sadd.s32 s19, s8;
	s19 =	smov.u32 s22;
	[sflag:s10] =	ssyncadd.s32 $0xFFFFFF80  }
0x2c: {  	[tilespmem:s11], [sflag:$0x3] =	stream.linear.gather [hbm4b:s20+s2], $0x80, $0x38;
	[tilespmem:$0x8100] =	vst v63  }
0x2d: {  	_ =	swait.ge [sflag:s10], $0x80  }
0x2e: {  	[sflag:s10] =	ssyncset.done $0x0  }
0x2f: {  	[sflag:s10] =	ssyncadd.s32 $0xFFFFFF80  }
0x30: {  	[tilespmem:s12], [sflag:$0x1] =	stream.indirect.gather [hbm4b:s3+s11], $0x80, s2, s11, $0xb8;
	[tilespmem:$0x8100] =	vst v63  }
0x31: {  	_ = 	snop  }
0x32: {  	[tilespmem:s13], [sflag:$0x2] =	stream.indirect.gather [hbm4b:s4+s11], $0x80, s11, s11, $0xb8;
	[tilespmem:$0x8100] =	vst v63  }
0x33: {  	_ =	swait.ge [sflag:s14], $0x4000  }
0x34: {  	[sflag:s14] =	ssyncset.done $0x0  }
0x35: {  	[sflag:s14] =	ssyncadd.s32 $0xFFFFC000  }
0x36: {  	_ =	swait.ge [sflag:s15], $0x4000  }
0x37: {  	[sflag:s15] =	ssyncset.done $0x0  }
0x38: {  	[sflag:s15] =	ssyncadd.s32 $0xFFFFC000  }
0x39: {  	[hbm4b:s18+s2] =	stream.linear.scatter [tilespmem:s12], [sflag:$0x3], $0x4000, $0x38;
	[tilespmem:$0x8100] =	vst v63  }
0x3a: {  	_ =	swait.ge [sflag:s10], $0x4000  }
.Ltmp0:
0x3b: {  	[sflag:s10] =	ssyncset.done $0x0;
	(pc) =	sbr.rel @p0 .LBB2_2-.Ltmp0, $4  }
0x3c: {  	[sflag:s10] =	ssyncadd.s32 $0xFFFFC000  }
0x3d: {  	[hbm4b:s17+s2] =	stream.linear.scatter [tilespmem:s13], [sflag:$0x3], $0x4000, $0x38;
	[tilespmem:$0x8100] =	vst v63  }
0x3e: {  	s20 =	smov.u32 s23;
	_ =	swait.ge [sflag:s10], $0x4000  }
0x3f: {  	s18 =	sadd.s32 $0x800, s18;
	s17 =	sadd.s32 $0x800, s17;
	[sflag:s10] =	ssyncset.done $0x0  }
0x40: {  	s20 =	sadd.s32 s19, s9;
	[sflag:s10] =	ssyncadd.s32 $0xFFFFC000  }
0x41: {  	[tilespmem:s2], [sflag:$0x3] =	stream.linear.gather [hbm4b:s20+s2], $0x80, $0x38;
	[tilespmem:$0x8100] =	vst v63  }
0x42: {  	_ =	swait.ge [sflag:s10], $0x80  }
0x43: {  	[sflag:s10] =	ssyncset.done $0x0  }
0x44: {  	s31 =	sadd.s32 s19, s8;
	[sflag:s10] =	ssyncadd.s32 $0xFFFFFF80  }
0x45: {  	[tilespmem:s11], [sflag:$0x3] =	stream.linear.gather [hbm4b:s31+s2], $0x80, $0x38;
	[tilespmem:$0x8100] =	vst v63  }
0x46: {  	_ =	swait.ge [sflag:s10], $0x80  }
0x47: {  	[sflag:s10] =	ssyncset.done $0x0  }
0x48: {  	[sflag:s10] =	ssyncadd.s32 $0xFFFFFF80  }
0x49: {  	[tilespmem:s12], [sflag:$0x1] =	stream.indirect.gather [hbm4b:s3+s11], $0x80, s2, s11, $0xb8;
	[tilespmem:$0x8100] =	vst v63  }
0x4a: {  	_ = 	snop  }
0x4b: {  	[tilespmem:s13], [sflag:$0x2] =	stream.indirect.gather [hbm4b:s4+s11], $0x80, s11, s11, $0xb8;
	[tilespmem:$0x8100] =	vst v63  }
0x4c: {  	_ =	swait.ge [sflag:s14], $0x4000  }
0x4d: {  	[sflag:s14] =	ssyncset.done $0x0  }
0x4e: {  	[sflag:s14] =	ssyncadd.s32 $0xFFFFC000  }
0x4f: {  	_ =	swait.ge [sflag:s15], $0x4000  }
0x50: {  	[sflag:s15] =	ssyncset.done $0x0  }
0x51: {  	[sflag:s15] =	ssyncadd.s32 $0xFFFFC000  }
0x52: {  	[hbm4b:s18+s2] =	stream.linear.scatter [tilespmem:s12], [sflag:$0x3], $0x4000, $0x38;
	[tilespmem:$0x8100] =	vst v63  }
0x53: {  	s16 =	sadd.s32 $0x1, s16;
	_ =	swait.ge [sflag:s10], $0x4000  }
0x54: {  	p0 =	sne.s32 s16, s5;
	[sflag:s10] =	ssyncset.done $0x0  }
.Ltmp1:
0x55: {  	[sflag:s10] =	ssyncadd.s32 $0xFFFFC000;
	(pc) =	sbr.rel @p0 .LBB2_1-.Ltmp1, $4  }
0x56: {  	[hbm4b:s17+s2] =	stream.linear.scatter [tilespmem:s13], [sflag:$0x3], $0x4000, $0x38;
	[tilespmem:$0x8100] =	vst v63  }
0x57: {  	_ =	swait.ge [sflag:s10], $0x4000  }
0x58: {  	[sflag:s10] =	ssyncset.done $0x0  }
0x59: {  	[sflag:s10] =	ssyncadd.s32 $0xFFFFC000  }
0x5a: {  	_ =	sfence.sel $0x180000  }
0x5b: {  	[bflag:$0x0] =	sbarrier.arrive $0xFFFF  }
0x5c: {  	p0 =	sne.s32 s1, $0x0;
	_ =	strace $0x9000005C  }
0x5d: {  	s0 =	sadd.s32 @!p0 $0x100000, s0;
	[bflag:$0x2] =	sbarrier.arrive $0xFFFF  }
0x5e: {  	[sflag:s0] =	ssyncadd.tile.s32 @!p0 $0x1;
	_ =	shalt  }
.Lfunc_end2:
_tile_overlayer_lowered:
.L_overlay_start_2:
0x5f: {  	(tag) =	ssettag $0x2  }
0x60: {  	s0 =	rddreg [dreg:$0x0];
	s2 =	stileid.u32  }
0x61: {  	s1 =	rddreg [dreg:$0x1];
	p0 =	sne.s32 s2, $0x0  }
0x62: {  	s3 =	rddreg [dreg:$0x2];
	[bflag:$0x3] =	sbarrier.arrive $0xFFFF;
	s2 =	simm.s32 @!p0 $0x1C03  }
0x63: {  	[timem:s3], [sflag:s2] =	dma.local @!p0 [hbm:s0], s1  }
0x64: {  	s0 =	simm.s32 @!p0 $0x3  }
0x65: {  	_ =	swait.ge @!p0 [sflag:s0], s1  }
0x66: {  	s1 =	ssub.s32 @!p0 $0x0, s1;
	[sflag:s0] =	ssyncset.done @!p0 $0x0  }
0x67: {  	[sflag:s0] =	ssyncadd.s32 @!p0 s1  }
0x68: {  	[bflag:$0x3] =	sbarrier.arrive $0xFFFF  }
0x69: {  	_ =	shalt  }

// kernel: kernel.35.cloned.1.call-start
scs
__scs_entry_jumppad:
0x0: {  	(pc) =	sbr.rel $0x88, $3  }
0x1: {  	(tag) =	ssettag $0x0;
	lr =	simm.s32 $0x1  }
0x2: {  	[smem:$0x3F8E] =	sst lr;
	_ =	strace $0xD0000000  }
0x3: {  	_ = 	snop  }
0x4: {  	_ = 	snop  }
0x5: {  	_ = 	snop  }
0x6: {  	_ = 	snop  }
0x7: {  	_ = 	snop  }
__scs_overlays_trampoline_lowered:
0x8: {  	[smem:$0x3F9D] =	sst s0  }
0x9: {  	[smem:$0x3F9E] =	sst s1  }
0xa: {  	[smem:$0x3F9F] =	sst s2  }
0xb: {  	[smem:$0x3FA0] =	sst s3  }
0xc: {  	[smem:$0x3FA1] =	sst s4  }
0xd: {  	[smem:$0x3FA2] =	sst s5  }
0xe: {  	[smem:$0x3FA3] =	sst s6  }
0xf: {  	[smem:$0x3FA4] =	sst s7  }
0x10: {  	[smem:$0x3FA5] =	sst s8  }
0x11: {  	[smem:$0x3FA6] =	sst s9;
	s0 =	simm.s32 @!p0 $0x0  }
0x12: {  	s1 =	sld [smem:$0x3F8C];
	s0 =	simm.s32 @p0 $0x1  }
0x13: {  	[smem:$0x3FA7] =	sst s0;
	s0 =	simm.s32 @!p1 $0x0  }
0x14: {  	s2 =	sld [smem:$0x3F8B];
	s0 =	simm.s32 @p1 $0x1  }
0x15: {  	[smem:$0x3FA8] =	sst s0;
	s0 =	simm.s32 @!p2 $0x0  }
0x16: {  	s3 =	sld [smem:$0x3FDB];
	s0 =	simm.s32 @p2 $0x1  }
0x17: {  	s4 =	simm.s32 $0x1BF5;
	[smem:$0x3FAA] =	sst s0  }
0x18: {  	s0 =	sld [smem:$0x3F8D];
	_ =	swait.ge [sflag:s4], $0x0  }
0x19: {  	s7 =	sld [smem:$0x3F8E]  }
0x1a: {  	s8 =	sadd.s32 $0xFFFFE003, lr  }
0x1b: {  	s9 =	sadd.s32 $0xFFFFFEF7, lr;
	s5 =	simm.s32 $0xFFFFFFFF;
	p2 =	slt.u32 s8, $0xFFFFF086  }
0x1c: {  	p1 =	slt.u32 s9, $0xF7A;
	s5 =	simm.s32 @!p2 $0x0  }
0x1d: {  	s5 =	simm.s32 @p1 $0x1;
	p0 =	seq.s32 s7, s2  }
0x1e: {  	s7 =	smul.u32 @!p0 $0xF7A, s2;
	p2 =	seq.s32 @!p0 s5, $0x0  }
0x1f: {  	s9 =	smul.u32 $0xF7A, s1;
	s8 =	simm.s32 @!p0 $0x1BF5;
	p2 =	por !p2, p0  }
0x20: {  	[sflag:s8] =	ssyncset.s32 @!p0 $0xFFFFF086;
	s6 =	sadd.s32 @!p0 s3, s7;
	s7 =	simm.s32 @!p0 $0x108  }
0x21: {  	s3 =	sadd.s32 s3, s9;
	s6 =	sadd.s32 @!p0 $0x88, s6;
	s7 =	simm.s32 @p2 $0x1082  }
0x22: {  	[simem:s7], [sflag:s8] =	dma.local @!p0 [hbm:s6], $0xF7A  }
0x23: {  	s9 =	sor.u32 $0xD0000000, s2;
	s6 =	simm.s32 $0x108;
	_ =	swait.ge @!p0 [sflag:s8], $0x0  }
0x24: {  	s3 =	sadd.s32 $0x88, s3;
	s6 =	simm.s32 @!p1 $0x1082;
	[sflag:s4] =	ssyncset.s32 $0xFFFFF086  }
0x25: {  	[simem:s6], [sflag:s4] =	dma.local [hbm:s3], $0xF7A  }
0x26: {  	[smem:$0x3F8E] =	sst s1;
	(tag) =	ssettag s2;
	_ =	strace s9  }
0x27: {  	s1 =	sld [smem:$0x3F9E]  }
0x28: {  	s2 =	sld [smem:$0x3F9F]  }
0x29: {  	s4 =	sld [smem:$0x3FA1]  }
0x2a: {  	p0 =	seq.s32 s5, $0x0;
	s5 =	sld [smem:$0x3FA2]  }
0x2b: {  	s6 =	sld [smem:$0x3FA3]  }
0x2c: {  	s7 =	sld [smem:$0x3FA4]  }
0x2d: {  	s3 =	simm.s32 $0x108;
	s8 =	sld [smem:$0x3FA5]  }
0x2e: {  	s3 =	simm.s32 @!p0 $0x1082;
	s9 =	sld [smem:$0x3FA6]  }
0x2f: {  	lr =	sadd.s32 s0, s3;
	s0 =	sld [smem:$0x3F9D]  }
0x30: {  	s3 =	sld [smem:$0x3FA0]  }
0x31: {  	[smem:$0x3FA9] =	sst s10  }
0x32: {  	s10 =	sld [smem:$0x3FA7];
	_ =	sdelay $0x3  }
0x33: {  	p0 =	seq.s32 s10, $0x1;
	s10 =	sld [smem:$0x3FA9];
	_ =	sdelay $0x3  }
0x34: {  	[smem:$0x3FA9] =	sst s10  }
0x35: {  	s10 =	sld [smem:$0x3FA8];
	_ =	sdelay $0x3  }
0x36: {  	p1 =	seq.s32 s10, $0x1;
	s10 =	sld [smem:$0x3FA9];
	_ =	sdelay $0x3  }
0x37: {  	[smem:$0x3FA9] =	sst s10  }
0x38: {  	s10 =	sld [smem:$0x3FAA]  }
0x39: {  	_ = 	snop;
	(pc) =	sbr.ind lr, $3  }
0x3a: {  	_ = 	snop  }
0x3b: {  	_ = 	snop  }
0x3c: {  	p2 =	seq.s32 s10, $0x1;
	s10 =	sld [smem:$0x3FA9]  }
0x3d: {  	_ =	shalt  }
0x3e: {  	_ =	shalt  }
0x3f: {  	_ =	shalt  }
0x40: {  	_ =	shalt  }
0x41: {  	_ =	shalt  }
0x42: {  	_ =	shalt  }
0x43: {  	_ =	shalt  }
0x44: {  	_ =	shalt  }
0x45: {  	_ =	shalt  }
0x46: {  	_ =	shalt  }
0x47: {  	_ =	shalt  }
0x48: {  	_ =	shalt  }
0x49: {  	_ =	shalt  }
0x4a: {  	_ =	shalt  }
0x4b: {  	_ =	shalt  }
0x4c: {  	_ =	shalt  }
0x4d: {  	_ =	shalt  }
0x4e: {  	_ =	shalt  }
0x4f: {  	_ =	shalt  }
0x50: {  	_ =	shalt  }
0x51: {  	_ =	shalt  }
0x52: {  	_ =	shalt  }
0x53: {  	_ =	shalt  }
0x54: {  	_ =	shalt  }
0x55: {  	_ =	shalt  }
0x56: {  	_ =	shalt  }
0x57: {  	_ =	shalt  }
0x58: {  	_ =	shalt  }
0x59: {  	_ =	shalt  }
0x5a: {  	_ =	shalt  }
0x5b: {  	_ =	shalt  }
0x5c: {  	_ =	shalt  }
0x5d: {  	_ =	shalt  }
0x5e: {  	_ =	shalt  }
0x5f: {  	_ =	shalt  }
0x60: {  	_ =	shalt  }
0x61: {  	_ =	shalt  }
0x62: {  	_ =	shalt  }
0x63: {  	_ =	shalt  }
0x64: {  	_ =	shalt  }
0x65: {  	_ =	shalt  }
0x66: {  	_ =	shalt  }
0x67: {  	_ =	shalt  }
0x68: {  	_ =	shalt  }
0x69: {  	_ =	shalt  }
0x6a: {  	_ =	shalt  }
0x6b: {  	_ =	shalt  }
0x6c: {  	_ =	shalt  }
0x6d: {  	_ =	shalt  }
0x6e: {  	_ =	shalt  }
0x6f: {  	_ =	shalt  }
0x70: {  	_ =	shalt  }
0x71: {  	_ =	shalt  }
0x72: {  	_ =	shalt  }
0x73: {  	_ =	shalt  }
0x74: {  	_ =	shalt  }
0x75: {  	_ =	shalt  }
0x76: {  	_ =	shalt  }
0x77: {  	_ =	shalt  }
0x78: {  	_ =	shalt  }
0x79: {  	_ =	shalt  }
0x7a: {  	_ =	shalt  }
0x7b: {  	_ =	shalt  }
0x7c: {  	_ =	shalt  }
0x7d: {  	_ =	shalt  }
0x7e: {  	_ =	shalt  }
0x7f: {  	_ =	shalt  }
0x80: {  	_ =	shalt  }
0x81: {  	_ =	shalt  }
0x82: {  	_ =	shalt  }
0x83: {  	_ =	shalt  }
0x84: {  	_ =	shalt  }
0x85: {  	_ =	shalt  }
0x86: {  	_ =	shalt  }
0x87: {  	_ =	shalt  }
.Lfunc_end0:
.L_simem_size_0:
called_computation.8_lowered:
.L_overlay_start_0:
0x88: {  	s2 =	sld [smem:$0x3FD9]  }
0x89: {  	s3 =	sld [smem:$0x3FFE];
	_ =	sdelay $0x1  }
0x8a: {  	s1 =	srdreg.scid  }
0x8b: {  	s0 =	sand.u32 $0x1, s1  }
0x8c: {  	s16 =	sshll.u32 s0, $0xA;
	s2 =	sadd.s32 s3, s2  }
0x8d: {  	s2 =	sadd.s32 s2, s16  }
0x8e: {  	[smem:$0x3FB5] =	sst s2  }
0x8f: {  	_ = 	snop  }
0x90: {  	(tm) =	ssettm $0x1  }
0x91: {  	s17 =	sld [smem:$0x3FFB];
	_ =	sdelay $0x3  }
0x92: {  	_ =	strace s17  }
0x93: {  	s2 =	sld [smem:$0x3FFC];
	_ =	sdelay $0x3  }
0x94: {  	_ =	strace s2  }
0x95: {  	s2 =	sld [smem:$0x3FFD];
	_ =	sdelay $0x3  }
0x96: {  	_ =	strace s2  }
0x97: {  	_ =	strace $0x8FFFFFFF  }
0x98: {  	s18 =	sld [smem:$0x3FDB];
	_ =	sdelay $0x1  }
0x99: {  	s19 =	simm.s32 $_scs_section_size  }
0x9a: {  	s4 =	simm.s32 $_size__tile_overlayer_lowered;
	s5 =	simm.s32 $_tile_overlayer_lowered  }
0x9b: {  	s22 =	simm.s32 $0x1BFF;
	s21 =	sshll.u32 s5, $0x1;
	s2 =	sadd.s32 s19, s18  }
0x9c: {  	s6 =	simm.s32 $0x0;
	s20 =	sshll.u32 s4, $0x1;
	s4 =	sadd.s32 s21, s2  }
0x9d: {  	[timem:s6], [sflag:s22] =	dma.local [hbm:s4], s20  }
0x9e: {  	_ =	swait.ge [sflag:s22], s20  }
0x9f: {  	s3 =	ssub.s32 $0x0, s20;
	[sflag:s22] =	ssyncset.done $0x0  }
0xa0: {  	[sflag:s22] =	ssyncadd.s32 s3;
	_ =	sdelay $0x1  }
0xa1: {  	s23 =	simm.s32 $0x1B8B  }
0xa2: {  	_ =	swait.ge [sflag:s23], $0x1  }
0xa3: {  	[sflag:s23] =	ssyncset.done $0x0  }
0xa4: {  	s25 =	simm.s32 $0x1B8E;
	s24 =	sld [smem:$0x3FFE];
	[sflag:s23] =	ssyncadd.s32 $0xFFFFFFFF  }
0xa5: {  	s26 =	simm.s32 $execute0_lowered;
	[smem:$0x3FD2] =	sst s25  }
0xa6: {  	s4 =	sshll.u32 s26, $0x1;
	_ =	strace $0x8000005E;
	[dreg:$0x1] =	wrdreg $0xFFFFFFFF  }
0xa7: {  	s28 =	simm.s32 $_size_execute0_lowered;
	s2 =	sadd.s32 s2, s4;
	[dreg:$0x0] =	wrdreg $0x0  }
0xa8: {  	s4 =	sshll.u32 s28, $0x1;
	[dreg:$0x2] =	wrdreg s2  }
0xa9: {  	[dreg:$0x3] =	wrdreg s4  }
0xaa: {  	[dreg:$0x4] =	wrdreg $0xC0  }
0xab: {  	_ =	task [dreg:s6], $0x5FFFF  }
0xac: {  	[dreg:$0x1] =	wrdreg $0xFFFFFFFF  }
0xad: {  	[dreg:$0x0] =	wrdreg $0x60  }
0xae: {  	[dreg:$0x2] =	wrdreg s24  }
0xaf: {  	[dreg:$0x3] =	wrdreg $0x40800  }
0xb0: {  	[dreg:$0x4] =	wrdreg $0x9  }
0xb1: {  	_ =	task.clear_ibuf [dreg:s6], $0x5FFFF;
	_ =	strace $0x9000005E  }
0xb2: {  	s29 =	simm.s32 $0x9;
	_ =	strace $0x80000060  }
0xb3: {  	_ =	swait.ge [sflag:s29], $0x1  }
0xb4: {  	[sflag:s29] =	ssyncadd.s32 $0xFFFFFFFF  }
0xb5: {  	_ =	strace $0x90000060  }
0xb6: {  	_ =	sfence  }
0xb7: {  	s30 =	sld [smem:$0x0];
	_ =	sdelay $0x2  }
0xb8: {  	s31 =	sshll.u32 s1, $0xD;
	s1 =	sshrl.u32 s1, $0x2  }
0xb9: {  	s3 =	sand.u32 $0x4000, s31;
	s1 =	sadd.s32 s1, s30  }
0xba: {  	s0 =	sor.u32 s3, s0;
	s1 =	sshll.u32 s1, $0x11  }
0xbb: {  	s0 =	sor.u32 s1, s0  }
0xbc: {  	s0 =	sadd.s32 $0x8F2B, s0  }
0xbd: {  	[sflag:s0] =	ssyncadd.remote.s32 $0x1  }
0xbe: {  	_ =	sfence.sel $0xFFFF  }
0xbf: {  	[dreg:$0x0] =	wrdreg $0xFFFFFFFF;
	(pc) =	sbr.abs _section_cstart, $3  }
0xc0: {  	[dreg:$0x1] =	wrdreg $0xFFFFFFFF  }
0xc1: {  	_ =	task.clear_ibuf [dreg:s6], $0x2FFFF;
	_ =	strace $0x9FFFFFFF  }
0xc2: {  	(tm) =	ssettm $0x7FFFFFFF  }
0xc3: {  	_ =	shalt  }
tec
execute0_lowered:
.L_overlay_start_1:
0x0: {  	(tag) =	ssettag $0x1  }
0x1: {  	s4 =	rddreg [dreg:$0x0]  }
0x2: {  	s2 =	rddreg [dreg:$0x1];
	s3 =	srdreg.scid  }
0x3: {  	s0 =	rddreg [dreg:$0x2];
	s1 =	stileid.u32;
	s13 =	simm.s32 $0x0  }
0x4: {  	s6 =	sand.u32 $0x1, s3;
	s3 =	simm.s32 $0x0;
	s25 =	smul.u32 $0x14000, s1  }
0x5: {  	s5 =	sshll.u32 s1, $0x10;
	s8 =	sshll.u32 s1, $0x14;
	s28 =	smul.u32 $0x50000, s1  }
0x6: {  	s30 =	sshll.u32 s1, $0x6;
	s7 =	sshll.u32 s6, $0xF;
	[smem:$0x7FF] =	sst s3  }
0x7: {  	s9 =	smul.u32 $0x140000, s6;
	s8 =	sadd.s32 s8, s4;
	s11 =	ssub.s32 $0x2, s6  }
0x8: {  	s31 =	sshll.u32 s6, $0x13;
	s5 =	sor.u32 s7, s5;
	_ =	strace $0x8000005F  }
0x9: {  	s26 =	sshrl.u32 s25, $0x3;
	s29 =	sshrl.u32 s11, $0x1;
	s8 =	sadd.s32 s31, s8  }
0xa: {  	s5 =	sshrl.u32 s5, $0x3;
	s7 =	sadd.s32 s25, s9;
	s9 =	sshrl.u32 s28, $0x2  }
0xb: {  	s11 =	ssub.s32 s11, s29;
	s8 =	sadd.s32 $0x2C1F600, s8;
	s10 =	sadd.s32 s5, s4  }
0xc: {  	s5 =	sadd.s32 s26, s4;
	s7 =	sshrl.u32 s7, $0x3;
	s12 =	sadd.s32 s9, s2  }
0xd: {  	s7 =	sadd.s32 s7, s4;
	s4 =	sadd.s32 $0x6F200, s5;
	s5 =	sor.u32 $0x1C01, s30  }
0xe: {  	s9 =	sadd.s32 $0x4F200, s10;
	s10 =	sshrl.u32 s12, $0x3;
	s12 =	simm.s32 $0x80  }
0xf: {  	s6 =	sadd.s32 $0xBF200, s7;
	s7 =	smax.u32 s11, $0x1;
	s11 =	simm.s32 $0x1  }
.LBB2_1:
0x10: {  	[spmem:s10], [sflag:s5] =	dma.local [hbm:s4], $0x2800  }
0x11: {  	_ =	swait.ge [sflag:s11], $0x2800  }
0x12: {  	[sflag:s11] =	ssyncset.done $0x0  }
0x13: {  	[sflag:s11] =	ssyncadd.s32 $0xFFFFD800  }
0x14: {  	s14 =	sadd.s32 $0x0, s9;
	[bflag:$0x0] =	sbarrier.arrive $0xFFFF  }
0x15: {  	[tilespmem:s3], [sflag:$0x1] =	stream.linear.gather [hbm4b:s14+s3], $0x80, $0x38;
	[tilespmem:$0x18080] =	vst v63  }
0x16: {  	_ =	swait.ge [sflag:s11], $0x80  }
0x17: {  	[sflag:s11] =	ssyncset.done $0x0  }
0x18: {  	[sflag:s11] =	ssyncadd.s32 $0xFFFFFF80  }
0x19: {  	[tilespmem:s12], [sflag:$0x1] =	stream.linear.gather [hbm4b:s8+s3], $0x4000, $0x38;
	[tilespmem:$0x18080] =	vst v63  }
0x1a: {  	_ =	swait.ge [sflag:s11], $0x4000  }
0x1b: {  	[sflag:s11] =	ssyncset.done $0x0  }
0x1c: {  	[sflag:s11] =	ssyncadd.s32 $0xFFFFC000  }
0x1d: {  	[spmem:s2] =	stream.indirect.scatter.add.f32 [tilespmem:s12], [sflag:$0x1], $0x80, s3, s12, $0xb8;
	[tilespmem:$0x18080] =	vst v63  }
0x1e: {  	s15 =	simm.s32 $0x10;
	_ =	swait.ge [sflag:s11], $0x4000  }
0x1f: {  	s16 =	simm.s32 $0x20;
	s14 =	sadd.s32 $0x800, s8;
	[sflag:s11] =	ssyncset.done $0x0  }
.LBB2_2:
0x20: {  	s17 =	sadd.s32 s15, s9  }
0x21: {  	[sflag:s11] =	ssyncadd.s32 $0xFFFFC000;
	s15 =	smov.u32 s16;
	s18 =	sadd.s32 $0x10, s16  }
0x22: {  	[tilespmem:s3], [sflag:$0x1] =	stream.linear.gather [hbm4b:s17+s3], $0x80, $0x38;
	[tilespmem:$0x18080] =	vst v63  }
0x23: {  	p0 =	sne.s32 s16, $0xFF0;
	_ =	swait.ge [sflag:s11], $0x80  }
0x24: {  	[sflag:s11] =	ssyncset.done $0x0  }
0x25: {  	[sflag:s11] =	ssyncadd.s32 $0xFFFFFF80  }
0x26: {  	[tilespmem:s12], [sflag:$0x1] =	stream.linear.gather [hbm4b:s14+s3], $0x4000, $0x38;
	[tilespmem:$0x18080] =	vst v63  }
0x27: {  	_ =	swait.ge [sflag:s11], $0x4000  }
.Ltmp0:
0x28: {  	[sflag:s11] =	ssyncset.done $0x0;
	(pc) =	sbr.rel @p0 .LBB2_2-.Ltmp0, $4  }
0x29: {  	[sflag:s11] =	ssyncadd.s32 $0xFFFFC000  }
0x2a: {  	[spmem:s2] =	stream.indirect.scatter.add.f32 [tilespmem:s12], [sflag:$0x1], $0x80, s3, s12, $0xb8;
	[tilespmem:$0x18080] =	vst v63  }
0x2b: {  	_ =	swait.ge [sflag:s11], $0x4000  }
0x2c: {  	s16 =	smov.u32 s18;
	s14 =	sadd.s32 $0x800, s14;
	[sflag:s11] =	ssyncset.done $0x0  }
0x2d: {  	s15 =	sadd.s32 s15, s9;
	[sflag:s11] =	ssyncadd.s32 $0xFFFFC000  }
0x2e: {  	[tilespmem:s3], [sflag:$0x1] =	stream.linear.gather [hbm4b:s15+s3], $0x80, $0x38;
	[tilespmem:$0x18080] =	vst v63  }
0x2f: {  	_ =	swait.ge [sflag:s11], $0x80  }
0x30: {  	[sflag:s11] =	ssyncset.done $0x0  }
0x31: {  	[sflag:s11] =	ssyncadd.s32 $0xFFFFFF80  }
0x32: {  	[tilespmem:s12], [sflag:$0x1] =	stream.linear.gather [hbm4b:s14+s3], $0x4000, $0x38;
	[tilespmem:$0x18080] =	vst v63  }
0x33: {  	_ =	swait.ge [sflag:s11], $0x4000  }
0x34: {  	[sflag:s11] =	ssyncset.done $0x0  }
0x35: {  	[sflag:s11] =	ssyncadd.s32 $0xFFFFC000  }
0x36: {  	[spmem:s2] =	stream.indirect.scatter.add.f32 [tilespmem:s12], [sflag:$0x1], $0x80, s3, s12, $0xb8;
	[tilespmem:$0x18080] =	vst v63  }
0x37: {  	_ =	swait.ge [sflag:s11], $0x4000  }
0x38: {  	s13 =	sadd.s32 $0x1, s13;
	[sflag:s11] =	ssyncset.done $0x0  }
0x39: {  	p0 =	sne.s32 s13, s7;
	[sflag:s11] =	ssyncadd.s32 $0xFFFFC000  }
.Ltmp1:
0x3a: {  	[bflag:$0x0] =	sbarrier.arrive $0xFFFF;
	(pc) =	sbr.rel @p0 .LBB2_1-.Ltmp1, $4  }
0x3b: {  	[hbm:s6], [sflag:s5] =	dma.local [spmem:s10], $0x2800  }
0x3c: {  	_ =	swait.ge [sflag:s11], $0x2800  }
0x3d: {  	[sflag:s11] =	ssyncset.done $0x0  }
0x3e: {  	[sflag:s11] =	ssyncadd.s32 $0xFFFFD800  }
0x3f: {  	_ =	sfence.sel $0x180000  }
0x40: {  	[bflag:$0x0] =	sbarrier.arrive $0xFFFF  }
0x41: {  	p0 =	sne.s32 s1, $0x0;
	_ =	strace $0x9000005F  }
0x42: {  	s0 =	sadd.s32 @!p0 $0x100000, s0;
	[bflag:$0x2] =	sbarrier.arrive $0xFFFF  }
0x43: {  	[sflag:s0] =	ssyncadd.tile.s32 @!p0 $0x1;
	_ =	shalt  }
.Lfunc_end2:
_tile_overlayer_lowered:
.L_overlay_start_2:
0x44: {  	(tag) =	ssettag $0x2  }
0x45: {  	s0 =	rddreg [dreg:$0x0];
	s2 =	stileid.u32  }
0x46: {  	s1 =	rddreg [dreg:$0x1];
	p0 =	sne.s32 s2, $0x0  }
0x47: {  	s3 =	rddreg [dreg:$0x2];
	[bflag:$0x3] =	sbarrier.arrive $0xFFFF;
	s2 =	simm.s32 @!p0 $0x1C01  }
0x48: {  	[timem:s3], [sflag:s2] =	dma.local @!p0 [hbm:s0], s1  }
0x49: {  	s0 =	simm.s32 @!p0 $0x1  }
0x4a: {  	_ =	swait.ge @!p0 [sflag:s0], s1  }
0x4b: {  	s1 =	ssub.s32 @!p0 $0x0, s1;
	[sflag:s0] =	ssyncset.done @!p0 $0x0  }
0x4c: {  	[sflag:s0] =	ssyncadd.s32 @!p0 s1  }
0x4d: {  	[bflag:$0x3] =	sbarrier.arrive $0xFFFF  }
0x4e: {  	_ =	shalt  }

// kernel: scatter_offload_async_start
scs
__scs_entry_jumppad:
0x0: {  	(pc) =	sbr.rel $0x88, $3  }
0x1: {  	(tag) =	ssettag $0x0;
	lr =	simm.s32 $0x1  }
0x2: {  	[smem:$0x3F8E] =	sst lr;
	_ =	strace $0xD0000000  }
0x3: {  	_ = 	snop  }
0x4: {  	_ = 	snop  }
0x5: {  	_ = 	snop  }
0x6: {  	_ = 	snop  }
0x7: {  	_ = 	snop  }
__scs_overlays_trampoline_lowered:
0x8: {  	[smem:$0x3F9D] =	sst s0  }
0x9: {  	[smem:$0x3F9E] =	sst s1  }
0xa: {  	[smem:$0x3F9F] =	sst s2  }
0xb: {  	[smem:$0x3FA0] =	sst s3  }
0xc: {  	[smem:$0x3FA1] =	sst s4  }
0xd: {  	[smem:$0x3FA2] =	sst s5  }
0xe: {  	[smem:$0x3FA3] =	sst s6  }
0xf: {  	[smem:$0x3FA4] =	sst s7  }
0x10: {  	[smem:$0x3FA5] =	sst s8  }
0x11: {  	[smem:$0x3FA6] =	sst s9;
	s0 =	simm.s32 @!p0 $0x0  }
0x12: {  	s1 =	sld [smem:$0x3F8C];
	s0 =	simm.s32 @p0 $0x1  }
0x13: {  	[smem:$0x3FA7] =	sst s0;
	s0 =	simm.s32 @!p1 $0x0  }
0x14: {  	s2 =	sld [smem:$0x3F8B];
	s0 =	simm.s32 @p1 $0x1  }
0x15: {  	[smem:$0x3FA8] =	sst s0;
	s0 =	simm.s32 @!p2 $0x0  }
0x16: {  	s3 =	sld [smem:$0x3FDB];
	s0 =	simm.s32 @p2 $0x1  }
0x17: {  	s4 =	simm.s32 $0x1BF5;
	[smem:$0x3FAA] =	sst s0  }
0x18: {  	s0 =	sld [smem:$0x3F8D];
	_ =	swait.ge [sflag:s4], $0x0  }
0x19: {  	s7 =	sld [smem:$0x3F8E]  }
0x1a: {  	s8 =	sadd.s32 $0xFFFFE003, lr  }
0x1b: {  	s9 =	sadd.s32 $0xFFFFFEF7, lr;
	s5 =	simm.s32 $0xFFFFFFFF;
	p2 =	slt.u32 s8, $0xFFFFF086  }
0x1c: {  	p1 =	slt.u32 s9, $0xF7A;
	s5 =	simm.s32 @!p2 $0x0  }
0x1d: {  	s5 =	simm.s32 @p1 $0x1;
	p0 =	seq.s32 s7, s2  }
0x1e: {  	s7 =	smul.u32 @!p0 $0xF7A, s2;
	p2 =	seq.s32 @!p0 s5, $0x0  }
0x1f: {  	s9 =	smul.u32 $0xF7A, s1;
	s8 =	simm.s32 @!p0 $0x1BF5;
	p2 =	por !p2, p0  }
0x20: {  	[sflag:s8] =	ssyncset.s32 @!p0 $0xFFFFF086;
	s6 =	sadd.s32 @!p0 s3, s7;
	s7 =	simm.s32 @!p0 $0x108  }
0x21: {  	s3 =	sadd.s32 s3, s9;
	s6 =	sadd.s32 @!p0 $0x88, s6;
	s7 =	simm.s32 @p2 $0x1082  }
0x22: {  	[simem:s7], [sflag:s8] =	dma.local @!p0 [hbm:s6], $0xF7A  }
0x23: {  	s9 =	sor.u32 $0xD0000000, s2;
	s6 =	simm.s32 $0x108;
	_ =	swait.ge @!p0 [sflag:s8], $0x0  }
0x24: {  	s3 =	sadd.s32 $0x88, s3;
	s6 =	simm.s32 @!p1 $0x1082;
	[sflag:s4] =	ssyncset.s32 $0xFFFFF086  }
0x25: {  	[simem:s6], [sflag:s4] =	dma.local [hbm:s3], $0xF7A  }
0x26: {  	[smem:$0x3F8E] =	sst s1;
	(tag) =	ssettag s2;
	_ =	strace s9  }
0x27: {  	s1 =	sld [smem:$0x3F9E]  }
0x28: {  	s2 =	sld [smem:$0x3F9F]  }
0x29: {  	s4 =	sld [smem:$0x3FA1]  }
0x2a: {  	p0 =	seq.s32 s5, $0x0;
	s5 =	sld [smem:$0x3FA2]  }
0x2b: {  	s6 =	sld [smem:$0x3FA3]  }
0x2c: {  	s7 =	sld [smem:$0x3FA4]  }
0x2d: {  	s3 =	simm.s32 $0x108;
	s8 =	sld [smem:$0x3FA5]  }
0x2e: {  	s3 =	simm.s32 @!p0 $0x1082;
	s9 =	sld [smem:$0x3FA6]  }
0x2f: {  	lr =	sadd.s32 s0, s3;
	s0 =	sld [smem:$0x3F9D]  }
0x30: {  	s3 =	sld [smem:$0x3FA0]  }
0x31: {  	[smem:$0x3FA9] =	sst s10  }
0x32: {  	s10 =	sld [smem:$0x3FA7];
	_ =	sdelay $0x3  }
0x33: {  	p0 =	seq.s32 s10, $0x1;
	s10 =	sld [smem:$0x3FA9];
	_ =	sdelay $0x3  }
0x34: {  	[smem:$0x3FA9] =	sst s10  }
0x35: {  	s10 =	sld [smem:$0x3FA8];
	_ =	sdelay $0x3  }
0x36: {  	p1 =	seq.s32 s10, $0x1;
	s10 =	sld [smem:$0x3FA9];
	_ =	sdelay $0x3  }
0x37: {  	[smem:$0x3FA9] =	sst s10  }
0x38: {  	s10 =	sld [smem:$0x3FAA]  }
0x39: {  	_ = 	snop;
	(pc) =	sbr.ind lr, $3  }
0x3a: {  	_ = 	snop  }
0x3b: {  	_ = 	snop  }
0x3c: {  	p2 =	seq.s32 s10, $0x1;
	s10 =	sld [smem:$0x3FA9]  }
0x3d: {  	_ =	shalt  }
0x3e: {  	_ =	shalt  }
0x3f: {  	_ =	shalt  }
0x40: {  	_ =	shalt  }
0x41: {  	_ =	shalt  }
0x42: {  	_ =	shalt  }
0x43: {  	_ =	shalt  }
0x44: {  	_ =	shalt  }
0x45: {  	_ =	shalt  }
0x46: {  	_ =	shalt  }
0x47: {  	_ =	shalt  }
0x48: {  	_ =	shalt  }
0x49: {  	_ =	shalt  }
0x4a: {  	_ =	shalt  }
0x4b: {  	_ =	shalt  }
0x4c: {  	_ =	shalt  }
0x4d: {  	_ =	shalt  }
0x4e: {  	_ =	shalt  }
0x4f: {  	_ =	shalt  }
0x50: {  	_ =	shalt  }
0x51: {  	_ =	shalt  }
0x52: {  	_ =	shalt  }
0x53: {  	_ =	shalt  }
0x54: {  	_ =	shalt  }
0x55: {  	_ =	shalt  }
0x56: {  	_ =	shalt  }
0x57: {  	_ =	shalt  }
0x58: {  	_ =	shalt  }
0x59: {  	_ =	shalt  }
0x5a: {  	_ =	shalt  }
0x5b: {  	_ =	shalt  }
0x5c: {  	_ =	shalt  }
0x5d: {  	_ =	shalt  }
0x5e: {  	_ =	shalt  }
0x5f: {  	_ =	shalt  }
0x60: {  	_ =	shalt  }
0x61: {  	_ =	shalt  }
0x62: {  	_ =	shalt  }
0x63: {  	_ =	shalt  }
0x64: {  	_ =	shalt  }
0x65: {  	_ =	shalt  }
0x66: {  	_ =	shalt  }
0x67: {  	_ =	shalt  }
0x68: {  	_ =	shalt  }
0x69: {  	_ =	shalt  }
0x6a: {  	_ =	shalt  }
0x6b: {  	_ =	shalt  }
0x6c: {  	_ =	shalt  }
0x6d: {  	_ =	shalt  }
0x6e: {  	_ =	shalt  }
0x6f: {  	_ =	shalt  }
0x70: {  	_ =	shalt  }
0x71: {  	_ =	shalt  }
0x72: {  	_ =	shalt  }
0x73: {  	_ =	shalt  }
0x74: {  	_ =	shalt  }
0x75: {  	_ =	shalt  }
0x76: {  	_ =	shalt  }
0x77: {  	_ =	shalt  }
0x78: {  	_ =	shalt  }
0x79: {  	_ =	shalt  }
0x7a: {  	_ =	shalt  }
0x7b: {  	_ =	shalt  }
0x7c: {  	_ =	shalt  }
0x7d: {  	_ =	shalt  }
0x7e: {  	_ =	shalt  }
0x7f: {  	_ =	shalt  }
0x80: {  	_ =	shalt  }
0x81: {  	_ =	shalt  }
0x82: {  	_ =	shalt  }
0x83: {  	_ =	shalt  }
0x84: {  	_ =	shalt  }
0x85: {  	_ =	shalt  }
0x86: {  	_ =	shalt  }
0x87: {  	_ =	shalt  }
.Lfunc_end0:
.L_simem_size_0:
called_computation_lowered:
.L_overlay_start_0:
0x88: {  	s0 =	sld [smem:$0x3FD9]  }
0x89: {  	s1 =	sld [smem:$0x3FFE];
	_ =	sdelay $0x3  }
0x8a: {  	s0 =	sadd.s32 s1, s0  }
0x8b: {  	[smem:$0x3FB5] =	sst s0  }
0x8c: {  	_ = 	snop  }
0x8d: {  	(tm) =	ssettm $0x1  }
0x8e: {  	s15 =	sld [smem:$0x3FFB];
	_ =	sdelay $0x3  }
0x8f: {  	_ =	strace s15  }
0x90: {  	s0 =	sld [smem:$0x3FFC];
	_ =	sdelay $0x3  }
0x91: {  	_ =	strace s0  }
0x92: {  	s0 =	sld [smem:$0x3FFD];
	_ =	sdelay $0x3  }
0x93: {  	_ =	strace s0  }
0x94: {  	_ =	strace $0x8FFFFFFF  }
0x95: {  	s16 =	sld [smem:$0x3FDB];
	_ =	sdelay $0x1  }
0x96: {  	s17 =	simm.s32 $_scs_section_size  }
0x97: {  	s2 =	simm.s32 $_size__tile_overlayer_lowered;
	s3 =	simm.s32 $_tile_overlayer_lowered  }
0x98: {  	s20 =	simm.s32 $0x1BFF;
	s19 =	sshll.u32 s3, $0x1;
	s0 =	sadd.s32 s17, s16  }
0x99: {  	s4 =	simm.s32 $0x0;
	s18 =	sshll.u32 s2, $0x1;
	s2 =	sadd.s32 s19, s0  }
0x9a: {  	[timem:s4], [sflag:s20] =	dma.local [hbm:s2], s18  }
0x9b: {  	_ =	swait.ge [sflag:s20], s18  }
0x9c: {  	s1 =	ssub.s32 $0x0, s18;
	[sflag:s20] =	ssyncset.done $0x0  }
0x9d: {  	[sflag:s20] =	ssyncadd.s32 s1;
	_ =	sdelay $0x1  }
0x9e: {  	s21 =	simm.s32 $0x1B8B  }
0x9f: {  	_ =	swait.ge [sflag:s21], $0x1  }
0xa0: {  	[sflag:s21] =	ssyncset.done $0x0  }
0xa1: {  	s23 =	simm.s32 $0x1B8E;
	s22 =	sld [smem:$0x3FFE];
	[sflag:s21] =	ssyncadd.s32 $0xFFFFFFFF  }
0xa2: {  	s24 =	simm.s32 $execute0_lowered;
	[smem:$0x3FD2] =	sst s23  }
0xa3: {  	s2 =	sshll.u32 s24, $0x1;
	_ =	strace $0x8000004C;
	[dreg:$0x1] =	wrdreg $0xFFFFFFFF  }
0xa4: {  	s25 =	simm.s32 $_size_execute0_lowered;
	s0 =	sadd.s32 s0, s2;
	[dreg:$0x0] =	wrdreg $0x0  }
0xa5: {  	s2 =	sshll.u32 s25, $0x1;
	[dreg:$0x2] =	wrdreg s0  }
0xa6: {  	[dreg:$0x3] =	wrdreg s2  }
0xa7: {  	[dreg:$0x4] =	wrdreg $0xC0  }
0xa8: {  	_ =	task [dreg:s4], $0x5FFFF  }
0xa9: {  	[dreg:$0x1] =	wrdreg $0xFFFFFFFF  }
0xaa: {  	[dreg:$0x0] =	wrdreg $0x60  }
0xab: {  	[dreg:$0x2] =	wrdreg s22  }
0xac: {  	[dreg:$0x3] =	wrdreg $0x9  }
0xad: {  	_ =	task.clear_ibuf [dreg:s4], $0x4FFFF;
	_ =	strace $0x9000004C  }
0xae: {  	s26 =	simm.s32 $0x9;
	_ =	strace $0x8000004E  }
0xaf: {  	_ =	swait.ge [sflag:s26], $0x1  }
0xb0: {  	[sflag:s26] =	ssyncadd.s32 $0xFFFFFFFF  }
0xb1: {  	_ =	strace $0x9000004E  }
0xb2: {  	_ =	sfence  }
0xb3: {  	s28 =	sld [smem:$0x0];
	_ =	sdelay $0x1  }
0xb4: {  	s29 =	srdreg.scid  }
0xb5: {  	s30 =	sshll.u32 s29, $0xD;
	s31 =	sshrl.u32 s29, $0x2  }
0xb6: {  	s1 =	sand.u32 $0x1, s29;
	s2 =	sand.u32 $0x4000, s30;
	s0 =	sadd.s32 s31, s28  }
0xb7: {  	s1 =	sor.u32 s2, s1;
	s0 =	sshll.u32 s0, $0x11  }
0xb8: {  	s0 =	sor.u32 s0, s1  }
0xb9: {  	s0 =	sadd.s32 $0x8F2B, s0  }
0xba: {  	[sflag:s0] =	ssyncadd.remote.s32 $0x1  }
0xbb: {  	_ =	sfence.sel $0xFFFF  }
0xbc: {  	[dreg:$0x0] =	wrdreg $0xFFFFFFFF;
	(pc) =	sbr.abs _section_cstart, $3  }
0xbd: {  	[dreg:$0x1] =	wrdreg $0xFFFFFFFF  }
0xbe: {  	_ =	task.clear_ibuf [dreg:s4], $0x2FFFF;
	_ =	strace $0x9FFFFFFF  }
0xbf: {  	(tm) =	ssettm $0x7FFFFFFF  }
tec
execute0_lowered:
.L_overlay_start_1:
0x0: {  	(tag) =	ssettag $0x1  }
0x1: {  	s7 =	rddreg [dreg:$0x0]  }
0x2: {  	s0 =	rddreg [dreg:$0x1];
	_ =	strace $0x8000004D  }
0x3: {  	s3 =	stileid.u32;
	s4 =	simm.s32 $0x3E;
	s1 =	sadd.s32 $0x18A1400, s7  }
0x4: {  	p0 =	sne.s32 s3, $0x0;
	[sflag:s4] =	ssyncpa.u1 $0x0;
	s29 =	smul.u32 $0x30D, s3  }
0x5: {  	s30 =	smin.u32 s3, $0x4;
	s2 =	simm.s32 @!p0 $0x1C3E;
	s5 =	simm.s32 @!p0 $0x0  }
0x6: {  	[spmem:s5], [sflag:s2] =	dma.local @!p0 [hbm:s1], $0x20000  }
0x7: {  	s2 =	sadd.s32 s30, s29  }
0x8: {  	p1 =	slt.u32 s3, $0x4;
	s3 =	simm.s32 $0x5F7580;
	s2 =	smul.u32 $0x1F40, s2  }
0x9: {  	s3 =	simm.s32 @!p1 $0x5F5640  }
0xa: {  	s3 =	sadd.s32 s3, s2  }
0xb: {  	s3 =	smin.u32 s3, $0x5F5E100  }
0xc: {  	s8 =	ssub.s32 s3, s2  }
0xd: {  	p1 =	sgt.s32 s8, $0x0  }
0xe: {  	s8 =	simm.s32 @!p1 $0x0  }
0xf: {  	s5 =	simm.s32 @!p0 $0x3E;
	s31 =	smulhi.u32 $0x10624DD3, s8  }
0x10: {  	_ =	swait.ge @!p0 [sflag:s5], $0x20000  }
0x11: {  	s6 =	simm.s32 $0x2;
	[sflag:s5] =	ssyncset.done @!p0 $0x0;
	s9 =	sshrl.u32 s31, $0x9  }
0x12: {  	s11 =	simm.s32 $0x0;
	[sflag:s5] =	ssyncadd.s32 @!p0 $0xFFFE0000;
	s10 =	smul.u32 $0x1F40, s9  }
.Ltmp0:
0x13: {  	s5 =	sadd.s32 $0x2F200, s7;
	[bflag:$0x0] =	sbarrier.arrive $0xFFFF;
	(pc) =	sbr.rel .LBB2_1-.Ltmp0, $4  }
0x14: {  	s7 =	sadd.s32 $0xC3D400, s7;
	[sflag:s4] =	ssyncpa.u1 $0x1;
	s4 =	simm.s32 $0x1  }
0x15: {  	[sflag:s4] =	ssyncpa.u1 $0x0;
	p1 =	sne.s32 s8, s10;
	s8 =	simm.s32 $0x1  }
0x16: {  	(ifvalue) =	ssetifvalue $0x100000;
	[sflag:s6] =	ssyncpa.u1 $0x0;
	s8 =	simm.s32 @!p1 $0x0  }
0x17: {  	vm0 =	vmmov $0xffff;
	s10 =	smov.u32 s2;
	s8 =	sadd.s32 s8, s9;
	s9 =	simm.s32 $0x0  }
.LBB2_5:
0x18: {  	p2 =	sne.s32 s11, s8  }
.Ltmp1:
0x19: {  	_ = 	snop;
	(pc) =	sbr.rel @!p2 .LBB2_6-.Ltmp1, $4  }
0x1a: {  	_ = 	snop  }
0x1b: {  	s12 =	sadd.s32 $0x1F40, s10  }
0x1c: {  	s10 =	smov.u32 s2;
	s13 =	sadd.s32 $0x1, s11;
	p1 =	slt.s32 s12, s3  }
0x1d: {  	s11 =	smov.u32 s13;
	s10 =	smov.u32 @p1 s12  }
.LBB2_1:
0x1e: {  	p1 =	sge.u32 s11, s8  }
0x1f: {  	s12 =	sxor.u32 @!p1 $0xFFFFFFFF, s11  }
0x20: {  	s12 =	sand.u32 @!p1 $0x1, s12  }
0x21: {  	s12 =	smul.u32 @!p1 $0x1F40, s12  }
0x22: {  	s13 =	sshrl.u32 @!p1 s10, $0x3  }
0x23: {  	s16 =	sand.u32 @!p1 $0x7, s10;
	s14 =	sadd.s32 @!p1 s5, s13;
	s15 =	sor.u32 @!p1 $0x10000, s12  }
0x24: {  	[tilespmem:s15], [sflag:$0x2] =	stream.linear.gather @!p1 [hbm4b:s14+s16], $0x1F40, $0x38;
	[tilespmem:$0x17D00] =	vst v63  }
0x25: {  	s13 =	sadd.s32 @!p1 s7, s13;
	s12 =	sadd.s32 @!p1 $0x13E80, s12  }
0x26: {  	[tilespmem:s12], [sflag:$0x2] =	stream.linear.gather @!p1 [hbm4b:s13+s16], $0x1F40, $0x38;
	[tilespmem:$0x17D00] =	vst v63  }
0x27: {  	p1 =	seq.s32 s11, $0x0  }
.Ltmp2:
0x28: {  	_ = 	snop;
	(pc) =	sbr.rel @p1 .LBB2_5-.Ltmp2, $1  }
0x29: {  	_ =	sdelay $0x3  }
0x2a: {  	s12 =	sand.u32 $0x1, s11  }
0x2b: {  	_ =	swait.ge [sflag:s6], $0x3E80;
	p1 =	seq.s32 s12, $0x1;
	s12 =	simm.s32 $0x1F40  }
0x2c: {  	[sflag:s6] =	ssyncset.done $0x0;
	s12 =	simm.s32 @!p1 $0x0  }
0x2d: {  	[sflag:s6] =	ssyncadd.s32 $0xFFFFC180;
	s14 =	sor.u32 $0x10000, s12  }
0x2e: {  	v0 =	vld.msk [tilespmem:s14+$0x0 ss:$0x1], $0xffff;
	_ =	sdelay $0x4  }
0x2f: {  	v0 =	vmin.u32 v0, $0x100000;
	_ =	sdelay $0x3  }
0x30: {  	s13 =	simm.s32 $0x0;
	s12 =	sadd.s32 $0x13E80, s12;
	s14 =	sadd.s32 $0x10, s14  }
0x31: {  	[spmem:s9] =	stream.indirect_vreg.scatter.add.s32 [tilespmem:s12], [sflag:$0x1], $0x1, v0, vm0, $0x4038;
	[tilespmem:$0x17D00] =	vst v63  }
.LBB2_3:
0x32: {  	v0 =	vld.msk [tilespmem:s14+$0x0 ss:$0x1], $0xffff;
	s13 =	sadd.s32 $0x10, s13  }
0x33: {  	p1 =	slt.u32 s13, $0x1F30;
	_ =	sdelay $0x4  }
0x34: {  	v0 =	vmin.u32 v0, $0x100000  }
.Ltmp3:
0x35: {  	(pc) =	sbr.rel @p1 .LBB2_3-.Ltmp3, $3  }
0x36: {  	_ =	sdelay $0x1  }
0x37: {  	s14 =	sadd.s32 $0x10, s14;
	s12 =	sadd.s32 $0x10, s12  }
0x38: {  	[spmem:s9] =	stream.indirect_vreg.scatter.add.s32 [tilespmem:s12], [sflag:$0x1], $0x1, v0, vm0, $0x4038;
	[tilespmem:$0x17D00] =	vst v63  }
.Ltmp4:
0x39: {  	(pc) =	sbr.rel .LBB2_5-.Ltmp4, $4  }
0x3a: {  	_ = 	snop  }
0x3b: {  	_ =	swait.ge [sflag:s4], $0x1F40  }
0x3c: {  	[sflag:s4] =	ssyncset.done $0x0  }
0x3d: {  	[sflag:s4] =	ssyncadd.s32 $0xFFFFE0C0  }
.LBB2_6:
0x3e: {  	_ =	sfence.sel $0x180000  }
0x3f: {  	s2 =	simm.s32 $0x2;
	[bflag:$0x0] =	sbarrier.arrive $0xFFFF  }
0x40: {  	s30 =	simm.s32 $0x1;
	[sflag:s2] =	ssyncpa.u1 $0x1  }
0x41: {  	[sflag:s30] =	ssyncpa.u1 $0x1  }
0x42: {  	_ =	sfence.stream.spmem  }
0x43: {  	s31 =	simm.s32 $0x3D;
	[bflag:$0x0] =	sbarrier.arrive $0xFFFF  }
0x44: {  	s2 =	simm.s32 @p0 $0x3D;
	[sflag:s31] =	ssyncpa.u1 $0x0  }
0x45: {  	[sflag:s2] =	ssyncpa.u1 @p0 $0x1  }
0x46: {  	[bflag:$0x0] =	sbarrier.arrive @p0 $0xFFFF  }
0x47: {  	_ =	strace @p0 $0x9000004D  }
0x48: {  	s3 =	simm.s32 @!p0 $0x1C3D;
	s2 =	simm.s32 @!p0 $0x0;
	[bflag:$0x2] =	sbarrier.arrive @p0 $0xFFFF  }
0x49: {  	[hbm:s1], [sflag:s3] =	dma.local @!p0 [spmem:s2], $0x20000  }
0x4a: {  	s1 =	simm.s32 @!p0 $0x3D  }
0x4b: {  	_ =	swait.ge @!p0 [sflag:s1], $0x20000  }
0x4c: {  	[sflag:s1] =	ssyncset.done @!p0 $0x0  }
0x4d: {  	[sflag:s1] =	ssyncadd.s32 @!p0 $0xFFFE0000  }
0x4e: {  	[sflag:s1] =	ssyncpa.u1 @!p0 $0x1  }
0x4f: {  	[bflag:$0x0] =	sbarrier.arrive @!p0 $0xFFFF  }
0x50: {  	_ =	strace @!p0 $0x9000004D  }
0x51: {  	s0 =	sadd.s32 @!p0 $0x100000, s0;
	[bflag:$0x2] =	sbarrier.arrive @!p0 $0xFFFF  }
0x52: {  	[sflag:s0] =	ssyncadd.tile.s32 @!p0 $0x1;
	_ =	shalt  }
.Lfunc_end2:
_tile_overlayer_lowered:
.L_overlay_start_2:
0x53: {  	(tag) =	ssettag $0x2  }
0x54: {  	s0 =	rddreg [dreg:$0x0];
	s2 =	stileid.u32  }
0x55: {  	s1 =	rddreg [dreg:$0x1];
	p0 =	sne.s32 s2, $0x0  }
0x56: {  	s3 =	rddreg [dreg:$0x2];
	[bflag:$0x3] =	sbarrier.arrive $0xFFFF;
	s2 =	simm.s32 @!p0 $0x1C01  }
0x57: {  	[timem:s3], [sflag:s2] =	dma.local @!p0 [hbm:s0], s1  }
0x58: {  	s0 =	simm.s32 @!p0 $0x1  }
0x59: {  	_ =	swait.ge @!p0 [sflag:s0], s1  }
0x5a: {  	s1 =	ssub.s32 @!p0 $0x0, s1;
	[sflag:s0] =	ssyncset.done @!p0 $0x0  }
0x5b: {  	[sflag:s0] =	ssyncadd.s32 @!p0 s1  }
0x5c: {  	[bflag:$0x3] =	sbarrier.arrive $0xFFFF  }
0x5d: {  	_ =	shalt  }

// kernel: sparse-core-data-format-call.1.cloned.1.call-start
scs
called_computation.2_lowered:
.L_overlay_start_0:
0x0: {  	s1 =	sld [smem:$0x3FD9]  }
0x1: {  	s2 =	sld [smem:$0x3FFE];
	_ =	sdelay $0x1  }
0x2: {  	s3 =	srdreg.scid  }
0x3: {  	s0 =	sand.u32 $0x1, s3  }
0x4: {  	s17 =	sshll.u32 s0, $0xA;
	s1 =	sadd.s32 s2, s1  }
0x5: {  	s1 =	sadd.s32 s1, s17  }
0x6: {  	[smem:$0x3FB5] =	sst s1  }
0x7: {  	_ = 	snop  }
0x8: {  	(tm) =	ssettm $0x1  }
0x9: {  	s18 =	sld [smem:$0x3FFB];
	_ =	sdelay $0x3  }
0xa: {  	_ =	strace s18  }
0xb: {  	s1 =	sld [smem:$0x3FFC];
	_ =	sdelay $0x3  }
0xc: {  	_ =	strace s1  }
0xd: {  	s1 =	sld [smem:$0x3FFD];
	_ =	sdelay $0x3  }
0xe: {  	_ =	strace s1  }
0xf: {  	_ =	strace $0x8FFFFFFF  }
0x10: {  	s19 =	sld [smem:$0x3FDB];
	_ =	sdelay $0x1  }
0x11: {  	s20 =	simm.s32 $_scs_section_size  }
0x12: {  	s4 =	simm.s32 $_size__tile_overlayer_lowered;
	s5 =	simm.s32 $_tile_overlayer_lowered  }
0x13: {  	s23 =	simm.s32 $0x1BFF;
	s22 =	sshll.u32 s5, $0x1;
	s1 =	sadd.s32 s20, s19  }
0x14: {  	s6 =	simm.s32 $0x0;
	s21 =	sshll.u32 s4, $0x1;
	s4 =	sadd.s32 s22, s1  }
0x15: {  	[timem:s6], [sflag:s23] =	dma.local [hbm:s4], s21  }
0x16: {  	_ =	swait.ge [sflag:s23], s21  }
0x17: {  	s2 =	ssub.s32 $0x0, s21;
	[sflag:s23] =	ssyncset.done $0x0  }
0x18: {  	[sflag:s23] =	ssyncadd.s32 s2;
	_ =	sdelay $0x1  }
0x19: {  	s24 =	simm.s32 $0x1B8B  }
0x1a: {  	_ =	swait.ge [sflag:s24], $0x1  }
0x1b: {  	[sflag:s24] =	ssyncset.done $0x0  }
0x1c: {  	s26 =	simm.s32 $0x1B8E;
	s25 =	sld [smem:$0x3FFE];
	[sflag:s24] =	ssyncadd.s32 $0xFFFFFFFF  }
0x1d: {  	s27 =	simm.s32 $execute0_lowered;
	[smem:$0x3FD2] =	sst s26  }
0x1e: {  	s4 =	sshll.u32 s27, $0x1;
	_ =	strace $0x80000046;
	[dreg:$0x1] =	wrdreg $0xFFFFFFFF  }
0x1f: {  	s28 =	simm.s32 $_size_execute0_lowered;
	s1 =	sadd.s32 s1, s4;
	[dreg:$0x0] =	wrdreg $0x0  }
0x20: {  	s4 =	sshll.u32 s28, $0x1;
	[dreg:$0x2] =	wrdreg s1  }
0x21: {  	[dreg:$0x3] =	wrdreg s4  }
0x22: {  	[dreg:$0x4] =	wrdreg $0xC0  }
0x23: {  	_ =	task [dreg:s6], $0x5FFFF  }
0x24: {  	[dreg:$0x1] =	wrdreg $0xFFFFFFFF  }
0x25: {  	[dreg:$0x0] =	wrdreg $0x60  }
0x26: {  	[dreg:$0x2] =	wrdreg s25  }
0x27: {  	[dreg:$0x3] =	wrdreg $0x9  }
0x28: {  	_ =	task.clear_ibuf [dreg:s6], $0x4FFFF;
	_ =	strace $0x90000046  }
0x29: {  	s29 =	simm.s32 $0x9;
	_ =	strace $0x80000048  }
0x2a: {  	_ =	swait.ge [sflag:s29], $0x1  }
0x2b: {  	[sflag:s29] =	ssyncadd.s32 $0xFFFFFFFF  }
0x2c: {  	_ =	strace $0x90000048  }
0x2d: {  	_ =	sfence  }
0x2e: {  	s30 =	sld [smem:$0x0];
	_ =	sdelay $0x2  }
0x2f: {  	s31 =	sshll.u32 s3, $0xD;
	s3 =	sshrl.u32 s3, $0x2  }
0x30: {  	s2 =	sand.u32 $0x4000, s31;
	s1 =	sadd.s32 s3, s30  }
0x31: {  	s0 =	sor.u32 s2, s0;
	s1 =	sshll.u32 s1, $0x11  }
0x32: {  	s0 =	sor.u32 s1, s0  }
0x33: {  	s0 =	sadd.s32 $0x8F2B, s0  }
0x34: {  	[sflag:s0] =	ssyncadd.remote.s32 $0x1  }
0x35: {  	_ =	sfence.sel $0xFFFF  }
0x36: {  	[dreg:$0x0] =	wrdreg $0xFFFFFFFF;
	(pc) =	sbr.abs _section_cstart, $3  }
0x37: {  	[dreg:$0x1] =	wrdreg $0xFFFFFFFF  }
0x38: {  	_ =	task.clear_ibuf [dreg:s6], $0x2FFFF;
	_ =	strace $0x9FFFFFFF  }
0x39: {  	(tm) =	ssettm $0x7FFFFFFF  }
tec
execute0_lowered:
.L_overlay_start_1:
0x0: {  	(tag) =	ssettag $0x1  }
0x1: {  	s0 =	srdreg.scid  }
0x2: {  	s4 =	rddreg [dreg:$0x0];
	s1 =	stileid.u32  }
0x3: {  	s5 =	simm.s32 $0x1;
	s7 =	simm.s32 $0x2;
	s0 =	sshll.u32 s0, $0x4  }
0x4: {  	s11 =	simm.s32 $0x0;
	p0 =	por $0x0, $0x0;
	s2 =	sand.u32 $0x10, s0  }
.Ltmp0:
0x5: {  	s8 =	simm.s32 $0x5F6000;
	s3 =	sor.u32 s1, s2;
	(pc) =	sbr.rel .LBB1_1-.Ltmp0, $4  }
0x6: {  	s0 =	rddreg [dreg:$0x1];
	_ =	strace $0x80000047;
	s3 =	sshll.u32 s3, $0x7  }
0x7: {  	s10 =	simm.s32 $0x0;
	s2 =	sadd.s32 $0xC3D400, s4;
	s6 =	ssub.s32 $0xBEB80, s3  }
0x8: {  	s4 =	sadd.s32 $0x2F200, s4;
	[sflag:s5] =	ssyncpa.u1 $0x0;
	s6 =	sshrl.u32 s6, $0xC  }
0x9: {  	[sflag:s7] =	ssyncpa.u1 $0x0;
	s9 =	smov.u32 s3;
	s7 =	sadd.s32 $0x2, s6  }
.LBB1_5:
0xa: {  	s13 =	sadd.s32 $0x1000, s9  }
0xb: {  	p2 =	sgt.s32 s13, $0xBEBC1  }
0xc: {  	s13 =	smov.u32 @p2 s3;
	p2 =	sne.s32 s10, s7  }
.Ltmp1:
0xd: {  	p1 =	slt.u32 s10, $0x2;
	(pc) =	sbr.rel @!p2 .LBB1_6-.Ltmp1, $4  }
0xe: {  	s12 =	simm.s32 @!p1 $0x2  }
0xf: {  	s14 =	sadd.s32 $0x1, s10;
	_ =	swait.ge @!p1 [sflag:s12], $0x4000  }
0x10: {  	s11 =	smov.u32 s9;
	p0 =	por !p0, !p0;
	[sflag:s12] =	ssyncset.done @!p1 $0x0  }
0x11: {  	s10 =	smov.u32 s14;
	s9 =	smov.u32 s13;
	[sflag:s12] =	ssyncadd.s32 @!p1 $0xFFFFC000  }
.LBB1_1:
0x12: {  	p1 =	sgt.u32 s10, s6  }
0x13: {  	s12 =	sand.u32 @!p1 $0x1FFFFFF, s9  }
0x14: {  	p2 =	sgt.s32 @!p1 s9, $0xBEB48;
	s13 =	smulhi.u32 @!p1 $0x2AF3083, s12  }
0x15: {  	s14 =	smov.u32 s9;
	s15 =	sshra.s32 @!p1 s9, $0x1F;
	p2 =	por !p2, p1  }
0x16: {  	s15 =	sand.u32 @!p1 s15, s9;
	s14 =	simm.s32 @p2 $0xBEB48;
	s13 =	sshrl.u32 @!p1 s13, $0xD  }
0x17: {  	s14 =	ssub.s32 @!p1 s14, s15;
	s13 =	smul.u32 @!p1 $0xBEBC8, s13  }
0x18: {  	s15 =	sxor.u32 @!p1 $0xFFFFFFFF, s10;
	s14 =	sadd.s32 @!p1 $0xFFF414B8, s14  }
0x19: {  	s15 =	sshll.u32 @!p1 s15, $0xE;
	s12 =	ssub.s32 @!p1 s12, s13;
	s13 =	sshll.u32 @!p1 s14, $0x9  }
0x1a: {  	s15 =	sand.u32 @!p1 $0x4000, s15;
	p2 =	sgt.s32 @!p1 s14, $0x7F;
	s13 =	ssub.s32 @!p1 $0x10000, s13  }
0x1b: {  	p2 =	por !p2, p1;
	s12 =	sshll.u32 @!p1 s12, $0x4;
	s13 =	sshrl.u32 @!p1 s13, $0x2  }
0x1c: {  	s14 =	simm.s32 @!p1 $0x0;
	s12 =	sadd.s32 @!p1 s2, s12;
	s13 =	simm.s32 @!p2 $0x0  }
0x1d: {  	[tilespmem:s15], [sflag:$0x1] =	stream.linear.gather @!p1 [hbm4b:s12+s14], s13, $0x38;
	[tilespmem:$0x10100] =	vst v63  }
0x1e: {  	p1 =	seq.s32 s10, $0x0  }
0x1f: {  	p2 =	sge.u32 @!p1 s10, s7  }
0x20: {  	p1 =	por p1, p2  }
.Ltmp2:
0x21: {  	_ = 	snop;
	(pc) =	sbr.rel @p1 .LBB1_5-.Ltmp2, $1  }
0x22: {  	_ =	sdelay $0x3  }
0x23: {  	p1 =	sgt.s32 s11, $0xBEB48;
	s12 =	smov.u32 s11;
	s13 =	sshra.s32 s11, $0x1F  }
0x24: {  	s12 =	simm.s32 @!p1 $0xBEB48;
	s13 =	sand.u32 s13, s11  }
0x25: {  	s12 =	ssub.s32 s12, s13  }
0x26: {  	s12 =	sadd.s32 $0xFFF414B8, s12  }
0x27: {  	s29 =	sshll.u32 s12, $0x9  }
0x28: {  	s13 =	ssub.s32 $0x10000, s29  }
0x29: {  	p1 =	sgt.s32 s12, $0x7F;
	s12 =	sshrl.u32 s13, $0x2  }
0x2a: {  	s13 =	simm.s32 $0x1;
	s12 =	simm.s32 @p1 $0x0  }
0x2b: {  	s13 =	simm.s32 @!p0 $0x0;
	_ =	swait.ge [sflag:s5], s12  }
0x2c: {  	s14 =	sshll.u32 s13, $0xE;
	s12 =	ssub.s32 $0x0, s12;
	[sflag:s5] =	ssyncset.done $0x0  }
0x2d: {  	s15 =	sor.u32 $0x40, s14;
	[sflag:s5] =	ssyncadd.s32 s12  }
0x2e: {  	s30 =	smul.u32 $0x10200, s13;
	v0 =	vld [tilespmem:s15+$0x30]  }
0x2f: {  	v1 =	vld [tilespmem:s15+$0xFFFFFFD0]  }
0x30: {  	s12 =	sshrl.u32 s30, $0x2;
	v5 =	vld [tilespmem:s15+$0xFFFFFFE0]  }
0x31: {  	s13 =	sor.u32 $0x8000, s12;
	v6 =	vld [tilespmem:s15+$0xFFFFFFF0]  }
0x32: {  	s31 =	sand.u32 $0x1, s10;
	v2 =	vld [tilespmem:s15+$0x0];
	s14 =	sadd.s32 $0x0, s13  }
0x33: {  	s12 =	smul.u32 $0x10200, s31;
	v3 =	vld [tilespmem:s15+$0x10];
	[tilespmem:s14+$0x3870 ss:$0x81] =	vst.msk $0xffff, v0  }
0x34: {  	v4 =	vld [tilespmem:s15+$0x20];
	[tilespmem:s14+$0x810 ss:$0x81] =	vst.msk $0xffff, v1  }
0x35: {  	s12 =	sshrl.u32 s12, $0x2;
	v0 =	vld [tilespmem:s15+$0xFFFFFFC0];
	[tilespmem:s14+$0x1020 ss:$0x81] =	vst.msk $0xffff, v5;
	s15 =	sadd.s32 $0x80, s15  }
0x36: {  	s16 =	simm.s32 $0x4;
	s17 =	simm.s32 $0x8;
	s12 =	sor.u32 $0x8000, s12;
	[tilespmem:s14+$0x1830 ss:$0x81] =	vst.msk $0xffff, v6;
	v1 =	vld [tilespmem:s15+$0x30]  }
.LBB1_3:
0x37: {  	p1 =	sne.s32 s17, $0x1FC;
	v5 =	vld [tilespmem:s15+$0xFFFFFFD0];
	[tilespmem:s14+$0x2040 ss:$0x81] =	vst.msk $0xffff, v2  }
0x38: {  	v6 =	vld [tilespmem:s15+$0xFFFFFFE0];
	[tilespmem:s14+$0x2850 ss:$0x81] =	vst.msk $0xffff, v3  }
0x39: {  	s18 =	sshra.s32 s16, $0x2;
	s16 =	smov.u32 s17;
	v7 =	vld [tilespmem:s15+$0xFFFFFFF0];
	[tilespmem:s14+$0x3060 ss:$0x81] =	vst.msk $0xffff, v4  }
.Ltmp3:
0x3a: {  	v2 =	vld [tilespmem:s15+$0x0];
	[tilespmem:s14+$0x0 ss:$0x81] =	vst.msk $0xffff, v0;
	s14 =	sadd.s32 s18, s13;
	(pc) =	sbr.rel @p1 .LBB1_3-.Ltmp3, $4  }
0x3b: {  	v3 =	vld [tilespmem:s15+$0x10];
	[tilespmem:s14+$0x3870 ss:$0x81] =	vst.msk $0xffff, v1  }
0x3c: {  	[tilespmem:s14+$0x810 ss:$0x81] =	vst.msk $0xffff, v5;
	v4 =	vld [tilespmem:s15+$0x20]  }
0x3d: {  	v0 =	vld [tilespmem:s15+$0xFFFFFFC0];
	[tilespmem:s14+$0x1020 ss:$0x81] =	vst.msk $0xffff, v6;
	s15 =	sadd.s32 $0x80, s15  }
0x3e: {  	s17 =	sadd.s32 $0x4, s17;
	v1 =	vld [tilespmem:s15+$0x30];
	[tilespmem:s14+$0x1830 ss:$0x81] =	vst.msk $0xffff, v7  }
0x3f: {  	v5 =	vld [tilespmem:s15+$0xFFFFFFD0];
	[tilespmem:s14+$0x2040 ss:$0x81] =	vst.msk $0xffff, v2  }
0x40: {  	v58 =	vld [tilespmem:s15+$0xFFFFFFE0];
	[tilespmem:s14+$0x2850 ss:$0x81] =	vst.msk $0xffff, v3  }
0x41: {  	s16 =	sshra.s32 s16, $0x2;
	v59 =	vld [tilespmem:s15+$0xFFFFFFF0];
	s17 =	sshll.u32 s11, $0x3;
	[tilespmem:s14+$0x3060 ss:$0x81] =	vst.msk $0xffff, v4  }
0x42: {  	v60 =	vld [tilespmem:s15+$0x0];
	s13 =	sadd.s32 s16, s13;
	s26 =	sshrl.u32 s17, $0xA;
	[tilespmem:s14+$0x0 ss:$0x81] =	vst.msk $0xffff, v0  }
0x43: {  	v61 =	vld [tilespmem:s15+$0x10];
	s14 =	smulhi.u32 $0x55E47D, s26;
	[tilespmem:s13+$0x3870 ss:$0x81] =	vst.msk $0xffff, v1  }
0x44: {  	v62 =	vld [tilespmem:s15+$0x20];
	s27 =	sand.u32 $0x7F, s11;
	[tilespmem:s13+$0x810 ss:$0x81] =	vst.msk $0xffff, v5  }
0x45: {  	v63 =	vld [tilespmem:s15+$0xFFFFFFC0];
	s28 =	sand.u32 $0xFFFFFC00, s17;
	[tilespmem:s13+$0x1020 ss:$0x81] =	vst.msk $0xffff, v58;
	s29 =	smul.u32 $0xBEC00, s14;
	s14 =	sand.u32 $0x7F, s14  }
0x46: {  	s11 =	sor.u32 s27, s28;
	[tilespmem:s13+$0x1830 ss:$0x81] =	vst.msk $0xffff, v59;
	s14 =	smul.u32 $0x17D80, s14  }
.Ltmp4:
0x47: {  	[tilespmem:s13+$0x2040 ss:$0x81] =	vst.msk $0xffff, v60;
	s11 =	ssub.s32 s11, s29;
	(pc) =	sbr.rel .LBB1_5-.Ltmp4, $4  }
0x48: {  	[tilespmem:s13+$0x2850 ss:$0x81] =	vst.msk $0xffff, v61;
	s30 =	sand.u32 $0x7, s11  }
0x49: {  	[tilespmem:s13+$0x3060 ss:$0x81] =	vst.msk $0xffff, v62;
	s11 =	sshrl.u32 s11, $0x3;
	s14 =	sadd.s32 s4, s14;
	s15 =	sshll.u32 s30, $0x12  }
0x4a: {  	[tilespmem:s13+$0x0 ss:$0x81] =	vst.msk $0xffff, v63;
	s11 =	sadd.s32 s11, s14;
	s31 =	sor.u32 $0x400, s15  }
0x4b: {  	[hbm4b:s11+s31] =	stream.strided.scatter [tilespmem:s12], [sflag:$0x2], $0x4000, s8, s31, $0x20;
	[tilespmem:$0x10100] =	vst v63  }
.LBB1_6:
0x4c: {  	_ =	sfence.sel $0x180000  }
0x4d: {  	s2 =	simm.s32 $0x1;
	[bflag:$0x0] =	sbarrier.arrive $0xFFFF  }
0x4e: {  	s31 =	simm.s32 $0x2;
	[sflag:s2] =	ssyncpa.u1 $0x1  }
0x4f: {  	[sflag:s31] =	ssyncpa.u1 $0x1  }
0x50: {  	p0 =	sne.s32 s1, $0x0;
	_ =	strace $0x90000047  }
0x51: {  	s0 =	sadd.s32 @!p0 $0x100000, s0;
	[bflag:$0x2] =	sbarrier.arrive $0xFFFF  }
0x52: {  	[sflag:s0] =	ssyncadd.tile.s32 @!p0 $0x1;
	_ =	shalt  }
.Lfunc_end1:
_tile_overlayer_lowered:
.L_overlay_start_2:
0x53: {  	(tag) =	ssettag $0x2  }
0x54: {  	s0 =	rddreg [dreg:$0x0];
	s2 =	stileid.u32  }
0x55: {  	s1 =	rddreg [dreg:$0x1];
	p0 =	sne.s32 s2, $0x0  }
0x56: {  	s3 =	rddreg [dreg:$0x2];
	[bflag:$0x3] =	sbarrier.arrive $0xFFFF;
	s2 =	simm.s32 @!p0 $0x1C01  }
0x57: {  	[timem:s3], [sflag:s2] =	dma.local @!p0 [hbm:s0], s1  }
0x58: {  	s0 =	simm.s32 @!p0 $0x1  }
0x59: {  	_ =	swait.ge @!p0 [sflag:s0], s1  }
0x5a: {  	s1 =	ssub.s32 @!p0 $0x0, s1;
	[sflag:s0] =	ssyncset.done @!p0 $0x0  }
0x5b: {  	[sflag:s0] =	ssyncadd.s32 @!p0 s1  }
0x5c: {  	[bflag:$0x3] =	sbarrier.arrive $0xFFFF  }
0x5d: {  	_ =	shalt  }

// kernel: sparse-core-data-format-call.cloned.1.call-start
scs
called_computation.1_lowered:
.L_overlay_start_0:
0x0: {  	s1 =	sld [smem:$0x3FD9]  }
0x1: {  	s2 =	sld [smem:$0x3FFE];
	_ =	sdelay $0x1  }
0x2: {  	s3 =	srdreg.scid  }
0x3: {  	s0 =	sand.u32 $0x1, s3  }
0x4: {  	s17 =	sshll.u32 s0, $0xA;
	s1 =	sadd.s32 s2, s1  }
0x5: {  	s1 =	sadd.s32 s1, s17  }
0x6: {  	[smem:$0x3FB5] =	sst s1  }
0x7: {  	_ = 	snop  }
0x8: {  	(tm) =	ssettm $0x1  }
0x9: {  	s18 =	sld [smem:$0x3FFB];
	_ =	sdelay $0x3  }
0xa: {  	_ =	strace s18  }
0xb: {  	s1 =	sld [smem:$0x3FFC];
	_ =	sdelay $0x3  }
0xc: {  	_ =	strace s1  }
0xd: {  	s1 =	sld [smem:$0x3FFD];
	_ =	sdelay $0x3  }
0xe: {  	_ =	strace s1  }
0xf: {  	_ =	strace $0x8FFFFFFF  }
0x10: {  	s19 =	sld [smem:$0x3FDB];
	_ =	sdelay $0x1  }
0x11: {  	s20 =	simm.s32 $_scs_section_size  }
0x12: {  	s4 =	simm.s32 $_size__tile_overlayer_lowered;
	s5 =	simm.s32 $_tile_overlayer_lowered  }
0x13: {  	s23 =	simm.s32 $0x1BFF;
	s22 =	sshll.u32 s5, $0x1;
	s1 =	sadd.s32 s20, s19  }
0x14: {  	s6 =	simm.s32 $0x0;
	s21 =	sshll.u32 s4, $0x1;
	s4 =	sadd.s32 s22, s1  }
0x15: {  	[timem:s6], [sflag:s23] =	dma.local [hbm:s4], s21  }
0x16: {  	_ =	swait.ge [sflag:s23], s21  }
0x17: {  	s2 =	ssub.s32 $0x0, s21;
	[sflag:s23] =	ssyncset.done $0x0  }
0x18: {  	[sflag:s23] =	ssyncadd.s32 s2;
	_ =	sdelay $0x1  }
0x19: {  	s24 =	simm.s32 $0x1B8B  }
0x1a: {  	_ =	swait.ge [sflag:s24], $0x1  }
0x1b: {  	[sflag:s24] =	ssyncset.done $0x0  }
0x1c: {  	s26 =	simm.s32 $0x1B8E;
	s25 =	sld [smem:$0x3FFE];
	[sflag:s24] =	ssyncadd.s32 $0xFFFFFFFF  }
0x1d: {  	s27 =	simm.s32 $execute0_lowered;
	[smem:$0x3FD2] =	sst s26  }
0x1e: {  	s4 =	sshll.u32 s27, $0x1;
	_ =	strace $0x80000049;
	[dreg:$0x1] =	wrdreg $0xFFFFFFFF  }
0x1f: {  	s28 =	simm.s32 $_size_execute0_lowered;
	s1 =	sadd.s32 s1, s4;
	[dreg:$0x0] =	wrdreg $0x0  }
0x20: {  	s4 =	sshll.u32 s28, $0x1;
	[dreg:$0x2] =	wrdreg s1  }
0x21: {  	[dreg:$0x3] =	wrdreg s4  }
0x22: {  	[dreg:$0x4] =	wrdreg $0xC0  }
0x23: {  	_ =	task [dreg:s6], $0x5FFFF  }
0x24: {  	[dreg:$0x1] =	wrdreg $0xFFFFFFFF  }
0x25: {  	[dreg:$0x0] =	wrdreg $0x60  }
0x26: {  	[dreg:$0x2] =	wrdreg s25  }
0x27: {  	[dreg:$0x3] =	wrdreg $0x9  }
0x28: {  	_ =	task.clear_ibuf [dreg:s6], $0x4FFFF;
	_ =	strace $0x90000049  }
0x29: {  	s29 =	simm.s32 $0x9;
	_ =	strace $0x8000004B  }
0x2a: {  	_ =	swait.ge [sflag:s29], $0x1  }
0x2b: {  	[sflag:s29] =	ssyncadd.s32 $0xFFFFFFFF  }
0x2c: {  	_ =	strace $0x9000004B  }
0x2d: {  	_ =	sfence  }
0x2e: {  	s30 =	sld [smem:$0x0];
	_ =	sdelay $0x2  }
0x2f: {  	s31 =	sshll.u32 s3, $0xD;
	s3 =	sshrl.u32 s3, $0x2  }
0x30: {  	s2 =	sand.u32 $0x4000, s31;
	s1 =	sadd.s32 s3, s30  }
0x31: {  	s0 =	sor.u32 s2, s0;
	s1 =	sshll.u32 s1, $0x11  }
0x32: {  	s0 =	sor.u32 s1, s0  }
0x33: {  	s0 =	sadd.s32 $0x8F2B, s0  }
0x34: {  	[sflag:s0] =	ssyncadd.remote.s32 $0x1  }
0x35: {  	_ =	sfence.sel $0xFFFF  }
0x36: {  	[dreg:$0x0] =	wrdreg $0xFFFFFFFF;
	(pc) =	sbr.abs _section_cstart, $3  }
0x37: {  	[dreg:$0x1] =	wrdreg $0xFFFFFFFF  }
0x38: {  	_ =	task.clear_ibuf [dreg:s6], $0x2FFFF;
	_ =	strace $0x9FFFFFFF  }
0x39: {  	(tm) =	ssettm $0x7FFFFFFF  }
tec
execute0_lowered:
.L_overlay_start_1:
0x0: {  	(tag) =	ssettag $0x1  }
0x1: {  	s0 =	srdreg.scid  }
0x2: {  	s4 =	rddreg [dreg:$0x0];
	s1 =	stileid.u32  }
0x3: {  	s5 =	simm.s32 $0x1;
	s7 =	simm.s32 $0x2;
	s14 =	simm.s32 $0x0  }
0x4: {  	p0 =	por $0x0, $0x0;
	s13 =	simm.s32 $0x0;
	s0 =	sshll.u32 s0, $0x4  }
0x5: {  	s8 =	simm.s32 $0x0;
	s9 =	simm.s32 $0x0;
	s2 =	sand.u32 $0x10, s0  }
.Ltmp0:
0x6: {  	s11 =	simm.s32 $0x0;
	s3 =	sor.u32 s1, s2;
	(pc) =	sbr.rel .LBB1_1-.Ltmp0, $4  }
0x7: {  	s0 =	rddreg [dreg:$0x1];
	_ =	strace $0x8000004A;
	s3 =	sshll.u32 s3, $0x7  }
0x8: {  	s12 =	simm.s32 $0x0;
	s2 =	sadd.s32 $0xC3D400, s4;
	s6 =	ssub.s32 $0xBEB80, s3  }
0x9: {  	s4 =	sadd.s32 $0x2F200, s4;
	[sflag:s5] =	ssyncpa.u1 $0x0;
	s6 =	sshrl.u32 s6, $0xC  }
0xa: {  	[sflag:s7] =	ssyncpa.u1 $0x0;
	s10 =	smov.u32 s3;
	s7 =	sadd.s32 $0x2, s6  }
.LBB1_5:
0xb: {  	p1 =	slt.u32 s12, $0x2  }
0xc: {  	p2 =	sgt.s32 @!p1 s14, $0xBEB48  }
0xd: {  	s15 =	smov.u32 s14;
	s16 =	sshra.s32 @!p1 s14, $0x1F;
	p2 =	por !p2, p1  }
0xe: {  	s14 =	sand.u32 @!p1 s16, s14;
	s15 =	simm.s32 @p2 $0xBEB48  }
0xf: {  	s14 =	ssub.s32 @!p1 s15, s14;
	s15 =	ssub.s32 @!p1 $0x0, s13  }
0x10: {  	s17 =	smov.u32 s11;
	s16 =	sadd.s32 @!p1 $0xFFF414B8, s14;
	s13 =	smin.u32 @!p1 s13, s15  }
0x11: {  	s14 =	ssub.s32 @!p1 $0xBEBC8, s14;
	p2 =	sgt.s32 @!p1 s16, $0x7F;
	p3 =	sgt.s32 @!p1 s13, $0x7F  }
0x12: {  	s13 =	ssub.s32 @!p1 $0x80, s13;
	p2 =	por !p2, p1;
	p3 =	por !p3, p1  }
0x13: {  	s15 =	sadd.s32 $0x1000, s10;
	s14 =	simm.s32 @!p2 $0x0;
	s13 =	simm.s32 @!p3 $0x0  }
0x14: {  	p2 =	sgt.s32 s15, $0xBEBC1;
	s13 =	smul.u32 @!p1 s13, s14;
	s14 =	sadd.s32 $0x80, s11  }
0x15: {  	s17 =	smov.u32 @p2 s14  }
0x16: {  	s15 =	smov.u32 @p2 s3;
	p2 =	sgt.s32 s17, $0x7F  }
0x17: {  	s17 =	simm.s32 @p2 $0x0;
	p2 =	sne.s32 s12, s7  }
.Ltmp1:
0x18: {  	p0 =	por !p0, !p0;
	s16 =	simm.s32 @!p1 $0x2;
	(pc) =	sbr.rel @!p2 .LBB1_6-.Ltmp1, $4  }
0x19: {  	s14 =	smov.u32 s8;
	s8 =	smov.u32 s10;
	s13 =	sand.u32 @!p1 $0x3FFFFFFF, s13  }
0x1a: {  	s10 =	smov.u32 s15;
	_ =	swait.ge @!p1 [sflag:s16], s13;
	s18 =	ssub.s32 @!p1 $0x0, s13  }
0x1b: {  	s13 =	smov.u32 s9;
	s12 =	sadd.s32 $0x1, s12;
	[sflag:s16] =	ssyncset.done @!p1 $0x0  }
0x1c: {  	s9 =	smov.u32 s11;
	s11 =	smov.u32 s17;
	[sflag:s16] =	ssyncadd.s32 @!p1 s18  }
.LBB1_1:
0x1d: {  	p1 =	sgt.u32 s12, s6  }
0x1e: {  	s15 =	sshrl.u32 @!p1 s11, $0x3  }
0x1f: {  	s16 =	sshll.u32 @!p1 s10, $0x3;
	s15 =	smul.u32 @!p1 $0x5F6000, s15  }
0x20: {  	s16 =	sand.u32 @!p1 $0xFFFFFC00, s16  }
0x21: {  	s15 =	sadd.s32 @!p1 s15, s16  }
0x22: {  	s16 =	sshrl.u32 @!p1 s15, $0xA  }
0x23: {  	s17 =	sshll.u32 @!p1 s11, $0x7;
	s16 =	smulhi.u32 @!p1 $0x55E47D, s16  }
0x24: {  	s18 =	sand.u32 @!p1 $0x7F, s10;
	s17 =	sand.u32 @!p1 $0x380, s17  }
0x25: {  	s17 =	sor.u32 @!p1 s18, s17;
	s18 =	smul.u32 @!p1 $0xBEC00, s16  }
0x26: {  	s15 =	sor.u32 @!p1 s15, s17;
	s17 =	sxor.u32 @!p1 $0xFFFFFFFF, s12  }
0x27: {  	s17 =	sshll.u32 @!p1 s17, $0xE;
	s16 =	sand.u32 @!p1 $0x7F, s16;
	s15 =	ssub.s32 @!p1 s15, s18  }
0x28: {  	s16 =	smul.u32 @!p1 $0x17D80, s16;
	s18 =	sshrl.u32 @!p1 s15, $0x3;
	s15 =	sand.u32 @!p1 $0x7, s15  }
0x29: {  	s17 =	sand.u32 @!p1 $0x4000, s17;
	s18 =	sadd.s32 @!p1 s2, s18;
	s15 =	sshll.u32 @!p1 s15, $0x12  }
0x2a: {  	s16 =	sadd.s32 @!p1 s16, s18;
	s15 =	sor.u32 @!p1 $0x400, s15;
	s18 =	simm.s32 @!p1 $0x5F6000  }
0x2b: {  	[tilespmem:s17], [sflag:$0x1] =	stream.strided.gather @!p1 [hbm4b:s16+s15], $0x4000, s18, s15, $0x38;
	[tilespmem:$0x10100] =	vst v63  }
0x2c: {  	p1 =	seq.s32 s12, $0x0  }
0x2d: {  	p2 =	sge.u32 @!p1 s12, s7  }
0x2e: {  	p1 =	por p1, p2  }
.Ltmp2:
0x2f: {  	_ = 	snop;
	(pc) =	sbr.rel @p1 .LBB1_5-.Ltmp2, $1  }
0x30: {  	_ =	sdelay $0x3  }
0x31: {  	s15 =	simm.s32 $0x1  }
0x32: {  	_ =	swait.ge [sflag:s5], $0x4000;
	s15 =	simm.s32 @!p0 $0x0  }
0x33: {  	[sflag:s5] =	ssyncset.done $0x0;
	s16 =	sshll.u32 s15, $0xE  }
0x34: {  	[sflag:s5] =	ssyncadd.s32 $0xFFFFC000;
	s16 =	sor.u32 $0x40, s16  }
0x35: {  	s15 =	smul.u32 $0x10200, s15;
	v0 =	vld [tilespmem:s16+$0x30]  }
0x36: {  	v1 =	vld [tilespmem:s16+$0xFFFFFFD0]  }
0x37: {  	s15 =	sshrl.u32 s15, $0x2;
	v5 =	vld [tilespmem:s16+$0xFFFFFFE0]  }
0x38: {  	v6 =	vld [tilespmem:s16+$0xFFFFFFF0];
	s18 =	sor.u32 $0x8000, s15  }
0x39: {  	s31 =	sand.u32 $0x1, s12;
	v4 =	vld [tilespmem:s16+$0x0];
	s17 =	sadd.s32 $0x0, s18  }
0x3a: {  	v3 =	vld [tilespmem:s16+$0x10];
	s15 =	smul.u32 $0x10200, s31;
	[tilespmem:s17+$0x3870 ss:$0x81] =	vst.msk $0xffff, v0  }
0x3b: {  	v2 =	vld [tilespmem:s16+$0x20];
	[tilespmem:s17+$0x810 ss:$0x81] =	vst.msk $0xffff, v1  }
0x3c: {  	s15 =	sshrl.u32 s15, $0x2;
	v0 =	vld [tilespmem:s16+$0xFFFFFFC0];
	[tilespmem:s17+$0x1020 ss:$0x81] =	vst.msk $0xffff, v5;
	s16 =	sadd.s32 $0x80, s16  }
0x3d: {  	s19 =	simm.s32 $0x4;
	s20 =	simm.s32 $0x8;
	s15 =	sor.u32 $0x8000, s15;
	[tilespmem:s17+$0x1830 ss:$0x81] =	vst.msk $0xffff, v6;
	v1 =	vld [tilespmem:s16+$0x30]  }
.LBB1_3:
0x3e: {  	p1 =	sne.s32 s20, $0x1FC;
	v5 =	vld [tilespmem:s16+$0xFFFFFFD0];
	[tilespmem:s17+$0x2040 ss:$0x81] =	vst.msk $0xffff, v4  }
0x3f: {  	v6 =	vld [tilespmem:s16+$0xFFFFFFE0];
	[tilespmem:s17+$0x2850 ss:$0x81] =	vst.msk $0xffff, v3  }
0x40: {  	s21 =	sshra.s32 s19, $0x2;
	s19 =	smov.u32 s20;
	v7 =	vld [tilespmem:s16+$0xFFFFFFF0];
	[tilespmem:s17+$0x3060 ss:$0x81] =	vst.msk $0xffff, v2  }
.Ltmp3:
0x41: {  	v4 =	vld [tilespmem:s16+$0x0];
	[tilespmem:s17+$0x0 ss:$0x81] =	vst.msk $0xffff, v0;
	s17 =	sadd.s32 s21, s18;
	(pc) =	sbr.rel @p1 .LBB1_3-.Ltmp3, $4  }
0x42: {  	v3 =	vld [tilespmem:s16+$0x10];
	[tilespmem:s17+$0x3870 ss:$0x81] =	vst.msk $0xffff, v1  }
0x43: {  	[tilespmem:s17+$0x810 ss:$0x81] =	vst.msk $0xffff, v5;
	v2 =	vld [tilespmem:s16+$0x20]  }
0x44: {  	v0 =	vld [tilespmem:s16+$0xFFFFFFC0];
	[tilespmem:s17+$0x1020 ss:$0x81] =	vst.msk $0xffff, v6;
	s16 =	sadd.s32 $0x80, s16  }
0x45: {  	s20 =	sadd.s32 $0x4, s20;
	v1 =	vld [tilespmem:s16+$0x30];
	[tilespmem:s17+$0x1830 ss:$0x81] =	vst.msk $0xffff, v7  }
0x46: {  	s20 =	sshll.u32 s8, $0x7;
	s21 =	sshll.u32 s9, $0x3;
	s19 =	sshra.s32 s19, $0x2  }
0x47: {  	v5 =	vld [tilespmem:s16+$0xFFFFFFD0];
	[tilespmem:s17+$0x2040 ss:$0x81] =	vst.msk $0xffff, v4;
	p1 =	sgt.s32 s8, $0xBEB48;
	s22 =	sand.u32 $0xFFFFFC00, s20;
	s21 =	sand.u32 $0xFFFFFC00, s21  }
0x48: {  	v58 =	vld [tilespmem:s16+$0xFFFFFFE0];
	s24 =	sshra.s32 s8, $0x1F;
	s20 =	sand.u32 $0x380, s20;
	[tilespmem:s17+$0x2850 ss:$0x81] =	vst.msk $0xffff, v3;
	s21 =	sadd.s32 s21, s22  }
0x49: {  	v59 =	vld [tilespmem:s16+$0xFFFFFFF0];
	s26 =	ssub.s32 $0x0, s9;
	s18 =	sadd.s32 s19, s18;
	[tilespmem:s17+$0x3060 ss:$0x81] =	vst.msk $0xffff, v2;
	s23 =	sor.u32 s20, s21  }
0x4a: {  	v60 =	vld [tilespmem:s16+$0x0];
	s28 =	smin.u32 s9, s26;
	s20 =	smov.u32 s8;
	[tilespmem:s17+$0x0 ss:$0x81] =	vst.msk $0xffff, v0;
	s19 =	sshrl.u32 s23, $0x7  }
0x4b: {  	v61 =	vld [tilespmem:s16+$0x10];
	s21 =	sand.u32 s24, s8;
	s20 =	simm.s32 @!p1 $0xBEB48;
	[tilespmem:s18+$0x3870 ss:$0x81] =	vst.msk $0xffff, v1;
	s25 =	smulhi.u32 $0x2AF3083, s19  }
0x4c: {  	v62 =	vld [tilespmem:s16+$0x20];
	s29 =	sshrl.u32 s9, $0x3;
	p2 =	sgt.s32 s28, $0x7F;
	s20 =	ssub.s32 s20, s21;
	[tilespmem:s18+$0x810 ss:$0x81] =	vst.msk $0xffff, v5  }
0x4d: {  	v63 =	vld [tilespmem:s16+$0xFFFFFFC0];
	[tilespmem:s18+$0x1020 ss:$0x81] =	vst.msk $0xffff, v58;
	s21 =	sadd.s32 $0xFFF414B8, s20;
	s20 =	ssub.s32 $0xBEBC8, s20;
	s17 =	sshrl.u32 s25, $0xD  }
0x4e: {  	[tilespmem:s18+$0x1830 ss:$0x81] =	vst.msk $0xffff, v59;
	p1 =	sgt.s32 s21, $0x7F;
	s27 =	smul.u32 $0xBEBC8, s17;
	s17 =	ssub.s32 $0x80, s28  }
.Ltmp4:
0x4f: {  	[tilespmem:s18+$0x2040 ss:$0x81] =	vst.msk $0xffff, v60;
	s20 =	simm.s32 @p1 $0x0;
	s17 =	simm.s32 @p2 $0x0;
	(pc) =	sbr.rel .LBB1_5-.Ltmp4, $4  }
0x50: {  	s30 =	sand.u32 $0xF, s29;
	[tilespmem:s18+$0x2850 ss:$0x81] =	vst.msk $0xffff, v61;
	s16 =	ssub.s32 s19, s27;
	s17 =	smul.u32 s17, s20  }
0x51: {  	[tilespmem:s18+$0x3060 ss:$0x81] =	vst.msk $0xffff, v62;
	s19 =	sadd.s32 s4, s30;
	s16 =	sshll.u32 s16, $0x4  }
0x52: {  	s31 =	sand.u32 $0x7, s9;
	[tilespmem:s18+$0x0 ss:$0x81] =	vst.msk $0xffff, v63;
	s17 =	sand.u32 $0x3FFFFFFF, s17;
	s16 =	sadd.s32 s16, s19  }
0x53: {  	[hbm4b:s16+s31] =	stream.linear.scatter [tilespmem:s15], [sflag:$0x2], s17, $0x20;
	[tilespmem:$0x10100] =	vst v63  }
.LBB1_6:
0x54: {  	_ =	sfence.sel $0x180000  }
0x55: {  	s2 =	simm.s32 $0x1;
	[bflag:$0x0] =	sbarrier.arrive $0xFFFF  }
0x56: {  	s31 =	simm.s32 $0x2;
	[sflag:s2] =	ssyncpa.u1 $0x1  }
0x57: {  	[sflag:s31] =	ssyncpa.u1 $0x1  }
0x58: {  	p0 =	sne.s32 s1, $0x0;
	_ =	strace $0x9000004A  }
0x59: {  	s0 =	sadd.s32 @!p0 $0x100000, s0;
	[bflag:$0x2] =	sbarrier.arrive $0xFFFF  }
0x5a: {  	[sflag:s0] =	ssyncadd.tile.s32 @!p0 $0x1;
	_ =	shalt  }
.Lfunc_end1:
_tile_overlayer_lowered:
.L_overlay_start_2:
0x5b: {  	(tag) =	ssettag $0x2  }
0x5c: {  	s0 =	rddreg [dreg:$0x0];
	s2 =	stileid.u32  }
0x5d: {  	s1 =	rddreg [dreg:$0x1];
	p0 =	sne.s32 s2, $0x0  }
0x5e: {  	s3 =	rddreg [dreg:$0x2];
	[bflag:$0x3] =	sbarrier.arrive $0xFFFF;
	s2 =	simm.s32 @!p0 $0x1C01  }
0x5f: {  	[timem:s3], [sflag:s2] =	dma.local @!p0 [hbm:s0], s1  }
0x60: {  	s0 =	simm.s32 @!p0 $0x1  }
0x61: {  	_ =	swait.ge @!p0 [sflag:s0], s1  }
0x62: {  	s1 =	ssub.s32 @!p0 $0x0, s1;
	[sflag:s0] =	ssyncset.done @!p0 $0x0  }
0x63: {  	[sflag:s0] =	ssyncadd.s32 @!p0 s1  }
0x64: {  	[bflag:$0x3] =	sbarrier.arrive $0xFFFF  }
0x65: {  	_ =	shalt  }

</sc_bundles>
